<compile_context>
chip_gen: v7x
topology: tpu7x:2x2x1
jax: 0.10.2.dev20260603
libtpu: 0.0.44.dev20260713+nightly
codegen_flags: <defaults>
</compile_context>

<pallas_src>
import functools

import jax
import jax.numpy as jnp
from jax import lax
from jax.experimental import pallas as pl
from jax.experimental.pallas import tpu as pltpu
from jax.experimental.pallas import tpu_sc as plsc

HIGHEST = jax.lax.Precision.HIGHEST
F32 = jnp.float32
I32 = jnp.int32


def _mm(a, b, dims, prec=jax.lax.Precision.DEFAULT):
    return jax.lax.dot_general(a, b, (dims, ((), ())), precision=prec)



def _sel_kernel(xt_ref, bnd_ref, w1_ref, b1_ref, w2_ref, b2_ref,
                imp_ref, selm_ref, bounds_ref, *, N, K):
    h1t = _mm(w1_ref[...], xt_ref[0], ((1,), (0,)), HIGHEST) + b1_ref[...]
    h1t = h1t * F32(0.5) * (F32(1.0) + jax.lax.erf(h1t * F32(0.7071067811865476)))
    logit = _mm(w2_ref[...], h1t, ((1,), (0,)), HIGHEST) + b2_ref[...]
    imp = jax.nn.sigmoid(logit) + F32(0.5) * bnd_ref[0]
    imp_ref[0] = imp

    bits = jax.lax.bitcast_convert_type(imp, I32)

    def cnt_ge(thr):
        return jnp.sum((bits >= thr).astype(I32))

    def t_body(i, t):
        cand = t | (I32(1) << (I32(30) - i))
        return jnp.where(cnt_ge(cand) >= K, cand, t)

    t = jax.lax.fori_loop(0, 31, t_body, I32(0))
    need = K - cnt_ge(t + 1)

    idx_row = jax.lax.broadcasted_iota(I32, (1, N), 1)
    key = jnp.where(bits == t, I32(N - 1) - idx_row, I32(-1))

    def th_body(i, th):
        cand = th | (I32(1) << (I32(11) - i))
        return jnp.where(jnp.sum((key >= cand).astype(I32)) >= need, cand, th)

    th2 = jax.lax.fori_loop(0, 12, th_body, I32(0))
    sel_row = ((bits > t) | (key >= th2)).astype(F32)
    selm_ref[0] = sel_row

    sel32 = sel_row.reshape(N // 128, 128)
    NT2 = N // 128
    lane_i = jax.lax.broadcasted_iota(I32, (128, 128), 0)
    lane_j = jax.lax.broadcasted_iota(I32, (128, 128), 1)
    Ustrict = (lane_i < lane_j).astype(F32)
    prefix_in = _mm(sel32, Ustrict, ((1,), (0,)))
    rowsum = jnp.sum(sel32, axis=1, keepdims=True)
    row_i = jax.lax.broadcasted_iota(I32, (NT2, NT2), 0)
    row_j = jax.lax.broadcasted_iota(I32, (NT2, NT2), 1)
    Lstrict = (row_j < row_i).astype(F32)
    offs = _mm(Lstrict, rowsum, ((1,), (0,)))
    bounds_ref[0] = jnp.concatenate(
        [offs, offs + prefix_in[:, 64:65]], axis=1)



def _attn_kernel(xs_ref, wq_ref, bq_ref, wk_ref, bk_ref, wv_ref, bv_ref,
                 wo_ref, bo_ref, lng_ref, lnb_ref,
                 enh_ref, q_ref, k_ref, v_ref, ctx_ref, *, K, heads, hd):
    C = wq_ref.shape[1]
    scale = F32(hd) ** -0.5

    def lin(a, w_ref, b_ref):
        return _mm(a, w_ref[...], ((1,), (1,))) + b_ref[...]

    xs = xs_ref[0, :, 0:C]
    q_ref[...] = lin(xs, wq_ref, bq_ref)
    k_ref[...] = lin(xs, wk_ref, bk_ref)
    v_ref[...] = lin(xs, wv_ref, bv_ref)
    ctx_ref[...] = jnp.zeros((K, C), dtype=F32)
    col = jax.lax.broadcasted_iota(I32, (1, C), 1)

    def head_body(h, carry):
        hm = ((col >= h * hd) & (col < (h + 1) * hd)).astype(F32)
        e = jnp.exp(_mm(q_ref[...] * hm, k_ref[...], ((1,), (1,))) * scale)
        ctx = _mm(e, v_ref[...] * hm, ((1,), (0,)))
        ctx_ref[...] += ctx / jnp.sum(e, axis=1, keepdims=True)
        return carry

    jax.lax.fori_loop(0, heads, head_body, 0)

    y = lin(ctx_ref[...], wo_ref, bo_ref) + xs
    mu = jnp.mean(y, axis=1, keepdims=True)
    var = jnp.mean((y - mu) ** 2, axis=1, keepdims=True)
    enh = (y - mu) * jax.lax.rsqrt(var + F32(1e-5)) * lng_ref[...] + lnb_ref[...]
    CP = enh_ref.shape[2]
    enh_ref[0, :K, :] = jnp.concatenate(
        [enh, jnp.zeros((K, CP - C), F32)], axis=1)



def _make_sc_kernels(B, N, K, C, NT):
    CP = 128
    NC, NS = 2, 16
    NW = NC * NS
    SLOTS = K // NW
    TOK = N // NW
    NP = N + 64
    mesh = plsc.VectorSubcoreMesh(core_axis_name="c", subcore_axis_name="s")

    @functools.partial(
        pl.kernel, mesh=mesh,
        compiler_params=pltpu.CompilerParams(needs_layout_passes=False),
        out_type=jax.ShapeDtypeStruct((B * K,), I32),
        scratch_types=[pltpu.VMEM((N,), F32), pltpu.VMEM((K + 16,), I32)],
    )
    def compact(selm_hbm, idx_hbm, maskv, idxbuf):
        iota16 = lax.iota(I32, 16)
        wid = lax.axis_index("s") * NC + lax.axis_index("c")

        @pl.when(wid < B)
        def _():
            b = wid
            pltpu.sync_copy(selm_hbm.at[pl.ds(b * N, N)], maskv)

            def body(cvec, cursor):
                mi = maskv[pl.ds(cvec * 16, 16)].astype(I32)
                vals = iota16 + (cvec * 16 + b * N)
                pos = (mi * (cursor + plsc.cumsum(mi) - 1)
                       + (1 - mi) * I32(K + 15))
                plsc.store_scatter(idxbuf, [pos], vals)
                return cursor + jnp.sum(mi)

            jax.lax.fori_loop(0, N // 16, body, I32(0))
            pltpu.sync_copy(idxbuf.at[pl.ds(0, K)],
                            idx_hbm.at[pl.ds(b * K, K)])

    @functools.partial(
        pl.kernel, mesh=mesh,
        compiler_params=pltpu.CompilerParams(needs_layout_passes=False),
        out_type=jax.ShapeDtypeStruct((B * K, CP), F32),
        scratch_types=[pltpu.VMEM((SLOTS,), I32), pltpu.VMEM((SLOTS, CP), F32),
                       pltpu.SemaphoreType.DMA],
    )
    def gather(x_hbm, idx_hbm, xs_hbm, idx_v, rows_v, sem):
        wid = lax.axis_index("s") * NC + lax.axis_index("c")
        for b in range(B):
            base = b * K + wid * SLOTS
            pltpu.sync_copy(idx_hbm.at[pl.ds(base, SLOTS)], idx_v)
            pltpu.async_copy(x_hbm.at[idx_v], rows_v, sem).wait()
            pltpu.sync_copy(rows_v, xs_hbm.at[pl.ds(base, SLOTS)])

    RT = 64
    NR = N // RT
    WR = RT + 16
    ENHR = K + N // 16

    @functools.partial(
        pl.kernel, mesh=mesh,
        compiler_params=pltpu.CompilerParams(needs_layout_passes=False),
        out_type=jax.ShapeDtypeStruct((B * NP, CP), F32),
        scratch_types=[pltpu.VMEM((RT,), F32),
                       pltpu.VMEM((NT,), F32),
                       pltpu.VMEM((WR,), I32),
                       pltpu.VMEM((RT, CP), F32),
                       pltpu.VMEM((WR, CP), F32),
                       pltpu.SemaphoreType.DMA],
    )
    def scatter(x_hbm, selm_hbm, bounds_hbm, enh_hbm, out_hbm,
                maskv, bv, destv, xbuf, ebuf, sem):
        iota16 = lax.iota(I32, 16)
        wid = lax.axis_index("s") * NC + lax.axis_index("c")
        for b in range(B):
            pltpu.sync_copy(bounds_hbm.at[pl.ds(b * NT, NT)], bv)
            for gi in range(NR // NW):
                g = wid + gi * NW
                tok0 = b * N + g * RT
                pltpu.sync_copy(x_hbm.at[pl.ds(tok0, RT), :], xbuf)
                pltpu.sync_copy(xbuf,
                                out_hbm.at[pl.ds(b * NP + g * RT, RT), :])
                lo = I32(0)
                for v in range(NT // 16):
                    hit = (1 - jnp.minimum(jnp.abs(iota16 + v * 16 - g), 1))
                    lo = lo + jnp.sum(bv[pl.ds(v * 16, 16)].astype(I32)
                                      * hit)
                lo_al = (lo // 8) * 8
                sh = lo - lo_al
                pltpu.sync_copy(selm_hbm.at[pl.ds(tok0, RT)], maskv)
                dump = b * NP + N + g
                for cvec in range(WR // 16):
                    destv[pl.ds(cvec * 16, 16)] = jnp.full((16,), dump, I32)

                def body(cvec, cursor):
                    mi = maskv[pl.ds(cvec * 16, 16)].astype(I32)
                    vals = (mi * (iota16 + (cvec * 16 + b * NP + g * RT))
                            + (1 - mi) * dump)
                    pos = (mi * (sh + cursor + plsc.cumsum(mi) - 1)
                           + (1 - mi) * I32(WR - 1))
                    plsc.store_scatter(destv, [pos], vals)
                    return cursor + jnp.sum(mi)

                jax.lax.fori_loop(0, RT // 16, body, I32(0))
                pltpu.sync_copy(
                    enh_hbm.at[pl.ds(b * ENHR + lo_al, WR), :], ebuf)
                pltpu.async_copy(ebuf, out_hbm.at[destv], sem).wait()

    return compact, gather, scatter



def kernel(x, boundary_map, w_imp1, b_imp1, w_imp2, b_imp2,
           Wq, bq, Wk, bk, Wv, bv, Wo, bo, ln_g, ln_b):
    B, C, H, W = x.shape
    N = H * W
    K = max(int(N * 0.25), 1)
    heads = 8
    hd = C // heads
    NT = N // 64
    NP = N + 64

    x_t = x.reshape(B, C, N)
    CP = 128
    x2d = jnp.pad(jnp.transpose(x_t, (0, 2, 1)).reshape(B * N, C),
                  ((0, 0), (0, CP - C)))
    bnd = boundary_map.reshape(B, 1, N)

    full = lambda s: pl.BlockSpec(s, lambda b: (0,) * len(s))
    imp, selm, bounds = pl.pallas_call(
        functools.partial(_sel_kernel, N=N, K=K),
        grid=(B,),
        in_specs=[
            pl.BlockSpec((1, C, N), lambda b: (b, 0, 0)),
            pl.BlockSpec((1, 1, N), lambda b: (b, 0, 0)),
            full((C // 4, C)), full((C // 4, 1)),
            full((1, C // 4)), full((1, 1)),
        ],
        out_specs=[
            pl.BlockSpec((1, 1, N), lambda b: (b, 0, 0)),
            pl.BlockSpec((1, 1, N), lambda b: (b, 0, 0)),
            pl.BlockSpec((1, NT // 2, 2), lambda b: (b, 0, 0)),
        ],
        out_shape=[
            jax.ShapeDtypeStruct((B, 1, N), F32),
            jax.ShapeDtypeStruct((B, 1, N), F32),
            jax.ShapeDtypeStruct((B, NT // 2, 2), F32),
        ],
        compiler_params=pltpu.CompilerParams(
            dimension_semantics=("parallel",)),
    )(x_t, bnd, w_imp1, b_imp1.reshape(-1, 1), w_imp2, b_imp2.reshape(1, 1))

    compact, gather, scatter = _make_sc_kernels(B, N, K, C, NT)
    selm1d = selm.reshape(B * N)
    idx = compact(selm1d)
    xs2d = gather(x2d, idx)

    enh = pl.pallas_call(
        functools.partial(_attn_kernel, K=K, heads=heads, hd=hd),
        grid=(B,),
        in_specs=[
            pl.BlockSpec((1, K, CP), lambda b: (b, 0, 0)),
            full((C, C)), full((1, C)),
            full((C, C)), full((1, C)),
            full((C, C)), full((1, C)),
            full((C, C)), full((1, C)),
            full((1, C)), full((1, C)),
        ],
        out_specs=[pl.BlockSpec((1, K + N // 16, CP), lambda b: (b, 0, 0))],
        out_shape=[jax.ShapeDtypeStruct((B, K + N // 16, CP), F32)],
        compiler_params=pltpu.CompilerParams(
            dimension_semantics=("parallel",)),
        scratch_shapes=[pltpu.VMEM((K, C), F32)] * 4,
    )(xs2d.reshape(B, K, CP),
      Wq, bq.reshape(1, -1), Wk, bk.reshape(1, -1), Wv, bv.reshape(1, -1),
      Wo, bo.reshape(1, -1), ln_g.reshape(1, -1), ln_b.reshape(1, -1))[0]

    out2d = scatter(x2d, selm1d, bounds.reshape(B * NT),
                    enh.reshape(B * (K + N // 16), CP))
    out_flat = out2d.reshape(B, NP, CP)[:, :N, :C]
    out = jnp.transpose(out_flat.reshape(B, H, W, C), (0, 3, 1, 2))
    importance = imp.reshape(B, 1, H, W)
    return (out, importance)

# --- scband reference (transcript-rebuilt; emitter-appended) ---
"""Pipeline reference for scband-dsa-5866925326622 (READ-ONLY COPY).

The authoritative reference and input builder live on the scoring server;
editing this copy changes nothing except your own understanding.
"""

import jax, jax.numpy as jnp
import numpy as np

DIM = 96
HEADS = 8
HD = DIM // HEADS
SCALE = HD ** (-0.5)
RATIO = 0.25
BW = 0.5


def _lin(k, o, i):
    bound = 1.0 / np.sqrt(i)
    return jax.random.uniform(k, (o, i), minval=-bound, maxval=bound, dtype=jnp.float32)


def setup_inputs(seed: int = 0) -> dict:
    key = jax.random.key(seed)
    ks = jax.random.split(key, 12)
    B, C, H, W = 2, 96, 64, 64
    inp = {}
    inp['x'] = jax.random.normal(ks[0], (B, C, H, W), dtype=jnp.float32)
    inp['boundary_map'] = jax.random.uniform(ks[1], (B, 1, H, W), dtype=jnp.float32)
    # importance_net: Conv2d(96,24,1) -> GELU -> Conv2d(24,1,1) -> Sigmoid (1x1 convs stored as [O,C])
    inp['w_imp1'] = _lin(ks[2], DIM // 4, DIM)
    inp['b_imp1'] = jnp.zeros((DIM // 4,), dtype=jnp.float32)
    inp['w_imp2'] = _lin(ks[3], 1, DIM // 4)
    inp['b_imp2'] = jnp.zeros((1,), dtype=jnp.float32)
    inp['Wq'] = _lin(ks[4], DIM, DIM); inp['bq'] = jnp.zeros((DIM,), dtype=jnp.float32)
    inp['Wk'] = _lin(ks[5], DIM, DIM); inp['bk'] = jnp.zeros((DIM,), dtype=jnp.float32)
    inp['Wv'] = _lin(ks[6], DIM, DIM); inp['bv'] = jnp.zeros((DIM,), dtype=jnp.float32)
    # out_proj: xavier_uniform gain=0.1, zero bias
    xav = 0.1 * np.sqrt(6.0 / (DIM + DIM))
    inp['Wo'] = jax.random.uniform(ks[7], (DIM, DIM), minval=-xav, maxval=xav, dtype=jnp.float32)
    inp['bo'] = jnp.zeros((DIM,), dtype=jnp.float32)
    inp['ln_g'] = jnp.ones((DIM,), dtype=jnp.float32)
    inp['ln_b'] = jnp.zeros((DIM,), dtype=jnp.float32)
    return inp


def reference(x, boundary_map, w_imp1, b_imp1, w_imp2, b_imp2, Wq, bq, Wk, bk, Wv, bv, Wo, bo, ln_g, ln_b):
    B, C, H, W = x.shape
    N = H * W
    K = max(int(N * RATIO), 1)
    # importance_net (1x1 convs == channel-wise linear)
    h1 = jnp.einsum('bchw,oc->bohw', x, w_imp1) + b_imp1[None, :, None, None]
    h1 = jax.nn.gelu(h1, approximate=False)
    imp = jnp.einsum('bchw,oc->bohw', h1, w_imp2) + b_imp2[None, :, None, None]
    imp = jax.nn.sigmoid(imp)
    importance = imp + BW * boundary_map
    _, top_idx = jax.lax.top_k(importance.reshape(B, N), K)
    x_flat = jnp.transpose(x, (0, 2, 3, 1)).reshape(B, N, C)
    x_sparse = jnp.take_along_axis(x_flat, top_idx[:, :, None], axis=1)
    q = (x_sparse @ Wq.T + bq).reshape(B, K, HEADS, HD).transpose(0, 2, 1, 3)
    k_ = (x_sparse @ Wk.T + bk).reshape(B, K, HEADS, HD).transpose(0, 2, 1, 3)
    v = (x_sparse @ Wv.T + bv).reshape(B, K, HEADS, HD).transpose(0, 2, 1, 3)
    attn = jax.nn.softmax(jnp.einsum('bhid,bhjd->bhij', q, k_) * SCALE, axis=-1)
    ctx = jnp.einsum('bhij,bhjd->bhid', attn, v).transpose(0, 2, 1, 3).reshape(B, K, C)
    out_sparse = ctx @ Wo.T + bo
    y = out_sparse + x_sparse
    mu = jnp.mean(y, axis=-1, keepdims=True)
    var = jnp.var(y, axis=-1, keepdims=True)
    enhanced = (y - mu) / jnp.sqrt(var + 1e-5) * ln_g + ln_b
    out_full = x_flat.at[jnp.arange(B)[:, None], top_idx].set(enhanced)
    out = out_full.reshape(B, H, W, C).transpose(0, 3, 1, 2)
    return (out, importance)

if __name__ == "__main__":
    import jax
    _d = setup_inputs()
    print(jax.jit(kernel)(*tuple(_d.values())))

</pallas_src>

<mosaic_0001>
#map = affine_map<(d0, d1) -> (0)>
module attributes {stable_mosaic.version = 14 : i64} {
  func.func @compact(%arg0: i32, %arg1: i32, %arg2: memref<8192xf32, #tpu.memory_space<hbm>>, %arg3: memref<2048xi32, #tpu.memory_space<hbm>>, %arg4: memref<4096xf32, #tpu.memory_space<vmem>>, %arg5: memref<1040xi32, #tpu.memory_space<vmem>>) attributes {dimension_semantics = [#tpu.dimension_semantics<core_parallel>, #tpu.dimension_semantics<subcore_parallel>], iteration_bounds = array<i64: 2, 16>, scalar_prefetch = 0 : i64, scratch_operands = 2 : i64, tpu.core_type = #tpu.core_type<sc_vector_subcore>, window_params = [{transform_indices = #map}, {transform_indices = #map}]} {
    %iota3A = tpu.iota {dimensions = array<i32: 0>} : vector<16xi32>
    %mul3A = arith.constant 2 : i32
    %mul3A_0 = arith.muli %arg1, %mul3A : i32
    %add3A = arith.addi %mul3A_0, %arg0 : i32
    %lt3A = arith.constant 2 : i32
    %lt3A_1 = arith.cmpi slt, %add3A, %lt3A : i32
    %convert_element_type3A = arith.extui %lt3A_1 : i1 to i32
    %cond3A = arith.constant 0 : i32
    %cond3A_2 = arith.cmpi ne, %convert_element_type3A, %cond3A : i32
    scf.if %cond3A_2 {
      %mul3A_3 = arith.constant 4096 : i32
      %mul3A_4 = arith.muli %add3A, %mul3A_3 : i32
      "tpu.region"() ({
        %run_scoped3A = tpu.sem_alloc : memref<!tpu.dma_semaphore, #tpu.memory_space<semaphore_mem>>
        %dma_start3A = tpu.memref_slice %arg2[%mul3A_4] : memref<8192xf32, #tpu.memory_space<hbm>> -> memref<4096xf32, #tpu.memory_space<hbm>>
        %dma_start3A_13 = tpu.memref_slice %arg2[%mul3A_4] : memref<8192xf32, #tpu.memory_space<hbm>> -> memref<4096xf32, #tpu.memory_space<hbm>>
        tpu.enqueue_dma source(%dma_start3A_13 : memref<4096xf32, #tpu.memory_space<hbm>>) target(%arg4 : memref<4096xf32, #tpu.memory_space<vmem>>) target_semaphore(%run_scoped3A : memref<!tpu.dma_semaphore, #tpu.memory_space<semaphore_mem>>)
        %dma_wait3A = tpu.memref_slice %arg2[%mul3A_4] : memref<8192xf32, #tpu.memory_space<hbm>> -> memref<4096xf32, #tpu.memory_space<hbm>>
        %dma_wait3A_14 = tpu.memref_slice %arg2[%mul3A_4] : memref<8192xf32, #tpu.memory_space<hbm>> -> memref<4096xf32, #tpu.memory_space<hbm>>
        tpu.wait_dma2 semaphore(%run_scoped3A : memref<!tpu.dma_semaphore, #tpu.memory_space<semaphore_mem>>) src(%dma_wait3A_14 : memref<4096xf32, #tpu.memory_space<hbm>>) dst(%arg4 : memref<4096xf32, #tpu.memory_space<vmem>>)
        tpu.yield
      }) : () -> ()
      %scan3A = arith.constant 0 : i32
      %scan3A_5 = arith.constant 0 : i32
      %scan3A_6 = arith.constant 256 : i32
      %scan3A_7 = arith.addi %scan3A_5, %scan3A_6 : i32
      %scan3A_8 = arith.constant 1 : i32
      %scan3A_9 = scf.for %scan3A_13 = %scan3A_5 to %scan3A_7 step %scan3A_8 iter_args(%scan3A_14 = %scan3A) -> (i32)  : i32 {
        %mul3A_15 = arith.constant 16 : i32
        %mul3A_16 = arith.muli %scan3A_13, %mul3A_15 : i32
        %get3A = arith.index_cast %mul3A_16 : i32 to index
        %get3A_17 = tpu.vector_load %arg4[%get3A] {strides = array<i32>} : memref<4096xf32, #tpu.memory_space<vmem>>, vector<16xf32>,
        %convert_element_type3A_18 = arith.fptosi %get3A_17 : vector<16xf32> to vector<16xi32>
        %mul3A_19 = arith.constant 16 : i32
        %mul3A_20 = arith.muli %scan3A_13, %mul3A_19 : i32
        %mul3A_21 = arith.constant 4096 : i32
        %mul3A_22 = arith.muli %add3A, %mul3A_21 : i32
        %add3A_23 = arith.addi %mul3A_20, %mul3A_22 : i32
        %add3A_24 = vector.broadcast %add3A_23 : i32 to vector<16xi32>
        %add3A_25 = arith.addi %iota3A, %add3A_24 : vector<16xi32>
        %broadcast_in_dim3A = arith.constant true
        %broadcast_in_dim3A_26 = vector.broadcast %broadcast_in_dim3A : i1 to vector<16xi1>
        %masked_cumsum3A = tpu.scan <sum>, %convert_element_type3A_18 masked %broadcast_in_dim3A_26 : vector<16xi32>, vector<16xi1> -> vector<16xi32>
        %add3A_27 = vector.broadcast %scan3A_14 : i32 to vector<16xi32>
        %add3A_28 = arith.addi %add3A_27, %masked_cumsum3A : vector<16xi32>
        %sub3A = arith.constant 1 : i32
        %sub3A_29 = vector.broadcast %sub3A : i32 to vector<16xi32>
        %sub3A_30 = arith.subi %add3A_28, %sub3A_29 : vector<16xi32>
        %mul3A_31 = arith.muli %convert_element_type3A_18, %sub3A_30 : vector<16xi32>
        %sub3A_32 = arith.constant 1 : i32
        %sub3A_33 = vector.broadcast %sub3A_32 : i32 to vector<16xi32>
        %sub3A_34 = arith.subi %sub3A_33, %convert_element_type3A_18 : vector<16xi32>
        %mul3A_35 = arith.constant 1039 : i32
        %mul3A_36 = vector.broadcast %mul3A_35 : i32 to vector<16xi32>
        %mul3A_37 = arith.muli %sub3A_34, %mul3A_36 : vector<16xi32>
        %add3A_38 = arith.addi %mul3A_31, %mul3A_37 : vector<16xi32>
        tpu.vector_store_idx %arg5[%add3A_38], %add3A_25 : memref<1040xi32, #tpu.memory_space<vmem>>[vector<16xi32>], vector<16xi32>,
        %reduce_sum3A = arith.constant true
        %reduce_sum3A_39 = vector.broadcast %reduce_sum3A : i1 to vector<16xi1>
        %reduce_sum3A_40 = tpu.scan <sum>, %convert_element_type3A_18 masked %reduce_sum3A_39 : vector<16xi32>, vector<16xi1> -> vector<16xi32>
        %reduce_sum3A_41 = vector.extract %reduce_sum3A_40[15] : i32 from vector<16xi32>
        %add3A_42 = arith.addi %scan3A_14, %reduce_sum3A_41 : i32
        scf.yield %add3A_42 : i32
      }
      %scan3A_10 = arith.constant 256 : i32
      %mul3A_11 = arith.constant 1024 : i32
      %mul3A_12 = arith.muli %add3A, %mul3A_11 : i32
      "tpu.region"() ({
        %run_scoped3A = tpu.sem_alloc : memref<!tpu.dma_semaphore, #tpu.memory_space<semaphore_mem>>
        %dma_start3A = arith.constant 0 : i32
        %dma_start3A_13 = tpu.memref_slice %arg5[%dma_start3A] : memref<1040xi32, #tpu.memory_space<vmem>> -> memref<1024xi32, #tpu.memory_space<vmem>>
        %dma_start3A_14 = tpu.memref_slice %arg3[%mul3A_12] : memref<2048xi32, #tpu.memory_space<hbm>> -> memref<1024xi32, #tpu.memory_space<hbm>>
        %dma_start3A_15 = tpu.memref_slice %arg3[%mul3A_12] : memref<2048xi32, #tpu.memory_space<hbm>> -> memref<1024xi32, #tpu.memory_space<hbm>>
        %dma_start3A_16 = arith.constant 0 : i32
        %dma_start3A_17 = tpu.memref_slice %arg5[%dma_start3A_16] : memref<1040xi32, #tpu.memory_space<vmem>> -> memref<1024xi32, #tpu.memory_space<vmem>>
        tpu.enqueue_dma source(%dma_start3A_17 : memref<1024xi32, #tpu.memory_space<vmem>>) target(%dma_start3A_15 : memref<1024xi32, #tpu.memory_space<hbm>>) target_semaphore(%run_scoped3A : memref<!tpu.dma_semaphore, #tpu.memory_space<semaphore_mem>>)
        %dma_wait3A = arith.constant 0 : i32
        %dma_wait3A_18 = tpu.memref_slice %arg5[%dma_wait3A] : memref<1040xi32, #tpu.memory_space<vmem>> -> memref<1024xi32, #tpu.memory_space<vmem>>
        %dma_wait3A_19 = tpu.memref_slice %arg3[%mul3A_12] : memref<2048xi32, #tpu.memory_space<hbm>> -> memref<1024xi32, #tpu.memory_space<hbm>>
        %dma_wait3A_20 = tpu.memref_slice %arg3[%mul3A_12] : memref<2048xi32, #tpu.memory_space<hbm>> -> memref<1024xi32, #tpu.memory_space<hbm>>
        %dma_wait3A_21 = arith.constant 0 : i32
        %dma_wait3A_22 = tpu.memref_slice %arg5[%dma_wait3A_21] : memref<1040xi32, #tpu.memory_space<vmem>> -> memref<1024xi32, #tpu.memory_space<vmem>>
        tpu.wait_dma2 semaphore(%run_scoped3A : memref<!tpu.dma_semaphore, #tpu.memory_space<semaphore_mem>>) src(%dma_wait3A_22 : memref<1024xi32, #tpu.memory_space<vmem>>) dst(%dma_wait3A_20 : memref<1024xi32, #tpu.memory_space<hbm>>)
        tpu.yield
      }) : () -> ()
    } else {
    }
    return
  }
}

#map = affine_map<(d0, d1) -> (0, 0)>
#map1 = affine_map<(d0, d1) -> (0)>
module attributes {stable_mosaic.version = 14 : i64} {
  func.func @scatter(%arg0: i32, %arg1: i32, %arg2: memref<8192x128xf32, #tpu.memory_space<hbm>>, %arg3: memref<8192xf32, #tpu.memory_space<hbm>>, %arg4: memref<128xf32, #tpu.memory_space<hbm>>, %arg5: memref<2560x128xf32, #tpu.memory_space<hbm>>, %arg6: memref<8320x128xf32, #tpu.memory_space<hbm>>, %arg7: memref<64xf32, #tpu.memory_space<vmem>>, %arg8: memref<64xf32, #tpu.memory_space<vmem>>, %arg9: memref<80xi32, #tpu.memory_space<vmem>>, %arg10: memref<64x128xf32, #tpu.memory_space<vmem>>, %arg11: memref<80x128xf32, #tpu.memory_space<vmem>>, %arg12: memref<!tpu.dma_semaphore, #tpu.memory_space<semaphore_mem>>) attributes {dimension_semantics = [#tpu.dimension_semantics<core_parallel>, #tpu.dimension_semantics<subcore_parallel>], iteration_bounds = array<i64: 2, 16>, scalar_prefetch = 0 : i64, scratch_operands = 6 : i64, tpu.core_type = #tpu.core_type<sc_vector_subcore>, window_params = [{transform_indices = #map}, {transform_indices = #map1}, {transform_indices = #map1}, {transform_indices = #map}, {transform_indices = #map}]} {
    %iota3A = tpu.iota {dimensions = array<i32: 0>} : vector<16xi32>
    %mul3A = arith.constant 2 : i32
    %mul3A_0 = arith.muli %arg1, %mul3A : i32
    %add3A = arith.addi %mul3A_0, %arg0 : i32
    "tpu.region"() ({
      %run_scoped3A = tpu.sem_alloc : memref<!tpu.dma_semaphore, #tpu.memory_space<semaphore_mem>>
      %dma_start3A_599 = arith.constant 0 : i32
      %dma_start3A_600 = tpu.memref_slice %arg4[%dma_start3A_599] : memref<128xf32, #tpu.memory_space<hbm>> -> memref<64xf32, #tpu.memory_space<hbm>>
      %dma_start3A_601 = arith.constant 0 : i32
      %dma_start3A_602 = tpu.memref_slice %arg4[%dma_start3A_601] : memref<128xf32, #tpu.memory_space<hbm>> -> memref<64xf32, #tpu.memory_space<hbm>>
      tpu.enqueue_dma source(%dma_start3A_602 : memref<64xf32, #tpu.memory_space<hbm>>) target(%arg8 : memref<64xf32, #tpu.memory_space<vmem>>) target_semaphore(%run_scoped3A : memref<!tpu.dma_semaphore, #tpu.memory_space<semaphore_mem>>)
      %dma_wait3A_603 = arith.constant 0 : i32
      %dma_wait3A_604 = tpu.memref_slice %arg4[%dma_wait3A_603] : memref<128xf32, #tpu.memory_space<hbm>> -> memref<64xf32, #tpu.memory_space<hbm>>
      %dma_wait3A_605 = arith.constant 0 : i32
      %dma_wait3A_606 = tpu.memref_slice %arg4[%dma_wait3A_605] : memref<128xf32, #tpu.memory_space<hbm>> -> memref<64xf32, #tpu.memory_space<hbm>>
      tpu.wait_dma2 semaphore(%run_scoped3A : memref<!tpu.dma_semaphore, #tpu.memory_space<semaphore_mem>>) src(%dma_wait3A_606 : memref<64xf32, #tpu.memory_space<hbm>>) dst(%arg8 : memref<64xf32, #tpu.memory_space<vmem>>)
      tpu.yield
    }) : () -> ()
    %add3A_1 = arith.constant 0 : i32
    %add3A_2 = arith.addi %add3A, %add3A_1 : i32
    %mul3A_3 = arith.constant 64 : i32
    %mul3A_4 = arith.muli %add3A_2, %mul3A_3 : i32
    %add3A_5 = arith.constant 0 : i32
    %add3A_6 = arith.addi %add3A_5, %mul3A_4 : i32
    "tpu.region"() ({
      %run_scoped3A = tpu.sem_alloc : memref<!tpu.dma_semaphore, #tpu.memory_space<semaphore_mem>>
      %dma_start3A_599 = arith.constant 0 : i32
      %dma_start3A_600 = tpu.memref_slice %arg2[%add3A_6, %dma_start3A_599] : memref<8192x128xf32, #tpu.memory_space<hbm>> -> memref<64x128xf32, #tpu.memory_space<hbm>>
      %dma_start3A_601 = arith.constant 0 : i32
      %dma_start3A_602 = tpu.memref_slice %arg2[%add3A_6, %dma_start3A_601] : memref<8192x128xf32, #tpu.memory_space<hbm>> -> memref<64x128xf32, #tpu.memory_space<hbm>>
      tpu.enqueue_dma source(%dma_start3A_602 : memref<64x128xf32, #tpu.memory_space<hbm>>) target(%arg10 : memref<64x128xf32, #tpu.memory_space<vmem>>) target_semaphore(%run_scoped3A : memref<!tpu.dma_semaphore, #tpu.memory_space<semaphore_mem>>)
      %dma_wait3A_603 = arith.constant 0 : i32
      %dma_wait3A_604 = tpu.memref_slice %arg2[%add3A_6, %dma_wait3A_603] : memref<8192x128xf32, #tpu.memory_space<hbm>> -> memref<64x128xf32, #tpu.memory_space<hbm>>
      %dma_wait3A_605 = arith.constant 0 : i32
      %dma_wait3A_606 = tpu.memref_slice %arg2[%add3A_6, %dma_wait3A_605] : memref<8192x128xf32, #tpu.memory_space<hbm>> -> memref<64x128xf32, #tpu.memory_space<hbm>>
      tpu.wait_dma2 semaphore(%run_scoped3A : memref<!tpu.dma_semaphore, #tpu.memory_space<semaphore_mem>>) src(%dma_wait3A_606 : memref<64x128xf32, #tpu.memory_space<hbm>>) dst(%arg10 : memref<64x128xf32, #tpu.memory_space<vmem>>)
      tpu.yield
    }) : () -> ()
    %mul3A_7 = arith.constant 64 : i32
    %mul3A_8 = arith.muli %add3A_2, %mul3A_7 : i32
    %add3A_9 = arith.constant 0 : i32
    %add3A_10 = arith.addi %add3A_9, %mul3A_8 : i32
    "tpu.region"() ({
      %run_scoped3A = tpu.sem_alloc : memref<!tpu.dma_semaphore, #tpu.memory_space<semaphore_mem>>
      %dma_start3A_599 = arith.constant 0 : i32
      %dma_start3A_600 = tpu.memref_slice %arg6[%add3A_10, %dma_start3A_599] : memref<8320x128xf32, #tpu.memory_space<hbm>> -> memref<64x128xf32, #tpu.memory_space<hbm>>
      %dma_start3A_601 = arith.constant 0 : i32
      %dma_start3A_602 = tpu.memref_slice %arg6[%add3A_10, %dma_start3A_601] : memref<8320x128xf32, #tpu.memory_space<hbm>> -> memref<64x128xf32, #tpu.memory_space<hbm>>
      tpu.enqueue_dma source(%arg10 : memref<64x128xf32, #tpu.memory_space<vmem>>) target(%dma_start3A_602 : memref<64x128xf32, #tpu.memory_space<hbm>>) target_semaphore(%run_scoped3A : memref<!tpu.dma_semaphore, #tpu.memory_space<semaphore_mem>>)
      %dma_wait3A_603 = arith.constant 0 : i32
      %dma_wait3A_604 = tpu.memref_slice %arg6[%add3A_10, %dma_wait3A_603] : memref<8320x128xf32, #tpu.memory_space<hbm>> -> memref<64x128xf32, #tpu.memory_space<hbm>>
      %dma_wait3A_605 = arith.constant 0 : i32
      %dma_wait3A_606 = tpu.memref_slice %arg6[%add3A_10, %dma_wait3A_605] : memref<8320x128xf32, #tpu.memory_space<hbm>> -> memref<64x128xf32, #tpu.memory_space<hbm>>
      tpu.wait_dma2 semaphore(%run_scoped3A : memref<!tpu.dma_semaphore, #tpu.memory_space<semaphore_mem>>) src(%arg10 : memref<64x128xf32, #tpu.memory_space<vmem>>) dst(%dma_wait3A_606 : memref<64x128xf32, #tpu.memory_space<hbm>>)
      tpu.yield
    }) : () -> ()
    %add3A_11 = arith.constant 0 : i32
    %add3A_12 = vector.broadcast %add3A_11 : i32 to vector<16xi32>
    %add3A_13 = arith.addi %iota3A, %add3A_12 : vector<16xi32>
    %sub3A = vector.broadcast %add3A_2 : i32 to vector<16xi32>
    %sub3A_14 = arith.subi %add3A_13, %sub3A : vector<16xi32>
    %abs3A = math.absi %sub3A_14 : vector<16xi32>
    %min3A = arith.constant 1 : i32
    %min3A_15 = vector.broadcast %min3A : i32 to vector<16xi32>
    %min3A_16 = arith.minsi %abs3A, %min3A_15 : vector<16xi32>
    %sub3A_17 = arith.constant 1 : i32
    %sub3A_18 = vector.broadcast %sub3A_17 : i32 to vector<16xi32>
    %sub3A_19 = arith.subi %sub3A_18, %min3A_16 : vector<16xi32>
    %get3A = arith.constant 0 : index
    %get3A_20 = tpu.vector_load %arg8[%get3A] {strides = array<i32>} : memref<64xf32, #tpu.memory_space<vmem>>, vector<16xf32>,
    %convert_element_type3A = arith.fptosi %get3A_20 : vector<16xf32> to vector<16xi32>
    %mul3A_21 = arith.muli %convert_element_type3A, %sub3A_19 : vector<16xi32>
    %reduce_sum3A = arith.constant true
    %reduce_sum3A_22 = vector.broadcast %reduce_sum3A : i1 to vector<16xi1>
    %reduce_sum3A_23 = tpu.scan <sum>, %mul3A_21 masked %reduce_sum3A_22 : vector<16xi32>, vector<16xi1> -> vector<16xi32>
    %reduce_sum3A_24 = vector.extract %reduce_sum3A_23[15] : i32 from vector<16xi32>
    %add3A_25 = arith.constant 0 : i32
    %add3A_26 = arith.addi %add3A_25, %reduce_sum3A_24 : i32
    %add3A_27 = arith.constant 16 : i32
    %add3A_28 = vector.broadcast %add3A_27 : i32 to vector<16xi32>
    %add3A_29 = arith.addi %iota3A, %add3A_28 : vector<16xi32>
    %sub3A_30 = vector.broadcast %add3A_2 : i32 to vector<16xi32>
    %sub3A_31 = arith.subi %add3A_29, %sub3A_30 : vector<16xi32>
    %abs3A_32 = math.absi %sub3A_31 : vector<16xi32>
    %min3A_33 = arith.constant 1 : i32
    %min3A_34 = vector.broadcast %min3A_33 : i32 to vector<16xi32>
    %min3A_35 = arith.minsi %abs3A_32, %min3A_34 : vector<16xi32>
    %sub3A_36 = arith.constant 1 : i32
    %sub3A_37 = vector.broadcast %sub3A_36 : i32 to vector<16xi32>
    %sub3A_38 = arith.subi %sub3A_37, %min3A_35 : vector<16xi32>
    %get3A_39 = arith.constant 16 : index
    %get3A_40 = tpu.vector_load %arg8[%get3A_39] {strides = array<i32>} : memref<64xf32, #tpu.memory_space<vmem>>, vector<16xf32>,
    %convert_element_type3A_41 = arith.fptosi %get3A_40 : vector<16xf32> to vector<16xi32>
    %mul3A_42 = arith.muli %convert_element_type3A_41, %sub3A_38 : vector<16xi32>
    %reduce_sum3A_43 = arith.constant true
    %reduce_sum3A_44 = vector.broadcast %reduce_sum3A_43 : i1 to vector<16xi1>
    %reduce_sum3A_45 = tpu.scan <sum>, %mul3A_42 masked %reduce_sum3A_44 : vector<16xi32>, vector<16xi1> -> vector<16xi32>
    %reduce_sum3A_46 = vector.extract %reduce_sum3A_45[15] : i32 from vector<16xi32>
    %add3A_47 = arith.addi %add3A_26, %reduce_sum3A_46 : i32
    %add3A_48 = arith.constant 32 : i32
    %add3A_49 = vector.broadcast %add3A_48 : i32 to vector<16xi32>
    %add3A_50 = arith.addi %iota3A, %add3A_49 : vector<16xi32>
    %sub3A_51 = vector.broadcast %add3A_2 : i32 to vector<16xi32>
    %sub3A_52 = arith.subi %add3A_50, %sub3A_51 : vector<16xi32>
    %abs3A_53 = math.absi %sub3A_52 : vector<16xi32>
    %min3A_54 = arith.constant 1 : i32
    %min3A_55 = vector.broadcast %min3A_54 : i32 to vector<16xi32>
    %min3A_56 = arith.minsi %abs3A_53, %min3A_55 : vector<16xi32>
    %sub3A_57 = arith.constant 1 : i32
    %sub3A_58 = vector.broadcast %sub3A_57 : i32 to vector<16xi32>
    %sub3A_59 = arith.subi %sub3A_58, %min3A_56 : vector<16xi32>
    %get3A_60 = arith.constant 32 : index
    %get3A_61 = tpu.vector_load %arg8[%get3A_60] {strides = array<i32>} : memref<64xf32, #tpu.memory_space<vmem>>, vector<16xf32>,
    %convert_element_type3A_62 = arith.fptosi %get3A_61 : vector<16xf32> to vector<16xi32>
    %mul3A_63 = arith.muli %convert_element_type3A_62, %sub3A_59 : vector<16xi32>
    %reduce_sum3A_64 = arith.constant true
    %reduce_sum3A_65 = vector.broadcast %reduce_sum3A_64 : i1 to vector<16xi1>
    %reduce_sum3A_66 = tpu.scan <sum>, %mul3A_63 masked %reduce_sum3A_65 : vector<16xi32>, vector<16xi1> -> vector<16xi32>
    %reduce_sum3A_67 = vector.extract %reduce_sum3A_66[15] : i32 from vector<16xi32>
    %add3A_68 = arith.addi %add3A_47, %reduce_sum3A_67 : i32
    %add3A_69 = arith.constant 48 : i32
    %add3A_70 = vector.broadcast %add3A_69 : i32 to vector<16xi32>
    %add3A_71 = arith.addi %iota3A, %add3A_70 : vector<16xi32>
    %sub3A_72 = vector.broadcast %add3A_2 : i32 to vector<16xi32>
    %sub3A_73 = arith.subi %add3A_71, %sub3A_72 : vector<16xi32>
    %abs3A_74 = math.absi %sub3A_73 : vector<16xi32>
    %min3A_75 = arith.constant 1 : i32
    %min3A_76 = vector.broadcast %min3A_75 : i32 to vector<16xi32>
    %min3A_77 = arith.minsi %abs3A_74, %min3A_76 : vector<16xi32>
    %sub3A_78 = arith.constant 1 : i32
    %sub3A_79 = vector.broadcast %sub3A_78 : i32 to vector<16xi32>
    %sub3A_80 = arith.subi %sub3A_79, %min3A_77 : vector<16xi32>
    %get3A_81 = arith.constant 48 : index
    %get3A_82 = tpu.vector_load %arg8[%get3A_81] {strides = array<i32>} : memref<64xf32, #tpu.memory_space<vmem>>, vector<16xf32>,
    %convert_element_type3A_83 = arith.fptosi %get3A_82 : vector<16xf32> to vector<16xi32>
    %mul3A_84 = arith.muli %convert_element_type3A_83, %sub3A_80 : vector<16xi32>
    %reduce_sum3A_85 = arith.constant true
    %reduce_sum3A_86 = vector.broadcast %reduce_sum3A_85 : i1 to vector<16xi1>
    %reduce_sum3A_87 = tpu.scan <sum>, %mul3A_84 masked %reduce_sum3A_86 : vector<16xi32>, vector<16xi1> -> vector<16xi32>
    %reduce_sum3A_88 = vector.extract %reduce_sum3A_87[15] : i32 from vector<16xi32>
    %add3A_89 = arith.addi %add3A_68, %reduce_sum3A_88 : i32
    %jit3A = arith.constant 8 : i32
    %div3A = arith.divsi %add3A_89, %jit3A : i32
    %sign3A = arith.constant 0 : i32
    %sign3A_90 = arith.cmpi sgt, %add3A_89, %sign3A : i32
    %sign3A_91 = arith.extui %sign3A_90 : i1 to i32
    %sign3A_92 = arith.constant 0 : i32
    %sign3A_93 = arith.cmpi slt, %add3A_89, %sign3A_92 : i32
    %sign3A_94 = arith.extui %sign3A_93 : i1 to i32
    %sign3A_95 = arith.subi %sign3A_91, %sign3A_94 : i32
    %sign3A_96 = arith.constant 0 : i32
    %sign3A_97 = arith.cmpi sgt, %jit3A, %sign3A_96 : i32
    %sign3A_98 = arith.extui %sign3A_97 : i1 to i32
    %sign3A_99 = arith.constant 0 : i32
    %sign3A_100 = arith.cmpi slt, %jit3A, %sign3A_99 : i32
    %sign3A_101 = arith.extui %sign3A_100 : i1 to i32
    %sign3A_102 = arith.subi %sign3A_98, %sign3A_101 : i32
    %ne3A = arith.cmpi ne, %sign3A_95, %sign3A_102 : i32
    %rem3A = arith.remsi %add3A_89, %jit3A : i32
    %ne3A_103 = arith.constant 0 : i32
    %ne3A_104 = arith.cmpi ne, %rem3A, %ne3A_103 : i32
    %and3A = arith.andi %ne3A, %ne3A_104 : i1
    %sub3A_105 = arith.constant 1 : i32
    %sub3A_106 = arith.subi %div3A, %sub3A_105 : i32
    %select_n3A = arith.select %and3A, %sub3A_106, %div3A : i32
    %mul3A_107 = arith.constant 8 : i32
    %mul3A_108 = arith.muli %select_n3A, %mul3A_107 : i32
    %sub3A_109 = arith.subi %add3A_89, %mul3A_108 : i32
    "tpu.region"() ({
      %run_scoped3A = tpu.sem_alloc : memref<!tpu.dma_semaphore, #tpu.memory_space<semaphore_mem>>
      %dma_start3A_599 = tpu.memref_slice %arg3[%add3A_6] : memref<8192xf32, #tpu.memory_space<hbm>> -> memref<64xf32, #tpu.memory_space<hbm>>
      %dma_start3A_600 = tpu.memref_slice %arg3[%add3A_6] : memref<8192xf32, #tpu.memory_space<hbm>> -> memref<64xf32, #tpu.memory_space<hbm>>
      tpu.enqueue_dma source(%dma_start3A_600 : memref<64xf32, #tpu.memory_space<hbm>>) target(%arg7 : memref<64xf32, #tpu.memory_space<vmem>>) target_semaphore(%run_scoped3A : memref<!tpu.dma_semaphore, #tpu.memory_space<semaphore_mem>>)
      %dma_wait3A_601 = tpu.memref_slice %arg3[%add3A_6] : memref<8192xf32, #tpu.memory_space<hbm>> -> memref<64xf32, #tpu.memory_space<hbm>>
      %dma_wait3A_602 = tpu.memref_slice %arg3[%add3A_6] : memref<8192xf32, #tpu.memory_space<hbm>> -> memref<64xf32, #tpu.memory_space<hbm>>
      tpu.wait_dma2 semaphore(%run_scoped3A : memref<!tpu.dma_semaphore, #tpu.memory_space<semaphore_mem>>) src(%dma_wait3A_602 : memref<64xf32, #tpu.memory_space<hbm>>) dst(%arg7 : memref<64xf32, #tpu.memory_space<vmem>>)
      tpu.yield
    }) : () -> ()
    %add3A_110 = arith.constant 4096 : i32
    %add3A_111 = arith.addi %add3A_110, %add3A_2 : i32
    %broadcast_in_dim3A = vector.broadcast %add3A_111 : i32 to vector<16xi32>
    %swap3A = arith.constant 0 : index
    %swap3A_112 = tpu.vector_load %arg9[%swap3A] {strides = array<i32>} : memref<80xi32, #tpu.memory_space<vmem>>, vector<16xi32>,
    tpu.vector_store %arg9[%swap3A], %broadcast_in_dim3A {strides = array<i32>} : memref<80xi32, #tpu.memory_space<vmem>>, vector<16xi32>,
    %broadcast_in_dim3A_113 = vector.broadcast %add3A_111 : i32 to vector<16xi32>
    %swap3A_114 = arith.constant 16 : index
    %swap3A_115 = tpu.vector_load %arg9[%swap3A_114] {strides = array<i32>} : memref<80xi32, #tpu.memory_space<vmem>>, vector<16xi32>,
    tpu.vector_store %arg9[%swap3A_114], %broadcast_in_dim3A_113 {strides = array<i32>} : memref<80xi32, #tpu.memory_space<vmem>>, vector<16xi32>,
    %broadcast_in_dim3A_116 = vector.broadcast %add3A_111 : i32 to vector<16xi32>
    %swap3A_117 = arith.constant 32 : index
    %swap3A_118 = tpu.vector_load %arg9[%swap3A_117] {strides = array<i32>} : memref<80xi32, #tpu.memory_space<vmem>>, vector<16xi32>,
    tpu.vector_store %arg9[%swap3A_117], %broadcast_in_dim3A_116 {strides = array<i32>} : memref<80xi32, #tpu.memory_space<vmem>>, vector<16xi32>,
    %broadcast_in_dim3A_119 = vector.broadcast %add3A_111 : i32 to vector<16xi32>
    %swap3A_120 = arith.constant 48 : index
    %swap3A_121 = tpu.vector_load %arg9[%swap3A_120] {strides = array<i32>} : memref<80xi32, #tpu.memory_space<vmem>>, vector<16xi32>,
    tpu.vector_store %arg9[%swap3A_120], %broadcast_in_dim3A_119 {strides = array<i32>} : memref<80xi32, #tpu.memory_space<vmem>>, vector<16xi32>,
    %broadcast_in_dim3A_122 = vector.broadcast %add3A_111 : i32 to vector<16xi32>
    %swap3A_123 = arith.constant 64 : index
    %swap3A_124 = tpu.vector_load %arg9[%swap3A_123] {strides = array<i32>} : memref<80xi32, #tpu.memory_space<vmem>>, vector<16xi32>,
    tpu.vector_store %arg9[%swap3A_123], %broadcast_in_dim3A_122 {strides = array<i32>} : memref<80xi32, #tpu.memory_space<vmem>>, vector<16xi32>,
    %scan3A = arith.constant 0 : i32
    %scan3A_125 = arith.constant 0 : i32
    %scan3A_126 = arith.constant 4 : i32
    %scan3A_127 = arith.addi %scan3A_125, %scan3A_126 : i32
    %scan3A_128 = arith.constant 1 : i32
    %scan3A_129 = scf.for %scan3A_599 = %scan3A_125 to %scan3A_127 step %scan3A_128 iter_args(%scan3A_600 = %scan3A) -> (i32)  : i32 {
      %mul3A_601 = arith.constant 16 : i32
      %mul3A_602 = arith.muli %scan3A_599, %mul3A_601 : i32
      %get3A_603 = arith.index_cast %mul3A_602 : i32 to index
      %get3A_604 = tpu.vector_load %arg7[%get3A_603] {strides = array<i32>} : memref<64xf32, #tpu.memory_space<vmem>>, vector<16xf32>,
      %convert_element_type3A_605 = arith.fptosi %get3A_604 : vector<16xf32> to vector<16xi32>
      %mul3A_606 = arith.constant 16 : i32
      %mul3A_607 = arith.muli %scan3A_599, %mul3A_606 : i32
      %add3A_608 = arith.constant 0 : i32
      %add3A_609 = arith.addi %mul3A_607, %add3A_608 : i32
      %mul3A_610 = arith.constant 64 : i32
      %mul3A_611 = arith.muli %add3A_2, %mul3A_610 : i32
      %add3A_612 = arith.addi %add3A_609, %mul3A_611 : i32
      %add3A_613 = vector.broadcast %add3A_612 : i32 to vector<16xi32>
      %add3A_614 = arith.addi %iota3A, %add3A_613 : vector<16xi32>
      %mul3A_615 = arith.muli %convert_element_type3A_605, %add3A_614 : vector<16xi32>
      %sub3A_616 = arith.constant 1 : i32
      %sub3A_617 = vector.broadcast %sub3A_616 : i32 to vector<16xi32>
      %sub3A_618 = arith.subi %sub3A_617, %convert_element_type3A_605 : vector<16xi32>
      %mul3A_619 = vector.broadcast %add3A_111 : i32 to vector<16xi32>
      %mul3A_620 = arith.muli %sub3A_618, %mul3A_619 : vector<16xi32>
      %add3A_621 = arith.addi %mul3A_615, %mul3A_620 : vector<16xi32>
      %add3A_622 = arith.addi %sub3A_109, %scan3A_600 : i32
      %broadcast_in_dim3A_623 = arith.constant true
      %broadcast_in_dim3A_624 = vector.broadcast %broadcast_in_dim3A_623 : i1 to vector<16xi1>
      %masked_cumsum3A = tpu.scan <sum>, %convert_element_type3A_605 masked %broadcast_in_dim3A_624 : vector<16xi32>, vector<16xi1> -> vector<16xi32>
      %add3A_625 = vector.broadcast %add3A_622 : i32 to vector<16xi32>
      %add3A_626 = arith.addi %add3A_625, %masked_cumsum3A : vector<16xi32>
      %sub3A_627 = arith.constant 1 : i32
      %sub3A_628 = vector.broadcast %sub3A_627 : i32 to vector<16xi32>
      %sub3A_629 = arith.subi %add3A_626, %sub3A_628 : vector<16xi32>
      %mul3A_630 = arith.muli %convert_element_type3A_605, %sub3A_629 : vector<16xi32>
      %sub3A_631 = arith.constant 1 : i32
      %sub3A_632 = vector.broadcast %sub3A_631 : i32 to vector<16xi32>
      %sub3A_633 = arith.subi %sub3A_632, %convert_element_type3A_605 : vector<16xi32>
      %mul3A_634 = arith.constant 79 : i32
      %mul3A_635 = vector.broadcast %mul3A_634 : i32 to vector<16xi32>
      %mul3A_636 = arith.muli %sub3A_633, %mul3A_635 : vector<16xi32>
      %add3A_637 = arith.addi %mul3A_630, %mul3A_636 : vector<16xi32>
      tpu.vector_store_idx %arg9[%add3A_637], %add3A_621 : memref<80xi32, #tpu.memory_space<vmem>>[vector<16xi32>], vector<16xi32>,
      %reduce_sum3A_638 = arith.constant true
      %reduce_sum3A_639 = vector.broadcast %reduce_sum3A_638 : i1 to vector<16xi1>
      %reduce_sum3A_640 = tpu.scan <sum>, %convert_element_type3A_605 masked %reduce_sum3A_639 : vector<16xi32>, vector<16xi1> -> vector<16xi32>
      %reduce_sum3A_641 = vector.extract %reduce_sum3A_640[15] : i32 from vector<16xi32>
      %add3A_642 = arith.addi %scan3A_600, %reduce_sum3A_641 : i32
      scf.yield %add3A_642 : i32
    }
    %scan3A_130 = arith.constant 4 : i32
    %add3A_131 = arith.constant 0 : i32
    %add3A_132 = arith.addi %add3A_131, %mul3A_108 : i32
    "tpu.region"() ({
      %run_scoped3A = tpu.sem_alloc : memref<!tpu.dma_semaphore, #tpu.memory_space<semaphore_mem>>
      %dma_start3A_599 = arith.constant 0 : i32
      %dma_start3A_600 = tpu.memref_slice %arg5[%add3A_132, %dma_start3A_599] : memref<2560x128xf32, #tpu.memory_space<hbm>> -> memref<80x128xf32, #tpu.memory_space<hbm>>
      %dma_start3A_601 = arith.constant 0 : i32
      %dma_start3A_602 = tpu.memref_slice %arg5[%add3A_132, %dma_start3A_601] : memref<2560x128xf32, #tpu.memory_space<hbm>> -> memref<80x128xf32, #tpu.memory_space<hbm>>
      tpu.enqueue_dma source(%dma_start3A_602 : memref<80x128xf32, #tpu.memory_space<hbm>>) target(%arg11 : memref<80x128xf32, #tpu.memory_space<vmem>>) target_semaphore(%run_scoped3A : memref<!tpu.dma_semaphore, #tpu.memory_space<semaphore_mem>>)
      %dma_wait3A_603 = arith.constant 0 : i32
      %dma_wait3A_604 = tpu.memref_slice %arg5[%add3A_132, %dma_wait3A_603] : memref<2560x128xf32, #tpu.memory_space<hbm>> -> memref<80x128xf32, #tpu.memory_space<hbm>>
      %dma_wait3A_605 = arith.constant 0 : i32
      %dma_wait3A_606 = tpu.memref_slice %arg5[%add3A_132, %dma_wait3A_605] : memref<2560x128xf32, #tpu.memory_space<hbm>> -> memref<80x128xf32, #tpu.memory_space<hbm>>
      tpu.wait_dma2 semaphore(%run_scoped3A : memref<!tpu.dma_semaphore, #tpu.memory_space<semaphore_mem>>) src(%dma_wait3A_606 : memref<80x128xf32, #tpu.memory_space<hbm>>) dst(%arg11 : memref<80x128xf32, #tpu.memory_space<vmem>>)
      tpu.yield
    }) : () -> ()
    %dma_start3A = arith.constant 0 : i32
    %dma_start3A_133 = arith.constant 0 : i32
    %dma_start3A_134 = tpu.memref_slice %arg6[%dma_start3A, %dma_start3A_133] : memref<8320x128xf32, #tpu.memory_space<hbm>> -> memref<8320x128xf32, #tpu.memory_space<hbm>>
    tpu.enqueue_indirect_dma source(%arg11 : memref<80x128xf32, #tpu.memory_space<vmem>>) target(%dma_start3A_134 : memref<8320x128xf32, #tpu.memory_space<hbm>>) offsets(%arg9 : memref<80xi32, #tpu.memory_space<vmem>>) semaphore(%arg12 : memref<!tpu.dma_semaphore, #tpu.memory_space<semaphore_mem>>)
    %dma_wait3A = arith.constant 0 : i32
    %dma_wait3A_135 = arith.constant 0 : i32
    %dma_wait3A_136 = tpu.memref_slice %arg6[%dma_wait3A, %dma_wait3A_135] : memref<8320x128xf32, #tpu.memory_space<hbm>> -> memref<8320x128xf32, #tpu.memory_space<hbm>>
    tpu.wait_indirect_dma semaphore(%arg12 : memref<!tpu.dma_semaphore, #tpu.memory_space<semaphore_mem>>) src(%arg11 : memref<80x128xf32, #tpu.memory_space<vmem>>) dst(%dma_wait3A_136 : memref<8320x128xf32, #tpu.memory_space<hbm>>)
    %add3A_137 = arith.constant 32 : i32
    %add3A_138 = arith.addi %add3A, %add3A_137 : i32
    %mul3A_139 = arith.constant 64 : i32
    %mul3A_140 = arith.muli %add3A_138, %mul3A_139 : i32
    %add3A_141 = arith.constant 0 : i32
    %add3A_142 = arith.addi %add3A_141, %mul3A_140 : i32
    "tpu.region"() ({
      %run_scoped3A = tpu.sem_alloc : memref<!tpu.dma_semaphore, #tpu.memory_space<semaphore_mem>>
      %dma_start3A_599 = arith.constant 0 : i32
      %dma_start3A_600 = tpu.memref_slice %arg2[%add3A_142, %dma_start3A_599] : memref<8192x128xf32, #tpu.memory_space<hbm>> -> memref<64x128xf32, #tpu.memory_space<hbm>>
      %dma_start3A_601 = arith.constant 0 : i32
      %dma_start3A_602 = tpu.memref_slice %arg2[%add3A_142, %dma_start3A_601] : memref<8192x128xf32, #tpu.memory_space<hbm>> -> memref<64x128xf32, #tpu.memory_space<hbm>>
      tpu.enqueue_dma source(%dma_start3A_602 : memref<64x128xf32, #tpu.memory_space<hbm>>) target(%arg10 : memref<64x128xf32, #tpu.memory_space<vmem>>) target_semaphore(%run_scoped3A : memref<!tpu.dma_semaphore, #tpu.memory_space<semaphore_mem>>)
      %dma_wait3A_603 = arith.constant 0 : i32
      %dma_wait3A_604 = tpu.memref_slice %arg2[%add3A_142, %dma_wait3A_603] : memref<8192x128xf32, #tpu.memory_space<hbm>> -> memref<64x128xf32, #tpu.memory_space<hbm>>
      %dma_wait3A_605 = arith.constant 0 : i32
      %dma_wait3A_606 = tpu.memref_slice %arg2[%add3A_142, %dma_wait3A_605] : memref<8192x128xf32, #tpu.memory_space<hbm>> -> memref<64x128xf32, #tpu.memory_space<hbm>>
      tpu.wait_dma2 semaphore(%run_scoped3A : memref<!tpu.dma_semaphore, #tpu.memory_space<semaphore_mem>>) src(%dma_wait3A_606 : memref<64x128xf32, #tpu.memory_space<hbm>>) dst(%arg10 : memref<64x128xf32, #tpu.memory_space<vmem>>)
      tpu.yield
    }) : () -> ()
    %mul3A_143 = arith.constant 64 : i32
    %mul3A_144 = arith.muli %add3A_138, %mul3A_143 : i32
    %add3A_145 = arith.constant 0 : i32
    %add3A_146 = arith.addi %add3A_145, %mul3A_144 : i32
    "tpu.region"() ({
      %run_scoped3A = tpu.sem_alloc : memref<!tpu.dma_semaphore, #tpu.memory_space<semaphore_mem>>
      %dma_start3A_599 = arith.constant 0 : i32
      %dma_start3A_600 = tpu.memref_slice %arg6[%add3A_146, %dma_start3A_599] : memref<8320x128xf32, #tpu.memory_space<hbm>> -> memref<64x128xf32, #tpu.memory_space<hbm>>
      %dma_start3A_601 = arith.constant 0 : i32
      %dma_start3A_602 = tpu.memref_slice %arg6[%add3A_146, %dma_start3A_601] : memref<8320x128xf32, #tpu.memory_space<hbm>> -> memref<64x128xf32, #tpu.memory_space<hbm>>
      tpu.enqueue_dma source(%arg10 : memref<64x128xf32, #tpu.memory_space<vmem>>) target(%dma_start3A_602 : memref<64x128xf32, #tpu.memory_space<hbm>>) target_semaphore(%run_scoped3A : memref<!tpu.dma_semaphore, #tpu.memory_space<semaphore_mem>>)
      %dma_wait3A_603 = arith.constant 0 : i32
      %dma_wait3A_604 = tpu.memref_slice %arg6[%add3A_146, %dma_wait3A_603] : memref<8320x128xf32, #tpu.memory_space<hbm>> -> memref<64x128xf32, #tpu.memory_space<hbm>>
      %dma_wait3A_605 = arith.constant 0 : i32
      %dma_wait3A_606 = tpu.memref_slice %arg6[%add3A_146, %dma_wait3A_605] : memref<8320x128xf32, #tpu.memory_space<hbm>> -> memref<64x128xf32, #tpu.memory_space<hbm>>
      tpu.wait_dma2 semaphore(%run_scoped3A : memref<!tpu.dma_semaphore, #tpu.memory_space<semaphore_mem>>) src(%arg10 : memref<64x128xf32, #tpu.memory_space<vmem>>) dst(%dma_wait3A_606 : memref<64x128xf32, #tpu.memory_space<hbm>>)
      tpu.yield
    }) : () -> ()
    %add3A_147 = arith.constant 0 : i32
    %add3A_148 = vector.broadcast %add3A_147 : i32 to vector<16xi32>
    %add3A_149 = arith.addi %iota3A, %add3A_148 : vector<16xi32>
    %sub3A_150 = vector.broadcast %add3A_138 : i32 to vector<16xi32>
    %sub3A_151 = arith.subi %add3A_149, %sub3A_150 : vector<16xi32>
    %abs3A_152 = math.absi %sub3A_151 : vector<16xi32>
    %min3A_153 = arith.constant 1 : i32
    %min3A_154 = vector.broadcast %min3A_153 : i32 to vector<16xi32>
    %min3A_155 = arith.minsi %abs3A_152, %min3A_154 : vector<16xi32>
    %sub3A_156 = arith.constant 1 : i32
    %sub3A_157 = vector.broadcast %sub3A_156 : i32 to vector<16xi32>
    %sub3A_158 = arith.subi %sub3A_157, %min3A_155 : vector<16xi32>
    %get3A_159 = arith.constant 0 : index
    %get3A_160 = tpu.vector_load %arg8[%get3A_159] {strides = array<i32>} : memref<64xf32, #tpu.memory_space<vmem>>, vector<16xf32>,
    %convert_element_type3A_161 = arith.fptosi %get3A_160 : vector<16xf32> to vector<16xi32>
    %mul3A_162 = arith.muli %convert_element_type3A_161, %sub3A_158 : vector<16xi32>
    %reduce_sum3A_163 = arith.constant true
    %reduce_sum3A_164 = vector.broadcast %reduce_sum3A_163 : i1 to vector<16xi1>
    %reduce_sum3A_165 = tpu.scan <sum>, %mul3A_162 masked %reduce_sum3A_164 : vector<16xi32>, vector<16xi1> -> vector<16xi32>
    %reduce_sum3A_166 = vector.extract %reduce_sum3A_165[15] : i32 from vector<16xi32>
    %add3A_167 = arith.constant 0 : i32
    %add3A_168 = arith.addi %add3A_167, %reduce_sum3A_166 : i32
    %add3A_169 = arith.constant 16 : i32
    %add3A_170 = vector.broadcast %add3A_169 : i32 to vector<16xi32>
    %add3A_171 = arith.addi %iota3A, %add3A_170 : vector<16xi32>
    %sub3A_172 = vector.broadcast %add3A_138 : i32 to vector<16xi32>
    %sub3A_173 = arith.subi %add3A_171, %sub3A_172 : vector<16xi32>
    %abs3A_174 = math.absi %sub3A_173 : vector<16xi32>
    %min3A_175 = arith.constant 1 : i32
    %min3A_176 = vector.broadcast %min3A_175 : i32 to vector<16xi32>
    %min3A_177 = arith.minsi %abs3A_174, %min3A_176 : vector<16xi32>
    %sub3A_178 = arith.constant 1 : i32
    %sub3A_179 = vector.broadcast %sub3A_178 : i32 to vector<16xi32>
    %sub3A_180 = arith.subi %sub3A_179, %min3A_177 : vector<16xi32>
    %get3A_181 = arith.constant 16 : index
    %get3A_182 = tpu.vector_load %arg8[%get3A_181] {strides = array<i32>} : memref<64xf32, #tpu.memory_space<vmem>>, vector<16xf32>,
    %convert_element_type3A_183 = arith.fptosi %get3A_182 : vector<16xf32> to vector<16xi32>
    %mul3A_184 = arith.muli %convert_element_type3A_183, %sub3A_180 : vector<16xi32>
    %reduce_sum3A_185 = arith.constant true
    %reduce_sum3A_186 = vector.broadcast %reduce_sum3A_185 : i1 to vector<16xi1>
    %reduce_sum3A_187 = tpu.scan <sum>, %mul3A_184 masked %reduce_sum3A_186 : vector<16xi32>, vector<16xi1> -> vector<16xi32>
    %reduce_sum3A_188 = vector.extract %reduce_sum3A_187[15] : i32 from vector<16xi32>
    %add3A_189 = arith.addi %add3A_168, %reduce_sum3A_188 : i32
    %add3A_190 = arith.constant 32 : i32
    %add3A_191 = vector.broadcast %add3A_190 : i32 to vector<16xi32>
    %add3A_192 = arith.addi %iota3A, %add3A_191 : vector<16xi32>
    %sub3A_193 = vector.broadcast %add3A_138 : i32 to vector<16xi32>
    %sub3A_194 = arith.subi %add3A_192, %sub3A_193 : vector<16xi32>
    %abs3A_195 = math.absi %sub3A_194 : vector<16xi32>
    %min3A_196 = arith.constant 1 : i32
    %min3A_197 = vector.broadcast %min3A_196 : i32 to vector<16xi32>
    %min3A_198 = arith.minsi %abs3A_195, %min3A_197 : vector<16xi32>
    %sub3A_199 = arith.constant 1 : i32
    %sub3A_200 = vector.broadcast %sub3A_199 : i32 to vector<16xi32>
    %sub3A_201 = arith.subi %sub3A_200, %min3A_198 : vector<16xi32>
    %get3A_202 = arith.constant 32 : index
    %get3A_203 = tpu.vector_load %arg8[%get3A_202] {strides = array<i32>} : memref<64xf32, #tpu.memory_space<vmem>>, vector<16xf32>,
    %convert_element_type3A_204 = arith.fptosi %get3A_203 : vector<16xf32> to vector<16xi32>
    %mul3A_205 = arith.muli %convert_element_type3A_204, %sub3A_201 : vector<16xi32>
    %reduce_sum3A_206 = arith.constant true
    %reduce_sum3A_207 = vector.broadcast %reduce_sum3A_206 : i1 to vector<16xi1>
    %reduce_sum3A_208 = tpu.scan <sum>, %mul3A_205 masked %reduce_sum3A_207 : vector<16xi32>, vector<16xi1> -> vector<16xi32>
    %reduce_sum3A_209 = vector.extract %reduce_sum3A_208[15] : i32 from vector<16xi32>
    %add3A_210 = arith.addi %add3A_189, %reduce_sum3A_209 : i32
    %add3A_211 = arith.constant 48 : i32
    %add3A_212 = vector.broadcast %add3A_211 : i32 to vector<16xi32>
    %add3A_213 = arith.addi %iota3A, %add3A_212 : vector<16xi32>
    %sub3A_214 = vector.broadcast %add3A_138 : i32 to vector<16xi32>
    %sub3A_215 = arith.subi %add3A_213, %sub3A_214 : vector<16xi32>
    %abs3A_216 = math.absi %sub3A_215 : vector<16xi32>
    %min3A_217 = arith.constant 1 : i32
    %min3A_218 = vector.broadcast %min3A_217 : i32 to vector<16xi32>
    %min3A_219 = arith.minsi %abs3A_216, %min3A_218 : vector<16xi32>
    %sub3A_220 = arith.constant 1 : i32
    %sub3A_221 = vector.broadcast %sub3A_220 : i32 to vector<16xi32>
    %sub3A_222 = arith.subi %sub3A_221, %min3A_219 : vector<16xi32>
    %get3A_223 = arith.constant 48 : index
    %get3A_224 = tpu.vector_load %arg8[%get3A_223] {strides = array<i32>} : memref<64xf32, #tpu.memory_space<vmem>>, vector<16xf32>,
    %convert_element_type3A_225 = arith.fptosi %get3A_224 : vector<16xf32> to vector<16xi32>
    %mul3A_226 = arith.muli %convert_element_type3A_225, %sub3A_222 : vector<16xi32>
    %reduce_sum3A_227 = arith.constant true
    %reduce_sum3A_228 = vector.broadcast %reduce_sum3A_227 : i1 to vector<16xi1>
    %reduce_sum3A_229 = tpu.scan <sum>, %mul3A_226 masked %reduce_sum3A_228 : vector<16xi32>, vector<16xi1> -> vector<16xi32>
    %reduce_sum3A_230 = vector.extract %reduce_sum3A_229[15] : i32 from vector<16xi32>
    %add3A_231 = arith.addi %add3A_210, %reduce_sum3A_230 : i32
    %jit3A_232 = arith.constant 8 : i32
    %div3A_233 = arith.divsi %add3A_231, %jit3A_232 : i32
    %sign3A_234 = arith.constant 0 : i32
    %sign3A_235 = arith.cmpi sgt, %add3A_231, %sign3A_234 : i32
    %sign3A_236 = arith.extui %sign3A_235 : i1 to i32
    %sign3A_237 = arith.constant 0 : i32
    %sign3A_238 = arith.cmpi slt, %add3A_231, %sign3A_237 : i32
    %sign3A_239 = arith.extui %sign3A_238 : i1 to i32
    %sign3A_240 = arith.subi %sign3A_236, %sign3A_239 : i32
    %sign3A_241 = arith.constant 0 : i32
    %sign3A_242 = arith.cmpi sgt, %jit3A_232, %sign3A_241 : i32
    %sign3A_243 = arith.extui %sign3A_242 : i1 to i32
    %sign3A_244 = arith.constant 0 : i32
    %sign3A_245 = arith.cmpi slt, %jit3A_232, %sign3A_244 : i32
    %sign3A_246 = arith.extui %sign3A_245 : i1 to i32
    %sign3A_247 = arith.subi %sign3A_243, %sign3A_246 : i32
    %ne3A_248 = arith.cmpi ne, %sign3A_240, %sign3A_247 : i32
    %rem3A_249 = arith.remsi %add3A_231, %jit3A_232 : i32
    %ne3A_250 = arith.constant 0 : i32
    %ne3A_251 = arith.cmpi ne, %rem3A_249, %ne3A_250 : i32
    %and3A_252 = arith.andi %ne3A_248, %ne3A_251 : i1
    %sub3A_253 = arith.constant 1 : i32
    %sub3A_254 = arith.subi %div3A_233, %sub3A_253 : i32
    %select_n3A_255 = arith.select %and3A_252, %sub3A_254, %div3A_233 : i32
    %mul3A_256 = arith.constant 8 : i32
    %mul3A_257 = arith.muli %select_n3A_255, %mul3A_256 : i32
    %sub3A_258 = arith.subi %add3A_231, %mul3A_257 : i32
    "tpu.region"() ({
      %run_scoped3A = tpu.sem_alloc : memref<!tpu.dma_semaphore, #tpu.memory_space<semaphore_mem>>
      %dma_start3A_599 = tpu.memref_slice %arg3[%add3A_142] : memref<8192xf32, #tpu.memory_space<hbm>> -> memref<64xf32, #tpu.memory_space<hbm>>
      %dma_start3A_600 = tpu.memref_slice %arg3[%add3A_142] : memref<8192xf32, #tpu.memory_space<hbm>> -> memref<64xf32, #tpu.memory_space<hbm>>
      tpu.enqueue_dma source(%dma_start3A_600 : memref<64xf32, #tpu.memory_space<hbm>>) target(%arg7 : memref<64xf32, #tpu.memory_space<vmem>>) target_semaphore(%run_scoped3A : memref<!tpu.dma_semaphore, #tpu.memory_space<semaphore_mem>>)
      %dma_wait3A_601 = tpu.memref_slice %arg3[%add3A_142] : memref<8192xf32, #tpu.memory_space<hbm>> -> memref<64xf32, #tpu.memory_space<hbm>>
      %dma_wait3A_602 = tpu.memref_slice %arg3[%add3A_142] : memref<8192xf32, #tpu.memory_space<hbm>> -> memref<64xf32, #tpu.memory_space<hbm>>
      tpu.wait_dma2 semaphore(%run_scoped3A : memref<!tpu.dma_semaphore, #tpu.memory_space<semaphore_mem>>) src(%dma_wait3A_602 : memref<64xf32, #tpu.memory_space<hbm>>) dst(%arg7 : memref<64xf32, #tpu.memory_space<vmem>>)
      tpu.yield
    }) : () -> ()
    %add3A_259 = arith.constant 4096 : i32
    %add3A_260 = arith.addi %add3A_259, %add3A_138 : i32
    %broadcast_in_dim3A_261 = vector.broadcast %add3A_260 : i32 to vector<16xi32>
    %swap3A_262 = arith.constant 0 : index
    %swap3A_263 = tpu.vector_load %arg9[%swap3A_262] {strides = array<i32>} : memref<80xi32, #tpu.memory_space<vmem>>, vector<16xi32>,
    tpu.vector_store %arg9[%swap3A_262], %broadcast_in_dim3A_261 {strides = array<i32>} : memref<80xi32, #tpu.memory_space<vmem>>, vector<16xi32>,
    %broadcast_in_dim3A_264 = vector.broadcast %add3A_260 : i32 to vector<16xi32>
    %swap3A_265 = arith.constant 16 : index
    %swap3A_266 = tpu.vector_load %arg9[%swap3A_265] {strides = array<i32>} : memref<80xi32, #tpu.memory_space<vmem>>, vector<16xi32>,
    tpu.vector_store %arg9[%swap3A_265], %broadcast_in_dim3A_264 {strides = array<i32>} : memref<80xi32, #tpu.memory_space<vmem>>, vector<16xi32>,
    %broadcast_in_dim3A_267 = vector.broadcast %add3A_260 : i32 to vector<16xi32>
    %swap3A_268 = arith.constant 32 : index
    %swap3A_269 = tpu.vector_load %arg9[%swap3A_268] {strides = array<i32>} : memref<80xi32, #tpu.memory_space<vmem>>, vector<16xi32>,
    tpu.vector_store %arg9[%swap3A_268], %broadcast_in_dim3A_267 {strides = array<i32>} : memref<80xi32, #tpu.memory_space<vmem>>, vector<16xi32>,
    %broadcast_in_dim3A_270 = vector.broadcast %add3A_260 : i32 to vector<16xi32>
    %swap3A_271 = arith.constant 48 : index
    %swap3A_272 = tpu.vector_load %arg9[%swap3A_271] {strides = array<i32>} : memref<80xi32, #tpu.memory_space<vmem>>, vector<16xi32>,
    tpu.vector_store %arg9[%swap3A_271], %broadcast_in_dim3A_270 {strides = array<i32>} : memref<80xi32, #tpu.memory_space<vmem>>, vector<16xi32>,
    %broadcast_in_dim3A_273 = vector.broadcast %add3A_260 : i32 to vector<16xi32>
    %swap3A_274 = arith.constant 64 : index
    %swap3A_275 = tpu.vector_load %arg9[%swap3A_274] {strides = array<i32>} : memref<80xi32, #tpu.memory_space<vmem>>, vector<16xi32>,
    tpu.vector_store %arg9[%swap3A_274], %broadcast_in_dim3A_273 {strides = array<i32>} : memref<80xi32, #tpu.memory_space<vmem>>, vector<16xi32>,
    %scan3A_276 = arith.constant 0 : i32
    %scan3A_277 = arith.constant 0 : i32
    %scan3A_278 = arith.constant 4 : i32
    %scan3A_279 = arith.addi %scan3A_277, %scan3A_278 : i32
    %scan3A_280 = arith.constant 1 : i32
    %scan3A_281 = scf.for %scan3A_599 = %scan3A_277 to %scan3A_279 step %scan3A_280 iter_args(%scan3A_600 = %scan3A_276) -> (i32)  : i32 {
      %mul3A_601 = arith.constant 16 : i32
      %mul3A_602 = arith.muli %scan3A_599, %mul3A_601 : i32
      %get3A_603 = arith.index_cast %mul3A_602 : i32 to index
      %get3A_604 = tpu.vector_load %arg7[%get3A_603] {strides = array<i32>} : memref<64xf32, #tpu.memory_space<vmem>>, vector<16xf32>,
      %convert_element_type3A_605 = arith.fptosi %get3A_604 : vector<16xf32> to vector<16xi32>
      %mul3A_606 = arith.constant 16 : i32
      %mul3A_607 = arith.muli %scan3A_599, %mul3A_606 : i32
      %add3A_608 = arith.constant 0 : i32
      %add3A_609 = arith.addi %mul3A_607, %add3A_608 : i32
      %mul3A_610 = arith.constant 64 : i32
      %mul3A_611 = arith.muli %add3A_138, %mul3A_610 : i32
      %add3A_612 = arith.addi %add3A_609, %mul3A_611 : i32
      %add3A_613 = vector.broadcast %add3A_612 : i32 to vector<16xi32>
      %add3A_614 = arith.addi %iota3A, %add3A_613 : vector<16xi32>
      %mul3A_615 = arith.muli %convert_element_type3A_605, %add3A_614 : vector<16xi32>
      %sub3A_616 = arith.constant 1 : i32
      %sub3A_617 = vector.broadcast %sub3A_616 : i32 to vector<16xi32>
      %sub3A_618 = arith.subi %sub3A_617, %convert_element_type3A_605 : vector<16xi32>
      %mul3A_619 = vector.broadcast %add3A_260 : i32 to vector<16xi32>
      %mul3A_620 = arith.muli %sub3A_618, %mul3A_619 : vector<16xi32>
      %add3A_621 = arith.addi %mul3A_615, %mul3A_620 : vector<16xi32>
      %add3A_622 = arith.addi %sub3A_258, %scan3A_600 : i32
      %broadcast_in_dim3A_623 = arith.constant true
      %broadcast_in_dim3A_624 = vector.broadcast %broadcast_in_dim3A_623 : i1 to vector<16xi1>
      %masked_cumsum3A = tpu.scan <sum>, %convert_element_type3A_605 masked %broadcast_in_dim3A_624 : vector<16xi32>, vector<16xi1> -> vector<16xi32>
      %add3A_625 = vector.broadcast %add3A_622 : i32 to vector<16xi32>
      %add3A_626 = arith.addi %add3A_625, %masked_cumsum3A : vector<16xi32>
      %sub3A_627 = arith.constant 1 : i32
      %sub3A_628 = vector.broadcast %sub3A_627 : i32 to vector<16xi32>
      %sub3A_629 = arith.subi %add3A_626, %sub3A_628 : vector<16xi32>
      %mul3A_630 = arith.muli %convert_element_type3A_605, %sub3A_629 : vector<16xi32>
      %sub3A_631 = arith.constant 1 : i32
      %sub3A_632 = vector.broadcast %sub3A_631 : i32 to vector<16xi32>
      %sub3A_633 = arith.subi %sub3A_632, %convert_element_type3A_605 : vector<16xi32>
      %mul3A_634 = arith.constant 79 : i32
      %mul3A_635 = vector.broadcast %mul3A_634 : i32 to vector<16xi32>
      %mul3A_636 = arith.muli %sub3A_633, %mul3A_635 : vector<16xi32>
      %add3A_637 = arith.addi %mul3A_630, %mul3A_636 : vector<16xi32>
      tpu.vector_store_idx %arg9[%add3A_637], %add3A_621 : memref<80xi32, #tpu.memory_space<vmem>>[vector<16xi32>], vector<16xi32>,
      %reduce_sum3A_638 = arith.constant true
      %reduce_sum3A_639 = vector.broadcast %reduce_sum3A_638 : i1 to vector<16xi1>
      %reduce_sum3A_640 = tpu.scan <sum>, %convert_element_type3A_605 masked %reduce_sum3A_639 : vector<16xi32>, vector<16xi1> -> vector<16xi32>
      %reduce_sum3A_641 = vector.extract %reduce_sum3A_640[15] : i32 from vector<16xi32>
      %add3A_642 = arith.addi %scan3A_600, %reduce_sum3A_641 : i32
      scf.yield %add3A_642 : i32
    }
    %scan3A_282 = arith.constant 4 : i32
    %add3A_283 = arith.constant 0 : i32
    %add3A_284 = arith.addi %add3A_283, %mul3A_257 : i32
    "tpu.region"() ({
      %run_scoped3A = tpu.sem_alloc : memref<!tpu.dma_semaphore, #tpu.memory_space<semaphore_mem>>
      %dma_start3A_599 = arith.constant 0 : i32
      %dma_start3A_600 = tpu.memref_slice %arg5[%add3A_284, %dma_start3A_599] : memref<2560x128xf32, #tpu.memory_space<hbm>> -> memref<80x128xf32, #tpu.memory_space<hbm>>
      %dma_start3A_601 = arith.constant 0 : i32
      %dma_start3A_602 = tpu.memref_slice %arg5[%add3A_284, %dma_start3A_601] : memref<2560x128xf32, #tpu.memory_space<hbm>> -> memref<80x128xf32, #tpu.memory_space<hbm>>
      tpu.enqueue_dma source(%dma_start3A_602 : memref<80x128xf32, #tpu.memory_space<hbm>>) target(%arg11 : memref<80x128xf32, #tpu.memory_space<vmem>>) target_semaphore(%run_scoped3A : memref<!tpu.dma_semaphore, #tpu.memory_space<semaphore_mem>>)
      %dma_wait3A_603 = arith.constant 0 : i32
      %dma_wait3A_604 = tpu.memref_slice %arg5[%add3A_284, %dma_wait3A_603] : memref<2560x128xf32, #tpu.memory_space<hbm>> -> memref<80x128xf32, #tpu.memory_space<hbm>>
      %dma_wait3A_605 = arith.constant 0 : i32
      %dma_wait3A_606 = tpu.memref_slice %arg5[%add3A_284, %dma_wait3A_605] : memref<2560x128xf32, #tpu.memory_space<hbm>> -> memref<80x128xf32, #tpu.memory_space<hbm>>
      tpu.wait_dma2 semaphore(%run_scoped3A : memref<!tpu.dma_semaphore, #tpu.memory_space<semaphore_mem>>) src(%dma_wait3A_606 : memref<80x128xf32, #tpu.memory_space<hbm>>) dst(%arg11 : memref<80x128xf32, #tpu.memory_space<vmem>>)
      tpu.yield
    }) : () -> ()
    %dma_start3A_285 = arith.constant 0 : i32
    %dma_start3A_286 = arith.constant 0 : i32
    %dma_start3A_287 = tpu.memref_slice %arg6[%dma_start3A_285, %dma_start3A_286] : memref<8320x128xf32, #tpu.memory_space<hbm>> -> memref<8320x128xf32, #tpu.memory_space<hbm>>
    tpu.enqueue_indirect_dma source(%arg11 : memref<80x128xf32, #tpu.memory_space<vmem>>) target(%dma_start3A_287 : memref<8320x128xf32, #tpu.memory_space<hbm>>) offsets(%arg9 : memref<80xi32, #tpu.memory_space<vmem>>) semaphore(%arg12 : memref<!tpu.dma_semaphore, #tpu.memory_space<semaphore_mem>>)
    %dma_wait3A_288 = arith.constant 0 : i32
    %dma_wait3A_289 = arith.constant 0 : i32
    %dma_wait3A_290 = tpu.memref_slice %arg6[%dma_wait3A_288, %dma_wait3A_289] : memref<8320x128xf32, #tpu.memory_space<hbm>> -> memref<8320x128xf32, #tpu.memory_space<hbm>>
    tpu.wait_indirect_dma semaphore(%arg12 : memref<!tpu.dma_semaphore, #tpu.memory_space<semaphore_mem>>) src(%arg11 : memref<80x128xf32, #tpu.memory_space<vmem>>) dst(%dma_wait3A_290 : memref<8320x128xf32, #tpu.memory_space<hbm>>)
    "tpu.region"() ({
      %run_scoped3A = tpu.sem_alloc : memref<!tpu.dma_semaphore, #tpu.memory_space<semaphore_mem>>
      %dma_start3A_599 = arith.constant 64 : i32
      %dma_start3A_600 = tpu.memref_slice %arg4[%dma_start3A_599] : memref<128xf32, #tpu.memory_space<hbm>> -> memref<64xf32, #tpu.memory_space<hbm>>
      %dma_start3A_601 = arith.constant 64 : i32
      %dma_start3A_602 = tpu.memref_slice %arg4[%dma_start3A_601] : memref<128xf32, #tpu.memory_space<hbm>> -> memref<64xf32, #tpu.memory_space<hbm>>
      tpu.enqueue_dma source(%dma_start3A_602 : memref<64xf32, #tpu.memory_space<hbm>>) target(%arg8 : memref<64xf32, #tpu.memory_space<vmem>>) target_semaphore(%run_scoped3A : memref<!tpu.dma_semaphore, #tpu.memory_space<semaphore_mem>>)
      %dma_wait3A_603 = arith.constant 64 : i32
      %dma_wait3A_604 = tpu.memref_slice %arg4[%dma_wait3A_603] : memref<128xf32, #tpu.memory_space<hbm>> -> memref<64xf32, #tpu.memory_space<hbm>>
      %dma_wait3A_605 = arith.constant 64 : i32
      %dma_wait3A_606 = tpu.memref_slice %arg4[%dma_wait3A_605] : memref<128xf32, #tpu.memory_space<hbm>> -> memref<64xf32, #tpu.memory_space<hbm>>
      tpu.wait_dma2 semaphore(%run_scoped3A : memref<!tpu.dma_semaphore, #tpu.memory_space<semaphore_mem>>) src(%dma_wait3A_606 : memref<64xf32, #tpu.memory_space<hbm>>) dst(%arg8 : memref<64xf32, #tpu.memory_space<vmem>>)
      tpu.yield
    }) : () -> ()
    %add3A_291 = arith.constant 0 : i32
    %add3A_292 = arith.addi %add3A, %add3A_291 : i32
    %mul3A_293 = arith.constant 64 : i32
    %mul3A_294 = arith.muli %add3A_292, %mul3A_293 : i32
    %add3A_295 = arith.constant 4096 : i32
    %add3A_296 = arith.addi %add3A_295, %mul3A_294 : i32
    "tpu.region"() ({
      %run_scoped3A = tpu.sem_alloc : memref<!tpu.dma_semaphore, #tpu.memory_space<semaphore_mem>>
      %dma_start3A_599 = arith.constant 0 : i32
      %dma_start3A_600 = tpu.memref_slice %arg2[%add3A_296, %dma_start3A_599] : memref<8192x128xf32, #tpu.memory_space<hbm>> -> memref<64x128xf32, #tpu.memory_space<hbm>>
      %dma_start3A_601 = arith.constant 0 : i32
      %dma_start3A_602 = tpu.memref_slice %arg2[%add3A_296, %dma_start3A_601] : memref<8192x128xf32, #tpu.memory_space<hbm>> -> memref<64x128xf32, #tpu.memory_space<hbm>>
      tpu.enqueue_dma source(%dma_start3A_602 : memref<64x128xf32, #tpu.memory_space<hbm>>) target(%arg10 : memref<64x128xf32, #tpu.memory_space<vmem>>) target_semaphore(%run_scoped3A : memref<!tpu.dma_semaphore, #tpu.memory_space<semaphore_mem>>)
      %dma_wait3A_603 = arith.constant 0 : i32
      %dma_wait3A_604 = tpu.memref_slice %arg2[%add3A_296, %dma_wait3A_603] : memref<8192x128xf32, #tpu.memory_space<hbm>> -> memref<64x128xf32, #tpu.memory_space<hbm>>
      %dma_wait3A_605 = arith.constant 0 : i32
      %dma_wait3A_606 = tpu.memref_slice %arg2[%add3A_296, %dma_wait3A_605] : memref<8192x128xf32, #tpu.memory_space<hbm>> -> memref<64x128xf32, #tpu.memory_space<hbm>>
      tpu.wait_dma2 semaphore(%run_scoped3A : memref<!tpu.dma_semaphore, #tpu.memory_space<semaphore_mem>>) src(%dma_wait3A_606 : memref<64x128xf32, #tpu.memory_space<hbm>>) dst(%arg10 : memref<64x128xf32, #tpu.memory_space<vmem>>)
      tpu.yield
    }) : () -> ()
    %mul3A_297 = arith.constant 64 : i32
    %mul3A_298 = arith.muli %add3A_292, %mul3A_297 : i32
    %add3A_299 = arith.constant 4160 : i32
    %add3A_300 = arith.addi %add3A_299, %mul3A_298 : i32
    "tpu.region"() ({
      %run_scoped3A = tpu.sem_alloc : memref<!tpu.dma_semaphore, #tpu.memory_space<semaphore_mem>>
      %dma_start3A_599 = arith.constant 0 : i32
      %dma_start3A_600 = tpu.memref_slice %arg6[%add3A_300, %dma_start3A_599] : memref<8320x128xf32, #tpu.memory_space<hbm>> -> memref<64x128xf32, #tpu.memory_space<hbm>>
      %dma_start3A_601 = arith.constant 0 : i32
      %dma_start3A_602 = tpu.memref_slice %arg6[%add3A_300, %dma_start3A_601] : memref<8320x128xf32, #tpu.memory_space<hbm>> -> memref<64x128xf32, #tpu.memory_space<hbm>>
      tpu.enqueue_dma source(%arg10 : memref<64x128xf32, #tpu.memory_space<vmem>>) target(%dma_start3A_602 : memref<64x128xf32, #tpu.memory_space<hbm>>) target_semaphore(%run_scoped3A : memref<!tpu.dma_semaphore, #tpu.memory_space<semaphore_mem>>)
      %dma_wait3A_603 = arith.constant 0 : i32
      %dma_wait3A_604 = tpu.memref_slice %arg6[%add3A_300, %dma_wait3A_603] : memref<8320x128xf32, #tpu.memory_space<hbm>> -> memref<64x128xf32, #tpu.memory_space<hbm>>
      %dma_wait3A_605 = arith.constant 0 : i32
      %dma_wait3A_606 = tpu.memref_slice %arg6[%add3A_300, %dma_wait3A_605] : memref<8320x128xf32, #tpu.memory_space<hbm>> -> memref<64x128xf32, #tpu.memory_space<hbm>>
      tpu.wait_dma2 semaphore(%run_scoped3A : memref<!tpu.dma_semaphore, #tpu.memory_space<semaphore_mem>>) src(%arg10 : memref<64x128xf32, #tpu.memory_space<vmem>>) dst(%dma_wait3A_606 : memref<64x128xf32, #tpu.memory_space<hbm>>)
      tpu.yield
    }) : () -> ()
    %add3A_301 = arith.constant 0 : i32
    %add3A_302 = vector.broadcast %add3A_301 : i32 to vector<16xi32>
    %add3A_303 = arith.addi %iota3A, %add3A_302 : vector<16xi32>
    %sub3A_304 = vector.broadcast %add3A_292 : i32 to vector<16xi32>
    %sub3A_305 = arith.subi %add3A_303, %sub3A_304 : vector<16xi32>
    %abs3A_306 = math.absi %sub3A_305 : vector<16xi32>
    %min3A_307 = arith.constant 1 : i32
    %min3A_308 = vector.broadcast %min3A_307 : i32 to vector<16xi32>
    %min3A_309 = arith.minsi %abs3A_306, %min3A_308 : vector<16xi32>
    %sub3A_310 = arith.constant 1 : i32
    %sub3A_311 = vector.broadcast %sub3A_310 : i32 to vector<16xi32>
    %sub3A_312 = arith.subi %sub3A_311, %min3A_309 : vector<16xi32>
    %get3A_313 = arith.constant 0 : index
    %get3A_314 = tpu.vector_load %arg8[%get3A_313] {strides = array<i32>} : memref<64xf32, #tpu.memory_space<vmem>>, vector<16xf32>,
    %convert_element_type3A_315 = arith.fptosi %get3A_314 : vector<16xf32> to vector<16xi32>
    %mul3A_316 = arith.muli %convert_element_type3A_315, %sub3A_312 : vector<16xi32>
    %reduce_sum3A_317 = arith.constant true
    %reduce_sum3A_318 = vector.broadcast %reduce_sum3A_317 : i1 to vector<16xi1>
    %reduce_sum3A_319 = tpu.scan <sum>, %mul3A_316 masked %reduce_sum3A_318 : vector<16xi32>, vector<16xi1> -> vector<16xi32>
    %reduce_sum3A_320 = vector.extract %reduce_sum3A_319[15] : i32 from vector<16xi32>
    %add3A_321 = arith.constant 0 : i32
    %add3A_322 = arith.addi %add3A_321, %reduce_sum3A_320 : i32
    %add3A_323 = arith.constant 16 : i32
    %add3A_324 = vector.broadcast %add3A_323 : i32 to vector<16xi32>
    %add3A_325 = arith.addi %iota3A, %add3A_324 : vector<16xi32>
    %sub3A_326 = vector.broadcast %add3A_292 : i32 to vector<16xi32>
    %sub3A_327 = arith.subi %add3A_325, %sub3A_326 : vector<16xi32>
    %abs3A_328 = math.absi %sub3A_327 : vector<16xi32>
    %min3A_329 = arith.constant 1 : i32
    %min3A_330 = vector.broadcast %min3A_329 : i32 to vector<16xi32>
    %min3A_331 = arith.minsi %abs3A_328, %min3A_330 : vector<16xi32>
    %sub3A_332 = arith.constant 1 : i32
    %sub3A_333 = vector.broadcast %sub3A_332 : i32 to vector<16xi32>
    %sub3A_334 = arith.subi %sub3A_333, %min3A_331 : vector<16xi32>
    %get3A_335 = arith.constant 16 : index
    %get3A_336 = tpu.vector_load %arg8[%get3A_335] {strides = array<i32>} : memref<64xf32, #tpu.memory_space<vmem>>, vector<16xf32>,
    %convert_element_type3A_337 = arith.fptosi %get3A_336 : vector<16xf32> to vector<16xi32>
    %mul3A_338 = arith.muli %convert_element_type3A_337, %sub3A_334 : vector<16xi32>
    %reduce_sum3A_339 = arith.constant true
    %reduce_sum3A_340 = vector.broadcast %reduce_sum3A_339 : i1 to vector<16xi1>
    %reduce_sum3A_341 = tpu.scan <sum>, %mul3A_338 masked %reduce_sum3A_340 : vector<16xi32>, vector<16xi1> -> vector<16xi32>
    %reduce_sum3A_342 = vector.extract %reduce_sum3A_341[15] : i32 from vector<16xi32>
    %add3A_343 = arith.addi %add3A_322, %reduce_sum3A_342 : i32
    %add3A_344 = arith.constant 32 : i32
    %add3A_345 = vector.broadcast %add3A_344 : i32 to vector<16xi32>
    %add3A_346 = arith.addi %iota3A, %add3A_345 : vector<16xi32>
    %sub3A_347 = vector.broadcast %add3A_292 : i32 to vector<16xi32>
    %sub3A_348 = arith.subi %add3A_346, %sub3A_347 : vector<16xi32>
    %abs3A_349 = math.absi %sub3A_348 : vector<16xi32>
    %min3A_350 = arith.constant 1 : i32
    %min3A_351 = vector.broadcast %min3A_350 : i32 to vector<16xi32>
    %min3A_352 = arith.minsi %abs3A_349, %min3A_351 : vector<16xi32>
    %sub3A_353 = arith.constant 1 : i32
    %sub3A_354 = vector.broadcast %sub3A_353 : i32 to vector<16xi32>
    %sub3A_355 = arith.subi %sub3A_354, %min3A_352 : vector<16xi32>
    %get3A_356 = arith.constant 32 : index
    %get3A_357 = tpu.vector_load %arg8[%get3A_356] {strides = array<i32>} : memref<64xf32, #tpu.memory_space<vmem>>, vector<16xf32>,
    %convert_element_type3A_358 = arith.fptosi %get3A_357 : vector<16xf32> to vector<16xi32>
    %mul3A_359 = arith.muli %convert_element_type3A_358, %sub3A_355 : vector<16xi32>
    %reduce_sum3A_360 = arith.constant true
    %reduce_sum3A_361 = vector.broadcast %reduce_sum3A_360 : i1 to vector<16xi1>
    %reduce_sum3A_362 = tpu.scan <sum>, %mul3A_359 masked %reduce_sum3A_361 : vector<16xi32>, vector<16xi1> -> vector<16xi32>
    %reduce_sum3A_363 = vector.extract %reduce_sum3A_362[15] : i32 from vector<16xi32>
    %add3A_364 = arith.addi %add3A_343, %reduce_sum3A_363 : i32
    %add3A_365 = arith.constant 48 : i32
    %add3A_366 = vector.broadcast %add3A_365 : i32 to vector<16xi32>
    %add3A_367 = arith.addi %iota3A, %add3A_366 : vector<16xi32>
    %sub3A_368 = vector.broadcast %add3A_292 : i32 to vector<16xi32>
    %sub3A_369 = arith.subi %add3A_367, %sub3A_368 : vector<16xi32>
    %abs3A_370 = math.absi %sub3A_369 : vector<16xi32>
    %min3A_371 = arith.constant 1 : i32
    %min3A_372 = vector.broadcast %min3A_371 : i32 to vector<16xi32>
    %min3A_373 = arith.minsi %abs3A_370, %min3A_372 : vector<16xi32>
    %sub3A_374 = arith.constant 1 : i32
    %sub3A_375 = vector.broadcast %sub3A_374 : i32 to vector<16xi32>
    %sub3A_376 = arith.subi %sub3A_375, %min3A_373 : vector<16xi32>
    %get3A_377 = arith.constant 48 : index
    %get3A_378 = tpu.vector_load %arg8[%get3A_377] {strides = array<i32>} : memref<64xf32, #tpu.memory_space<vmem>>, vector<16xf32>,
    %convert_element_type3A_379 = arith.fptosi %get3A_378 : vector<16xf32> to vector<16xi32>
    %mul3A_380 = arith.muli %convert_element_type3A_379, %sub3A_376 : vector<16xi32>
    %reduce_sum3A_381 = arith.constant true
    %reduce_sum3A_382 = vector.broadcast %reduce_sum3A_381 : i1 to vector<16xi1>
    %reduce_sum3A_383 = tpu.scan <sum>, %mul3A_380 masked %reduce_sum3A_382 : vector<16xi32>, vector<16xi1> -> vector<16xi32>
    %reduce_sum3A_384 = vector.extract %reduce_sum3A_383[15] : i32 from vector<16xi32>
    %add3A_385 = arith.addi %add3A_364, %reduce_sum3A_384 : i32
    %jit3A_386 = arith.constant 8 : i32
    %div3A_387 = arith.divsi %add3A_385, %jit3A_386 : i32
    %sign3A_388 = arith.constant 0 : i32
    %sign3A_389 = arith.cmpi sgt, %add3A_385, %sign3A_388 : i32
    %sign3A_390 = arith.extui %sign3A_389 : i1 to i32
    %sign3A_391 = arith.constant 0 : i32
    %sign3A_392 = arith.cmpi slt, %add3A_385, %sign3A_391 : i32
    %sign3A_393 = arith.extui %sign3A_392 : i1 to i32
    %sign3A_394 = arith.subi %sign3A_390, %sign3A_393 : i32
    %sign3A_395 = arith.constant 0 : i32
    %sign3A_396 = arith.cmpi sgt, %jit3A_386, %sign3A_395 : i32
    %sign3A_397 = arith.extui %sign3A_396 : i1 to i32
    %sign3A_398 = arith.constant 0 : i32
    %sign3A_399 = arith.cmpi slt, %jit3A_386, %sign3A_398 : i32
    %sign3A_400 = arith.extui %sign3A_399 : i1 to i32
    %sign3A_401 = arith.subi %sign3A_397, %sign3A_400 : i32
    %ne3A_402 = arith.cmpi ne, %sign3A_394, %sign3A_401 : i32
    %rem3A_403 = arith.remsi %add3A_385, %jit3A_386 : i32
    %ne3A_404 = arith.constant 0 : i32
    %ne3A_405 = arith.cmpi ne, %rem3A_403, %ne3A_404 : i32
    %and3A_406 = arith.andi %ne3A_402, %ne3A_405 : i1
    %sub3A_407 = arith.constant 1 : i32
    %sub3A_408 = arith.subi %div3A_387, %sub3A_407 : i32
    %select_n3A_409 = arith.select %and3A_406, %sub3A_408, %div3A_387 : i32
    %mul3A_410 = arith.constant 8 : i32
    %mul3A_411 = arith.muli %select_n3A_409, %mul3A_410 : i32
    %sub3A_412 = arith.subi %add3A_385, %mul3A_411 : i32
    "tpu.region"() ({
      %run_scoped3A = tpu.sem_alloc : memref<!tpu.dma_semaphore, #tpu.memory_space<semaphore_mem>>
      %dma_start3A_599 = tpu.memref_slice %arg3[%add3A_296] : memref<8192xf32, #tpu.memory_space<hbm>> -> memref<64xf32, #tpu.memory_space<hbm>>
      %dma_start3A_600 = tpu.memref_slice %arg3[%add3A_296] : memref<8192xf32, #tpu.memory_space<hbm>> -> memref<64xf32, #tpu.memory_space<hbm>>
      tpu.enqueue_dma source(%dma_start3A_600 : memref<64xf32, #tpu.memory_space<hbm>>) target(%arg7 : memref<64xf32, #tpu.memory_space<vmem>>) target_semaphore(%run_scoped3A : memref<!tpu.dma_semaphore, #tpu.memory_space<semaphore_mem>>)
      %dma_wait3A_601 = tpu.memref_slice %arg3[%add3A_296] : memref<8192xf32, #tpu.memory_space<hbm>> -> memref<64xf32, #tpu.memory_space<hbm>>
      %dma_wait3A_602 = tpu.memref_slice %arg3[%add3A_296] : memref<8192xf32, #tpu.memory_space<hbm>> -> memref<64xf32, #tpu.memory_space<hbm>>
      tpu.wait_dma2 semaphore(%run_scoped3A : memref<!tpu.dma_semaphore, #tpu.memory_space<semaphore_mem>>) src(%dma_wait3A_602 : memref<64xf32, #tpu.memory_space<hbm>>) dst(%arg7 : memref<64xf32, #tpu.memory_space<vmem>>)
      tpu.yield
    }) : () -> ()
    %add3A_413 = arith.constant 8256 : i32
    %add3A_414 = arith.addi %add3A_413, %add3A_292 : i32
    %broadcast_in_dim3A_415 = vector.broadcast %add3A_414 : i32 to vector<16xi32>
    %swap3A_416 = arith.constant 0 : index
    %swap3A_417 = tpu.vector_load %arg9[%swap3A_416] {strides = array<i32>} : memref<80xi32, #tpu.memory_space<vmem>>, vector<16xi32>,
    tpu.vector_store %arg9[%swap3A_416], %broadcast_in_dim3A_415 {strides = array<i32>} : memref<80xi32, #tpu.memory_space<vmem>>, vector<16xi32>,
    %broadcast_in_dim3A_418 = vector.broadcast %add3A_414 : i32 to vector<16xi32>
    %swap3A_419 = arith.constant 16 : index
    %swap3A_420 = tpu.vector_load %arg9[%swap3A_419] {strides = array<i32>} : memref<80xi32, #tpu.memory_space<vmem>>, vector<16xi32>,
    tpu.vector_store %arg9[%swap3A_419], %broadcast_in_dim3A_418 {strides = array<i32>} : memref<80xi32, #tpu.memory_space<vmem>>, vector<16xi32>,
    %broadcast_in_dim3A_421 = vector.broadcast %add3A_414 : i32 to vector<16xi32>
    %swap3A_422 = arith.constant 32 : index
    %swap3A_423 = tpu.vector_load %arg9[%swap3A_422] {strides = array<i32>} : memref<80xi32, #tpu.memory_space<vmem>>, vector<16xi32>,
    tpu.vector_store %arg9[%swap3A_422], %broadcast_in_dim3A_421 {strides = array<i32>} : memref<80xi32, #tpu.memory_space<vmem>>, vector<16xi32>,
    %broadcast_in_dim3A_424 = vector.broadcast %add3A_414 : i32 to vector<16xi32>
    %swap3A_425 = arith.constant 48 : index
    %swap3A_426 = tpu.vector_load %arg9[%swap3A_425] {strides = array<i32>} : memref<80xi32, #tpu.memory_space<vmem>>, vector<16xi32>,
    tpu.vector_store %arg9[%swap3A_425], %broadcast_in_dim3A_424 {strides = array<i32>} : memref<80xi32, #tpu.memory_space<vmem>>, vector<16xi32>,
    %broadcast_in_dim3A_427 = vector.broadcast %add3A_414 : i32 to vector<16xi32>
    %swap3A_428 = arith.constant 64 : index
    %swap3A_429 = tpu.vector_load %arg9[%swap3A_428] {strides = array<i32>} : memref<80xi32, #tpu.memory_space<vmem>>, vector<16xi32>,
    tpu.vector_store %arg9[%swap3A_428], %broadcast_in_dim3A_427 {strides = array<i32>} : memref<80xi32, #tpu.memory_space<vmem>>, vector<16xi32>,
    %scan3A_430 = arith.constant 0 : i32
    %scan3A_431 = arith.constant 0 : i32
    %scan3A_432 = arith.constant 4 : i32
    %scan3A_433 = arith.addi %scan3A_431, %scan3A_432 : i32
    %scan3A_434 = arith.constant 1 : i32
    %scan3A_435 = scf.for %scan3A_599 = %scan3A_431 to %scan3A_433 step %scan3A_434 iter_args(%scan3A_600 = %scan3A_430) -> (i32)  : i32 {
      %mul3A_601 = arith.constant 16 : i32
      %mul3A_602 = arith.muli %scan3A_599, %mul3A_601 : i32
      %get3A_603 = arith.index_cast %mul3A_602 : i32 to index
      %get3A_604 = tpu.vector_load %arg7[%get3A_603] {strides = array<i32>} : memref<64xf32, #tpu.memory_space<vmem>>, vector<16xf32>,
      %convert_element_type3A_605 = arith.fptosi %get3A_604 : vector<16xf32> to vector<16xi32>
      %mul3A_606 = arith.constant 16 : i32
      %mul3A_607 = arith.muli %scan3A_599, %mul3A_606 : i32
      %add3A_608 = arith.constant 4160 : i32
      %add3A_609 = arith.addi %mul3A_607, %add3A_608 : i32
      %mul3A_610 = arith.constant 64 : i32
      %mul3A_611 = arith.muli %add3A_292, %mul3A_610 : i32
      %add3A_612 = arith.addi %add3A_609, %mul3A_611 : i32
      %add3A_613 = vector.broadcast %add3A_612 : i32 to vector<16xi32>
      %add3A_614 = arith.addi %iota3A, %add3A_613 : vector<16xi32>
      %mul3A_615 = arith.muli %convert_element_type3A_605, %add3A_614 : vector<16xi32>
      %sub3A_616 = arith.constant 1 : i32
      %sub3A_617 = vector.broadcast %sub3A_616 : i32 to vector<16xi32>
      %sub3A_618 = arith.subi %sub3A_617, %convert_element_type3A_605 : vector<16xi32>
      %mul3A_619 = vector.broadcast %add3A_414 : i32 to vector<16xi32>
      %mul3A_620 = arith.muli %sub3A_618, %mul3A_619 : vector<16xi32>
      %add3A_621 = arith.addi %mul3A_615, %mul3A_620 : vector<16xi32>
      %add3A_622 = arith.addi %sub3A_412, %scan3A_600 : i32
      %broadcast_in_dim3A_623 = arith.constant true
      %broadcast_in_dim3A_624 = vector.broadcast %broadcast_in_dim3A_623 : i1 to vector<16xi1>
      %masked_cumsum3A = tpu.scan <sum>, %convert_element_type3A_605 masked %broadcast_in_dim3A_624 : vector<16xi32>, vector<16xi1> -> vector<16xi32>
      %add3A_625 = vector.broadcast %add3A_622 : i32 to vector<16xi32>
      %add3A_626 = arith.addi %add3A_625, %masked_cumsum3A : vector<16xi32>
      %sub3A_627 = arith.constant 1 : i32
      %sub3A_628 = vector.broadcast %sub3A_627 : i32 to vector<16xi32>
      %sub3A_629 = arith.subi %add3A_626, %sub3A_628 : vector<16xi32>
      %mul3A_630 = arith.muli %convert_element_type3A_605, %sub3A_629 : vector<16xi32>
      %sub3A_631 = arith.constant 1 : i32
      %sub3A_632 = vector.broadcast %sub3A_631 : i32 to vector<16xi32>
      %sub3A_633 = arith.subi %sub3A_632, %convert_element_type3A_605 : vector<16xi32>
      %mul3A_634 = arith.constant 79 : i32
      %mul3A_635 = vector.broadcast %mul3A_634 : i32 to vector<16xi32>
      %mul3A_636 = arith.muli %sub3A_633, %mul3A_635 : vector<16xi32>
      %add3A_637 = arith.addi %mul3A_630, %mul3A_636 : vector<16xi32>
      tpu.vector_store_idx %arg9[%add3A_637], %add3A_621 : memref<80xi32, #tpu.memory_space<vmem>>[vector<16xi32>], vector<16xi32>,
      %reduce_sum3A_638 = arith.constant true
      %reduce_sum3A_639 = vector.broadcast %reduce_sum3A_638 : i1 to vector<16xi1>
      %reduce_sum3A_640 = tpu.scan <sum>, %convert_element_type3A_605 masked %reduce_sum3A_639 : vector<16xi32>, vector<16xi1> -> vector<16xi32>
      %reduce_sum3A_641 = vector.extract %reduce_sum3A_640[15] : i32 from vector<16xi32>
      %add3A_642 = arith.addi %scan3A_600, %reduce_sum3A_641 : i32
      scf.yield %add3A_642 : i32
    }
    %scan3A_436 = arith.constant 4 : i32
    %add3A_437 = arith.constant 1280 : i32
    %add3A_438 = arith.addi %add3A_437, %mul3A_411 : i32
    "tpu.region"() ({
      %run_scoped3A = tpu.sem_alloc : memref<!tpu.dma_semaphore, #tpu.memory_space<semaphore_mem>>
      %dma_start3A_599 = arith.constant 0 : i32
      %dma_start3A_600 = tpu.memref_slice %arg5[%add3A_438, %dma_start3A_599] : memref<2560x128xf32, #tpu.memory_space<hbm>> -> memref<80x128xf32, #tpu.memory_space<hbm>>
      %dma_start3A_601 = arith.constant 0 : i32
      %dma_start3A_602 = tpu.memref_slice %arg5[%add3A_438, %dma_start3A_601] : memref<2560x128xf32, #tpu.memory_space<hbm>> -> memref<80x128xf32, #tpu.memory_space<hbm>>
      tpu.enqueue_dma source(%dma_start3A_602 : memref<80x128xf32, #tpu.memory_space<hbm>>) target(%arg11 : memref<80x128xf32, #tpu.memory_space<vmem>>) target_semaphore(%run_scoped3A : memref<!tpu.dma_semaphore, #tpu.memory_space<semaphore_mem>>)
      %dma_wait3A_603 = arith.constant 0 : i32
      %dma_wait3A_604 = tpu.memref_slice %arg5[%add3A_438, %dma_wait3A_603] : memref<2560x128xf32, #tpu.memory_space<hbm>> -> memref<80x128xf32, #tpu.memory_space<hbm>>
      %dma_wait3A_605 = arith.constant 0 : i32
      %dma_wait3A_606 = tpu.memref_slice %arg5[%add3A_438, %dma_wait3A_605] : memref<2560x128xf32, #tpu.memory_space<hbm>> -> memref<80x128xf32, #tpu.memory_space<hbm>>
      tpu.wait_dma2 semaphore(%run_scoped3A : memref<!tpu.dma_semaphore, #tpu.memory_space<semaphore_mem>>) src(%dma_wait3A_606 : memref<80x128xf32, #tpu.memory_space<hbm>>) dst(%arg11 : memref<80x128xf32, #tpu.memory_space<vmem>>)
      tpu.yield
    }) : () -> ()
    %dma_start3A_439 = arith.constant 0 : i32
    %dma_start3A_440 = arith.constant 0 : i32
    %dma_start3A_441 = tpu.memref_slice %arg6[%dma_start3A_439, %dma_start3A_440] : memref<8320x128xf32, #tpu.memory_space<hbm>> -> memref<8320x128xf32, #tpu.memory_space<hbm>>
    tpu.enqueue_indirect_dma source(%arg11 : memref<80x128xf32, #tpu.memory_space<vmem>>) target(%dma_start3A_441 : memref<8320x128xf32, #tpu.memory_space<hbm>>) offsets(%arg9 : memref<80xi32, #tpu.memory_space<vmem>>) semaphore(%arg12 : memref<!tpu.dma_semaphore, #tpu.memory_space<semaphore_mem>>)
    %dma_wait3A_442 = arith.constant 0 : i32
    %dma_wait3A_443 = arith.constant 0 : i32
    %dma_wait3A_444 = tpu.memref_slice %arg6[%dma_wait3A_442, %dma_wait3A_443] : memref<8320x128xf32, #tpu.memory_space<hbm>> -> memref<8320x128xf32, #tpu.memory_space<hbm>>
    tpu.wait_indirect_dma semaphore(%arg12 : memref<!tpu.dma_semaphore, #tpu.memory_space<semaphore_mem>>) src(%arg11 : memref<80x128xf32, #tpu.memory_space<vmem>>) dst(%dma_wait3A_444 : memref<8320x128xf32, #tpu.memory_space<hbm>>)
    %add3A_445 = arith.constant 32 : i32
    %add3A_446 = arith.addi %add3A, %add3A_445 : i32
    %mul3A_447 = arith.constant 64 : i32
    %mul3A_448 = arith.muli %add3A_446, %mul3A_447 : i32
    %add3A_449 = arith.constant 4096 : i32
    %add3A_450 = arith.addi %add3A_449, %mul3A_448 : i32
    "tpu.region"() ({
      %run_scoped3A = tpu.sem_alloc : memref<!tpu.dma_semaphore, #tpu.memory_space<semaphore_mem>>
      %dma_start3A_599 = arith.constant 0 : i32
      %dma_start3A_600 = tpu.memref_slice %arg2[%add3A_450, %dma_start3A_599] : memref<8192x128xf32, #tpu.memory_space<hbm>> -> memref<64x128xf32, #tpu.memory_space<hbm>>
      %dma_start3A_601 = arith.constant 0 : i32
      %dma_start3A_602 = tpu.memref_slice %arg2[%add3A_450, %dma_start3A_601] : memref<8192x128xf32, #tpu.memory_space<hbm>> -> memref<64x128xf32, #tpu.memory_space<hbm>>
      tpu.enqueue_dma source(%dma_start3A_602 : memref<64x128xf32, #tpu.memory_space<hbm>>) target(%arg10 : memref<64x128xf32, #tpu.memory_space<vmem>>) target_semaphore(%run_scoped3A : memref<!tpu.dma_semaphore, #tpu.memory_space<semaphore_mem>>)
      %dma_wait3A_603 = arith.constant 0 : i32
      %dma_wait3A_604 = tpu.memref_slice %arg2[%add3A_450, %dma_wait3A_603] : memref<8192x128xf32, #tpu.memory_space<hbm>> -> memref<64x128xf32, #tpu.memory_space<hbm>>
      %dma_wait3A_605 = arith.constant 0 : i32
      %dma_wait3A_606 = tpu.memref_slice %arg2[%add3A_450, %dma_wait3A_605] : memref<8192x128xf32, #tpu.memory_space<hbm>> -> memref<64x128xf32, #tpu.memory_space<hbm>>
      tpu.wait_dma2 semaphore(%run_scoped3A : memref<!tpu.dma_semaphore, #tpu.memory_space<semaphore_mem>>) src(%dma_wait3A_606 : memref<64x128xf32, #tpu.memory_space<hbm>>) dst(%arg10 : memref<64x128xf32, #tpu.memory_space<vmem>>)
      tpu.yield
    }) : () -> ()
    %mul3A_451 = arith.constant 64 : i32
    %mul3A_452 = arith.muli %add3A_446, %mul3A_451 : i32
    %add3A_453 = arith.constant 4160 : i32
    %add3A_454 = arith.addi %add3A_453, %mul3A_452 : i32
    "tpu.region"() ({
      %run_scoped3A = tpu.sem_alloc : memref<!tpu.dma_semaphore, #tpu.memory_space<semaphore_mem>>
      %dma_start3A_599 = arith.constant 0 : i32
      %dma_start3A_600 = tpu.memref_slice %arg6[%add3A_454, %dma_start3A_599] : memref<8320x128xf32, #tpu.memory_space<hbm>> -> memref<64x128xf32, #tpu.memory_space<hbm>>
      %dma_start3A_601 = arith.constant 0 : i32
      %dma_start3A_602 = tpu.memref_slice %arg6[%add3A_454, %dma_start3A_601] : memref<8320x128xf32, #tpu.memory_space<hbm>> -> memref<64x128xf32, #tpu.memory_space<hbm>>
      tpu.enqueue_dma source(%arg10 : memref<64x128xf32, #tpu.memory_space<vmem>>) target(%dma_start3A_602 : memref<64x128xf32, #tpu.memory_space<hbm>>) target_semaphore(%run_scoped3A : memref<!tpu.dma_semaphore, #tpu.memory_space<semaphore_mem>>)
      %dma_wait3A_603 = arith.constant 0 : i32
      %dma_wait3A_604 = tpu.memref_slice %arg6[%add3A_454, %dma_wait3A_603] : memref<8320x128xf32, #tpu.memory_space<hbm>> -> memref<64x128xf32, #tpu.memory_space<hbm>>
      %dma_wait3A_605 = arith.constant 0 : i32
      %dma_wait3A_606 = tpu.memref_slice %arg6[%add3A_454, %dma_wait3A_605] : memref<8320x128xf32, #tpu.memory_space<hbm>> -> memref<64x128xf32, #tpu.memory_space<hbm>>
      tpu.wait_dma2 semaphore(%run_scoped3A : memref<!tpu.dma_semaphore, #tpu.memory_space<semaphore_mem>>) src(%arg10 : memref<64x128xf32, #tpu.memory_space<vmem>>) dst(%dma_wait3A_606 : memref<64x128xf32, #tpu.memory_space<hbm>>)
      tpu.yield
    }) : () -> ()
    %add3A_455 = arith.constant 0 : i32
    %add3A_456 = vector.broadcast %add3A_455 : i32 to vector<16xi32>
    %add3A_457 = arith.addi %iota3A, %add3A_456 : vector<16xi32>
    %sub3A_458 = vector.broadcast %add3A_446 : i32 to vector<16xi32>
    %sub3A_459 = arith.subi %add3A_457, %sub3A_458 : vector<16xi32>
    %abs3A_460 = math.absi %sub3A_459 : vector<16xi32>
    %min3A_461 = arith.constant 1 : i32
    %min3A_462 = vector.broadcast %min3A_461 : i32 to vector<16xi32>
    %min3A_463 = arith.minsi %abs3A_460, %min3A_462 : vector<16xi32>
    %sub3A_464 = arith.constant 1 : i32
    %sub3A_465 = vector.broadcast %sub3A_464 : i32 to vector<16xi32>
    %sub3A_466 = arith.subi %sub3A_465, %min3A_463 : vector<16xi32>
    %get3A_467 = arith.constant 0 : index
    %get3A_468 = tpu.vector_load %arg8[%get3A_467] {strides = array<i32>} : memref<64xf32, #tpu.memory_space<vmem>>, vector<16xf32>,
    %convert_element_type3A_469 = arith.fptosi %get3A_468 : vector<16xf32> to vector<16xi32>
    %mul3A_470 = arith.muli %convert_element_type3A_469, %sub3A_466 : vector<16xi32>
    %reduce_sum3A_471 = arith.constant true
    %reduce_sum3A_472 = vector.broadcast %reduce_sum3A_471 : i1 to vector<16xi1>
    %reduce_sum3A_473 = tpu.scan <sum>, %mul3A_470 masked %reduce_sum3A_472 : vector<16xi32>, vector<16xi1> -> vector<16xi32>
    %reduce_sum3A_474 = vector.extract %reduce_sum3A_473[15] : i32 from vector<16xi32>
    %add3A_475 = arith.constant 0 : i32
    %add3A_476 = arith.addi %add3A_475, %reduce_sum3A_474 : i32
    %add3A_477 = arith.constant 16 : i32
    %add3A_478 = vector.broadcast %add3A_477 : i32 to vector<16xi32>
    %add3A_479 = arith.addi %iota3A, %add3A_478 : vector<16xi32>
    %sub3A_480 = vector.broadcast %add3A_446 : i32 to vector<16xi32>
    %sub3A_481 = arith.subi %add3A_479, %sub3A_480 : vector<16xi32>
    %abs3A_482 = math.absi %sub3A_481 : vector<16xi32>
    %min3A_483 = arith.constant 1 : i32
    %min3A_484 = vector.broadcast %min3A_483 : i32 to vector<16xi32>
    %min3A_485 = arith.minsi %abs3A_482, %min3A_484 : vector<16xi32>
    %sub3A_486 = arith.constant 1 : i32
    %sub3A_487 = vector.broadcast %sub3A_486 : i32 to vector<16xi32>
    %sub3A_488 = arith.subi %sub3A_487, %min3A_485 : vector<16xi32>
    %get3A_489 = arith.constant 16 : index
    %get3A_490 = tpu.vector_load %arg8[%get3A_489] {strides = array<i32>} : memref<64xf32, #tpu.memory_space<vmem>>, vector<16xf32>,
    %convert_element_type3A_491 = arith.fptosi %get3A_490 : vector<16xf32> to vector<16xi32>
    %mul3A_492 = arith.muli %convert_element_type3A_491, %sub3A_488 : vector<16xi32>
    %reduce_sum3A_493 = arith.constant true
    %reduce_sum3A_494 = vector.broadcast %reduce_sum3A_493 : i1 to vector<16xi1>
    %reduce_sum3A_495 = tpu.scan <sum>, %mul3A_492 masked %reduce_sum3A_494 : vector<16xi32>, vector<16xi1> -> vector<16xi32>
    %reduce_sum3A_496 = vector.extract %reduce_sum3A_495[15] : i32 from vector<16xi32>
    %add3A_497 = arith.addi %add3A_476, %reduce_sum3A_496 : i32
    %add3A_498 = arith.constant 32 : i32
    %add3A_499 = vector.broadcast %add3A_498 : i32 to vector<16xi32>
    %add3A_500 = arith.addi %iota3A, %add3A_499 : vector<16xi32>
    %sub3A_501 = vector.broadcast %add3A_446 : i32 to vector<16xi32>
    %sub3A_502 = arith.subi %add3A_500, %sub3A_501 : vector<16xi32>
    %abs3A_503 = math.absi %sub3A_502 : vector<16xi32>
    %min3A_504 = arith.constant 1 : i32
    %min3A_505 = vector.broadcast %min3A_504 : i32 to vector<16xi32>
    %min3A_506 = arith.minsi %abs3A_503, %min3A_505 : vector<16xi32>
    %sub3A_507 = arith.constant 1 : i32
    %sub3A_508 = vector.broadcast %sub3A_507 : i32 to vector<16xi32>
    %sub3A_509 = arith.subi %sub3A_508, %min3A_506 : vector<16xi32>
    %get3A_510 = arith.constant 32 : index
    %get3A_511 = tpu.vector_load %arg8[%get3A_510] {strides = array<i32>} : memref<64xf32, #tpu.memory_space<vmem>>, vector<16xf32>,
    %convert_element_type3A_512 = arith.fptosi %get3A_511 : vector<16xf32> to vector<16xi32>
    %mul3A_513 = arith.muli %convert_element_type3A_512, %sub3A_509 : vector<16xi32>
    %reduce_sum3A_514 = arith.constant true
    %reduce_sum3A_515 = vector.broadcast %reduce_sum3A_514 : i1 to vector<16xi1>
    %reduce_sum3A_516 = tpu.scan <sum>, %mul3A_513 masked %reduce_sum3A_515 : vector<16xi32>, vector<16xi1> -> vector<16xi32>
    %reduce_sum3A_517 = vector.extract %reduce_sum3A_516[15] : i32 from vector<16xi32>
    %add3A_518 = arith.addi %add3A_497, %reduce_sum3A_517 : i32
    %add3A_519 = arith.constant 48 : i32
    %add3A_520 = vector.broadcast %add3A_519 : i32 to vector<16xi32>
    %add3A_521 = arith.addi %iota3A, %add3A_520 : vector<16xi32>
    %sub3A_522 = vector.broadcast %add3A_446 : i32 to vector<16xi32>
    %sub3A_523 = arith.subi %add3A_521, %sub3A_522 : vector<16xi32>
    %abs3A_524 = math.absi %sub3A_523 : vector<16xi32>
    %min3A_525 = arith.constant 1 : i32
    %min3A_526 = vector.broadcast %min3A_525 : i32 to vector<16xi32>
    %min3A_527 = arith.minsi %abs3A_524, %min3A_526 : vector<16xi32>
    %sub3A_528 = arith.constant 1 : i32
    %sub3A_529 = vector.broadcast %sub3A_528 : i32 to vector<16xi32>
    %sub3A_530 = arith.subi %sub3A_529, %min3A_527 : vector<16xi32>
    %get3A_531 = arith.constant 48 : index
    %get3A_532 = tpu.vector_load %arg8[%get3A_531] {strides = array<i32>} : memref<64xf32, #tpu.memory_space<vmem>>, vector<16xf32>,
    %convert_element_type3A_533 = arith.fptosi %get3A_532 : vector<16xf32> to vector<16xi32>
    %mul3A_534 = arith.muli %convert_element_type3A_533, %sub3A_530 : vector<16xi32>
    %reduce_sum3A_535 = arith.constant true
    %reduce_sum3A_536 = vector.broadcast %reduce_sum3A_535 : i1 to vector<16xi1>
    %reduce_sum3A_537 = tpu.scan <sum>, %mul3A_534 masked %reduce_sum3A_536 : vector<16xi32>, vector<16xi1> -> vector<16xi32>
    %reduce_sum3A_538 = vector.extract %reduce_sum3A_537[15] : i32 from vector<16xi32>
    %add3A_539 = arith.addi %add3A_518, %reduce_sum3A_538 : i32
    %jit3A_540 = arith.constant 8 : i32
    %div3A_541 = arith.divsi %add3A_539, %jit3A_540 : i32
    %sign3A_542 = arith.constant 0 : i32
    %sign3A_543 = arith.cmpi sgt, %add3A_539, %sign3A_542 : i32
    %sign3A_544 = arith.extui %sign3A_543 : i1 to i32
    %sign3A_545 = arith.constant 0 : i32
    %sign3A_546 = arith.cmpi slt, %add3A_539, %sign3A_545 : i32
    %sign3A_547 = arith.extui %sign3A_546 : i1 to i32
    %sign3A_548 = arith.subi %sign3A_544, %sign3A_547 : i32
    %sign3A_549 = arith.constant 0 : i32
    %sign3A_550 = arith.cmpi sgt, %jit3A_540, %sign3A_549 : i32
    %sign3A_551 = arith.extui %sign3A_550 : i1 to i32
    %sign3A_552 = arith.constant 0 : i32
    %sign3A_553 = arith.cmpi slt, %jit3A_540, %sign3A_552 : i32
    %sign3A_554 = arith.extui %sign3A_553 : i1 to i32
    %sign3A_555 = arith.subi %sign3A_551, %sign3A_554 : i32
    %ne3A_556 = arith.cmpi ne, %sign3A_548, %sign3A_555 : i32
    %rem3A_557 = arith.remsi %add3A_539, %jit3A_540 : i32
    %ne3A_558 = arith.constant 0 : i32
    %ne3A_559 = arith.cmpi ne, %rem3A_557, %ne3A_558 : i32
    %and3A_560 = arith.andi %ne3A_556, %ne3A_559 : i1
    %sub3A_561 = arith.constant 1 : i32
    %sub3A_562 = arith.subi %div3A_541, %sub3A_561 : i32
    %select_n3A_563 = arith.select %and3A_560, %sub3A_562, %div3A_541 : i32
    %mul3A_564 = arith.constant 8 : i32
    %mul3A_565 = arith.muli %select_n3A_563, %mul3A_564 : i32
    %sub3A_566 = arith.subi %add3A_539, %mul3A_565 : i32
    "tpu.region"() ({
      %run_scoped3A = tpu.sem_alloc : memref<!tpu.dma_semaphore, #tpu.memory_space<semaphore_mem>>
      %dma_start3A_599 = tpu.memref_slice %arg3[%add3A_450] : memref<8192xf32, #tpu.memory_space<hbm>> -> memref<64xf32, #tpu.memory_space<hbm>>
      %dma_start3A_600 = tpu.memref_slice %arg3[%add3A_450] : memref<8192xf32, #tpu.memory_space<hbm>> -> memref<64xf32, #tpu.memory_space<hbm>>
      tpu.enqueue_dma source(%dma_start3A_600 : memref<64xf32, #tpu.memory_space<hbm>>) target(%arg7 : memref<64xf32, #tpu.memory_space<vmem>>) target_semaphore(%run_scoped3A : memref<!tpu.dma_semaphore, #tpu.memory_space<semaphore_mem>>)
      %dma_wait3A_601 = tpu.memref_slice %arg3[%add3A_450] : memref<8192xf32, #tpu.memory_space<hbm>> -> memref<64xf32, #tpu.memory_space<hbm>>
      %dma_wait3A_602 = tpu.memref_slice %arg3[%add3A_450] : memref<8192xf32, #tpu.memory_space<hbm>> -> memref<64xf32, #tpu.memory_space<hbm>>
      tpu.wait_dma2 semaphore(%run_scoped3A : memref<!tpu.dma_semaphore, #tpu.memory_space<semaphore_mem>>) src(%dma_wait3A_602 : memref<64xf32, #tpu.memory_space<hbm>>) dst(%arg7 : memref<64xf32, #tpu.memory_space<vmem>>)
      tpu.yield
    }) : () -> ()
    %add3A_567 = arith.constant 8256 : i32
    %add3A_568 = arith.addi %add3A_567, %add3A_446 : i32
    %broadcast_in_dim3A_569 = vector.broadcast %add3A_568 : i32 to vector<16xi32>
    %swap3A_570 = arith.constant 0 : index
    %swap3A_571 = tpu.vector_load %arg9[%swap3A_570] {strides = array<i32>} : memref<80xi32, #tpu.memory_space<vmem>>, vector<16xi32>,
    tpu.vector_store %arg9[%swap3A_570], %broadcast_in_dim3A_569 {strides = array<i32>} : memref<80xi32, #tpu.memory_space<vmem>>, vector<16xi32>,
    %broadcast_in_dim3A_572 = vector.broadcast %add3A_568 : i32 to vector<16xi32>
    %swap3A_573 = arith.constant 16 : index
    %swap3A_574 = tpu.vector_load %arg9[%swap3A_573] {strides = array<i32>} : memref<80xi32, #tpu.memory_space<vmem>>, vector<16xi32>,
    tpu.vector_store %arg9[%swap3A_573], %broadcast_in_dim3A_572 {strides = array<i32>} : memref<80xi32, #tpu.memory_space<vmem>>, vector<16xi32>,
    %broadcast_in_dim3A_575 = vector.broadcast %add3A_568 : i32 to vector<16xi32>
    %swap3A_576 = arith.constant 32 : index
    %swap3A_577 = tpu.vector_load %arg9[%swap3A_576] {strides = array<i32>} : memref<80xi32, #tpu.memory_space<vmem>>, vector<16xi32>,
    tpu.vector_store %arg9[%swap3A_576], %broadcast_in_dim3A_575 {strides = array<i32>} : memref<80xi32, #tpu.memory_space<vmem>>, vector<16xi32>,
    %broadcast_in_dim3A_578 = vector.broadcast %add3A_568 : i32 to vector<16xi32>
    %swap3A_579 = arith.constant 48 : index
    %swap3A_580 = tpu.vector_load %arg9[%swap3A_579] {strides = array<i32>} : memref<80xi32, #tpu.memory_space<vmem>>, vector<16xi32>,
    tpu.vector_store %arg9[%swap3A_579], %broadcast_in_dim3A_578 {strides = array<i32>} : memref<80xi32, #tpu.memory_space<vmem>>, vector<16xi32>,
    %broadcast_in_dim3A_581 = vector.broadcast %add3A_568 : i32 to vector<16xi32>
    %swap3A_582 = arith.constant 64 : index
    %swap3A_583 = tpu.vector_load %arg9[%swap3A_582] {strides = array<i32>} : memref<80xi32, #tpu.memory_space<vmem>>, vector<16xi32>,
    tpu.vector_store %arg9[%swap3A_582], %broadcast_in_dim3A_581 {strides = array<i32>} : memref<80xi32, #tpu.memory_space<vmem>>, vector<16xi32>,
    %scan3A_584 = arith.constant 0 : i32
    %scan3A_585 = arith.constant 0 : i32
    %scan3A_586 = arith.constant 4 : i32
    %scan3A_587 = arith.addi %scan3A_585, %scan3A_586 : i32
    %scan3A_588 = arith.constant 1 : i32
    %scan3A_589 = scf.for %scan3A_599 = %scan3A_585 to %scan3A_587 step %scan3A_588 iter_args(%scan3A_600 = %scan3A_584) -> (i32)  : i32 {
      %mul3A_601 = arith.constant 16 : i32
      %mul3A_602 = arith.muli %scan3A_599, %mul3A_601 : i32
      %get3A_603 = arith.index_cast %mul3A_602 : i32 to index
      %get3A_604 = tpu.vector_load %arg7[%get3A_603] {strides = array<i32>} : memref<64xf32, #tpu.memory_space<vmem>>, vector<16xf32>,
      %convert_element_type3A_605 = arith.fptosi %get3A_604 : vector<16xf32> to vector<16xi32>
      %mul3A_606 = arith.constant 16 : i32
      %mul3A_607 = arith.muli %scan3A_599, %mul3A_606 : i32
      %add3A_608 = arith.constant 4160 : i32
      %add3A_609 = arith.addi %mul3A_607, %add3A_608 : i32
      %mul3A_610 = arith.constant 64 : i32
      %mul3A_611 = arith.muli %add3A_446, %mul3A_610 : i32
      %add3A_612 = arith.addi %add3A_609, %mul3A_611 : i32
      %add3A_613 = vector.broadcast %add3A_612 : i32 to vector<16xi32>
      %add3A_614 = arith.addi %iota3A, %add3A_613 : vector<16xi32>
      %mul3A_615 = arith.muli %convert_element_type3A_605, %add3A_614 : vector<16xi32>
      %sub3A_616 = arith.constant 1 : i32
      %sub3A_617 = vector.broadcast %sub3A_616 : i32 to vector<16xi32>
      %sub3A_618 = arith.subi %sub3A_617, %convert_element_type3A_605 : vector<16xi32>
      %mul3A_619 = vector.broadcast %add3A_568 : i32 to vector<16xi32>
      %mul3A_620 = arith.muli %sub3A_618, %mul3A_619 : vector<16xi32>
      %add3A_621 = arith.addi %mul3A_615, %mul3A_620 : vector<16xi32>
      %add3A_622 = arith.addi %sub3A_566, %scan3A_600 : i32
      %broadcast_in_dim3A_623 = arith.constant true
      %broadcast_in_dim3A_624 = vector.broadcast %broadcast_in_dim3A_623 : i1 to vector<16xi1>
      %masked_cumsum3A = tpu.scan <sum>, %convert_element_type3A_605 masked %broadcast_in_dim3A_624 : vector<16xi32>, vector<16xi1> -> vector<16xi32>
      %add3A_625 = vector.broadcast %add3A_622 : i32 to vector<16xi32>
      %add3A_626 = arith.addi %add3A_625, %masked_cumsum3A : vector<16xi32>
      %sub3A_627 = arith.constant 1 : i32
      %sub3A_628 = vector.broadcast %sub3A_627 : i32 to vector<16xi32>
      %sub3A_629 = arith.subi %add3A_626, %sub3A_628 : vector<16xi32>
      %mul3A_630 = arith.muli %convert_element_type3A_605, %sub3A_629 : vector<16xi32>
      %sub3A_631 = arith.constant 1 : i32
      %sub3A_632 = vector.broadcast %sub3A_631 : i32 to vector<16xi32>
      %sub3A_633 = arith.subi %sub3A_632, %convert_element_type3A_605 : vector<16xi32>
      %mul3A_634 = arith.constant 79 : i32
      %mul3A_635 = vector.broadcast %mul3A_634 : i32 to vector<16xi32>
      %mul3A_636 = arith.muli %sub3A_633, %mul3A_635 : vector<16xi32>
      %add3A_637 = arith.addi %mul3A_630, %mul3A_636 : vector<16xi32>
      tpu.vector_store_idx %arg9[%add3A_637], %add3A_621 : memref<80xi32, #tpu.memory_space<vmem>>[vector<16xi32>], vector<16xi32>,
      %reduce_sum3A_638 = arith.constant true
      %reduce_sum3A_639 = vector.broadcast %reduce_sum3A_638 : i1 to vector<16xi1>
      %reduce_sum3A_640 = tpu.scan <sum>, %convert_element_type3A_605 masked %reduce_sum3A_639 : vector<16xi32>, vector<16xi1> -> vector<16xi32>
      %reduce_sum3A_641 = vector.extract %reduce_sum3A_640[15] : i32 from vector<16xi32>
      %add3A_642 = arith.addi %scan3A_600, %reduce_sum3A_641 : i32
      scf.yield %add3A_642 : i32
    }
    %scan3A_590 = arith.constant 4 : i32
    %add3A_591 = arith.constant 1280 : i32
    %add3A_592 = arith.addi %add3A_591, %mul3A_565 : i32
    "tpu.region"() ({
      %run_scoped3A = tpu.sem_alloc : memref<!tpu.dma_semaphore, #tpu.memory_space<semaphore_mem>>
      %dma_start3A_599 = arith.constant 0 : i32
      %dma_start3A_600 = tpu.memref_slice %arg5[%add3A_592, %dma_start3A_599] : memref<2560x128xf32, #tpu.memory_space<hbm>> -> memref<80x128xf32, #tpu.memory_space<hbm>>
      %dma_start3A_601 = arith.constant 0 : i32
      %dma_start3A_602 = tpu.memref_slice %arg5[%add3A_592, %dma_start3A_601] : memref<2560x128xf32, #tpu.memory_space<hbm>> -> memref<80x128xf32, #tpu.memory_space<hbm>>
      tpu.enqueue_dma source(%dma_start3A_602 : memref<80x128xf32, #tpu.memory_space<hbm>>) target(%arg11 : memref<80x128xf32, #tpu.memory_space<vmem>>) target_semaphore(%run_scoped3A : memref<!tpu.dma_semaphore, #tpu.memory_space<semaphore_mem>>)
      %dma_wait3A_603 = arith.constant 0 : i32
      %dma_wait3A_604 = tpu.memref_slice %arg5[%add3A_592, %dma_wait3A_603] : memref<2560x128xf32, #tpu.memory_space<hbm>> -> memref<80x128xf32, #tpu.memory_space<hbm>>
      %dma_wait3A_605 = arith.constant 0 : i32
      %dma_wait3A_606 = tpu.memref_slice %arg5[%add3A_592, %dma_wait3A_605] : memref<2560x128xf32, #tpu.memory_space<hbm>> -> memref<80x128xf32, #tpu.memory_space<hbm>>
      tpu.wait_dma2 semaphore(%run_scoped3A : memref<!tpu.dma_semaphore, #tpu.memory_space<semaphore_mem>>) src(%dma_wait3A_606 : memref<80x128xf32, #tpu.memory_space<hbm>>) dst(%arg11 : memref<80x128xf32, #tpu.memory_space<vmem>>)
      tpu.yield
    }) : () -> ()
    %dma_start3A_593 = arith.constant 0 : i32
    %dma_start3A_594 = arith.constant 0 : i32
    %dma_start3A_595 = tpu.memref_slice %arg6[%dma_start3A_593, %dma_start3A_594] : memref<8320x128xf32, #tpu.memory_space<hbm>> -> memref<8320x128xf32, #tpu.memory_space<hbm>>
    tpu.enqueue_indirect_dma source(%arg11 : memref<80x128xf32, #tpu.memory_space<vmem>>) target(%dma_start3A_595 : memref<8320x128xf32, #tpu.memory_space<hbm>>) offsets(%arg9 : memref<80xi32, #tpu.memory_space<vmem>>) semaphore(%arg12 : memref<!tpu.dma_semaphore, #tpu.memory_space<semaphore_mem>>)
    %dma_wait3A_596 = arith.constant 0 : i32
    %dma_wait3A_597 = arith.constant 0 : i32
    %dma_wait3A_598 = tpu.memref_slice %arg6[%dma_wait3A_596, %dma_wait3A_597] : memref<8320x128xf32, #tpu.memory_space<hbm>> -> memref<8320x128xf32, #tpu.memory_space<hbm>>
    tpu.wait_indirect_dma semaphore(%arg12 : memref<!tpu.dma_semaphore, #tpu.memory_space<semaphore_mem>>) src(%arg11 : memref<80x128xf32, #tpu.memory_space<vmem>>) dst(%dma_wait3A_598 : memref<8320x128xf32, #tpu.memory_space<hbm>>)
    return
  }
}

#map = affine_map<(d0, d1) -> (0, 0)>
#map1 = affine_map<(d0, d1) -> (0)>
module attributes {stable_mosaic.version = 14 : i64} {
  func.func @gather(%arg0: i32, %arg1: i32, %arg2: memref<8192x128xf32, #tpu.memory_space<hbm>>, %arg3: memref<2048xi32, #tpu.memory_space<hbm>>, %arg4: memref<2048x128xf32, #tpu.memory_space<hbm>>, %arg5: memref<32xi32, #tpu.memory_space<vmem>>, %arg6: memref<32x128xf32, #tpu.memory_space<vmem>>, %arg7: memref<!tpu.dma_semaphore, #tpu.memory_space<semaphore_mem>>) attributes {dimension_semantics = [#tpu.dimension_semantics<core_parallel>, #tpu.dimension_semantics<subcore_parallel>], iteration_bounds = array<i64: 2, 16>, scalar_prefetch = 0 : i64, scratch_operands = 3 : i64, tpu.core_type = #tpu.core_type<sc_vector_subcore>, window_params = [{transform_indices = #map}, {transform_indices = #map1}, {transform_indices = #map}]} {
    %mul3A = arith.constant 2 : i32
    %mul3A_0 = arith.muli %arg1, %mul3A : i32
    %add3A = arith.addi %mul3A_0, %arg0 : i32
    %mul3A_1 = arith.constant 32 : i32
    %mul3A_2 = arith.muli %add3A, %mul3A_1 : i32
    %add3A_3 = arith.constant 0 : i32
    %add3A_4 = arith.addi %add3A_3, %mul3A_2 : i32
    "tpu.region"() ({
      %run_scoped3A = tpu.sem_alloc : memref<!tpu.dma_semaphore, #tpu.memory_space<semaphore_mem>>
      %dma_start3A_19 = tpu.memref_slice %arg3[%add3A_4] : memref<2048xi32, #tpu.memory_space<hbm>> -> memref<32xi32, #tpu.memory_space<hbm>>
      %dma_start3A_20 = tpu.memref_slice %arg3[%add3A_4] : memref<2048xi32, #tpu.memory_space<hbm>> -> memref<32xi32, #tpu.memory_space<hbm>>
      tpu.enqueue_dma source(%dma_start3A_20 : memref<32xi32, #tpu.memory_space<hbm>>) target(%arg5 : memref<32xi32, #tpu.memory_space<vmem>>) target_semaphore(%run_scoped3A : memref<!tpu.dma_semaphore, #tpu.memory_space<semaphore_mem>>)
      %dma_wait3A_21 = tpu.memref_slice %arg3[%add3A_4] : memref<2048xi32, #tpu.memory_space<hbm>> -> memref<32xi32, #tpu.memory_space<hbm>>
      %dma_wait3A_22 = tpu.memref_slice %arg3[%add3A_4] : memref<2048xi32, #tpu.memory_space<hbm>> -> memref<32xi32, #tpu.memory_space<hbm>>
      tpu.wait_dma2 semaphore(%run_scoped3A : memref<!tpu.dma_semaphore, #tpu.memory_space<semaphore_mem>>) src(%dma_wait3A_22 : memref<32xi32, #tpu.memory_space<hbm>>) dst(%arg5 : memref<32xi32, #tpu.memory_space<vmem>>)
      tpu.yield
    }) : () -> ()
    %dma_start3A = arith.constant 0 : i32
    %dma_start3A_5 = arith.constant 0 : i32
    %dma_start3A_6 = tpu.memref_slice %arg2[%dma_start3A, %dma_start3A_5] : memref<8192x128xf32, #tpu.memory_space<hbm>> -> memref<8192x128xf32, #tpu.memory_space<hbm>>
    tpu.enqueue_indirect_dma source(%dma_start3A_6 : memref<8192x128xf32, #tpu.memory_space<hbm>>) target(%arg6 : memref<32x128xf32, #tpu.memory_space<vmem>>) offsets(%arg5 : memref<32xi32, #tpu.memory_space<vmem>>) semaphore(%arg7 : memref<!tpu.dma_semaphore, #tpu.memory_space<semaphore_mem>>)
    %dma_wait3A = arith.constant 0 : i32
    %dma_wait3A_7 = arith.constant 0 : i32
    %dma_wait3A_8 = tpu.memref_slice %arg2[%dma_wait3A, %dma_wait3A_7] : memref<8192x128xf32, #tpu.memory_space<hbm>> -> memref<8192x128xf32, #tpu.memory_space<hbm>>
    tpu.wait_indirect_dma semaphore(%arg7 : memref<!tpu.dma_semaphore, #tpu.memory_space<semaphore_mem>>) src(%dma_wait3A_8 : memref<8192x128xf32, #tpu.memory_space<hbm>>) dst(%arg6 : memref<32x128xf32, #tpu.memory_space<vmem>>)
    "tpu.region"() ({
      %run_scoped3A = tpu.sem_alloc : memref<!tpu.dma_semaphore, #tpu.memory_space<semaphore_mem>>
      %dma_start3A_19 = arith.constant 0 : i32
      %dma_start3A_20 = tpu.memref_slice %arg4[%add3A_4, %dma_start3A_19] : memref<2048x128xf32, #tpu.memory_space<hbm>> -> memref<32x128xf32, #tpu.memory_space<hbm>>
      %dma_start3A_21 = arith.constant 0 : i32
      %dma_start3A_22 = tpu.memref_slice %arg4[%add3A_4, %dma_start3A_21] : memref<2048x128xf32, #tpu.memory_space<hbm>> -> memref<32x128xf32, #tpu.memory_space<hbm>>
      tpu.enqueue_dma source(%arg6 : memref<32x128xf32, #tpu.memory_space<vmem>>) target(%dma_start3A_22 : memref<32x128xf32, #tpu.memory_space<hbm>>) target_semaphore(%run_scoped3A : memref<!tpu.dma_semaphore, #tpu.memory_space<semaphore_mem>>)
      %dma_wait3A_23 = arith.constant 0 : i32
      %dma_wait3A_24 = tpu.memref_slice %arg4[%add3A_4, %dma_wait3A_23] : memref<2048x128xf32, #tpu.memory_space<hbm>> -> memref<32x128xf32, #tpu.memory_space<hbm>>
      %dma_wait3A_25 = arith.constant 0 : i32
      %dma_wait3A_26 = tpu.memref_slice %arg4[%add3A_4, %dma_wait3A_25] : memref<2048x128xf32, #tpu.memory_space<hbm>> -> memref<32x128xf32, #tpu.memory_space<hbm>>
      tpu.wait_dma2 semaphore(%run_scoped3A : memref<!tpu.dma_semaphore, #tpu.memory_space<semaphore_mem>>) src(%arg6 : memref<32x128xf32, #tpu.memory_space<vmem>>) dst(%dma_wait3A_26 : memref<32x128xf32, #tpu.memory_space<hbm>>)
      tpu.yield
    }) : () -> ()
    %mul3A_9 = arith.constant 32 : i32
    %mul3A_10 = arith.muli %add3A, %mul3A_9 : i32
    %add3A_11 = arith.constant 1024 : i32
    %add3A_12 = arith.addi %add3A_11, %mul3A_10 : i32
    "tpu.region"() ({
      %run_scoped3A = tpu.sem_alloc : memref<!tpu.dma_semaphore, #tpu.memory_space<semaphore_mem>>
      %dma_start3A_19 = tpu.memref_slice %arg3[%add3A_12] : memref<2048xi32, #tpu.memory_space<hbm>> -> memref<32xi32, #tpu.memory_space<hbm>>
      %dma_start3A_20 = tpu.memref_slice %arg3[%add3A_12] : memref<2048xi32, #tpu.memory_space<hbm>> -> memref<32xi32, #tpu.memory_space<hbm>>
      tpu.enqueue_dma source(%dma_start3A_20 : memref<32xi32, #tpu.memory_space<hbm>>) target(%arg5 : memref<32xi32, #tpu.memory_space<vmem>>) target_semaphore(%run_scoped3A : memref<!tpu.dma_semaphore, #tpu.memory_space<semaphore_mem>>)
      %dma_wait3A_21 = tpu.memref_slice %arg3[%add3A_12] : memref<2048xi32, #tpu.memory_space<hbm>> -> memref<32xi32, #tpu.memory_space<hbm>>
      %dma_wait3A_22 = tpu.memref_slice %arg3[%add3A_12] : memref<2048xi32, #tpu.memory_space<hbm>> -> memref<32xi32, #tpu.memory_space<hbm>>
      tpu.wait_dma2 semaphore(%run_scoped3A : memref<!tpu.dma_semaphore, #tpu.memory_space<semaphore_mem>>) src(%dma_wait3A_22 : memref<32xi32, #tpu.memory_space<hbm>>) dst(%arg5 : memref<32xi32, #tpu.memory_space<vmem>>)
      tpu.yield
    }) : () -> ()
    %dma_start3A_13 = arith.constant 0 : i32
    %dma_start3A_14 = arith.constant 0 : i32
    %dma_start3A_15 = tpu.memref_slice %arg2[%dma_start3A_13, %dma_start3A_14] : memref<8192x128xf32, #tpu.memory_space<hbm>> -> memref<8192x128xf32, #tpu.memory_space<hbm>>
    tpu.enqueue_indirect_dma source(%dma_start3A_15 : memref<8192x128xf32, #tpu.memory_space<hbm>>) target(%arg6 : memref<32x128xf32, #tpu.memory_space<vmem>>) offsets(%arg5 : memref<32xi32, #tpu.memory_space<vmem>>) semaphore(%arg7 : memref<!tpu.dma_semaphore, #tpu.memory_space<semaphore_mem>>)
    %dma_wait3A_16 = arith.constant 0 : i32
    %dma_wait3A_17 = arith.constant 0 : i32
    %dma_wait3A_18 = tpu.memref_slice %arg2[%dma_wait3A_16, %dma_wait3A_17] : memref<8192x128xf32, #tpu.memory_space<hbm>> -> memref<8192x128xf32, #tpu.memory_space<hbm>>
    tpu.wait_indirect_dma semaphore(%arg7 : memref<!tpu.dma_semaphore, #tpu.memory_space<semaphore_mem>>) src(%dma_wait3A_18 : memref<8192x128xf32, #tpu.memory_space<hbm>>) dst(%arg6 : memref<32x128xf32, #tpu.memory_space<vmem>>)
    "tpu.region"() ({
      %run_scoped3A = tpu.sem_alloc : memref<!tpu.dma_semaphore, #tpu.memory_space<semaphore_mem>>
      %dma_start3A_19 = arith.constant 0 : i32
      %dma_start3A_20 = tpu.memref_slice %arg4[%add3A_12, %dma_start3A_19] : memref<2048x128xf32, #tpu.memory_space<hbm>> -> memref<32x128xf32, #tpu.memory_space<hbm>>
      %dma_start3A_21 = arith.constant 0 : i32
      %dma_start3A_22 = tpu.memref_slice %arg4[%add3A_12, %dma_start3A_21] : memref<2048x128xf32, #tpu.memory_space<hbm>> -> memref<32x128xf32, #tpu.memory_space<hbm>>
      tpu.enqueue_dma source(%arg6 : memref<32x128xf32, #tpu.memory_space<vmem>>) target(%dma_start3A_22 : memref<32x128xf32, #tpu.memory_space<hbm>>) target_semaphore(%run_scoped3A : memref<!tpu.dma_semaphore, #tpu.memory_space<semaphore_mem>>)
      %dma_wait3A_23 = arith.constant 0 : i32
      %dma_wait3A_24 = tpu.memref_slice %arg4[%add3A_12, %dma_wait3A_23] : memref<2048x128xf32, #tpu.memory_space<hbm>> -> memref<32x128xf32, #tpu.memory_space<hbm>>
      %dma_wait3A_25 = arith.constant 0 : i32
      %dma_wait3A_26 = tpu.memref_slice %arg4[%add3A_12, %dma_wait3A_25] : memref<2048x128xf32, #tpu.memory_space<hbm>> -> memref<32x128xf32, #tpu.memory_space<hbm>>
      tpu.wait_dma2 semaphore(%run_scoped3A : memref<!tpu.dma_semaphore, #tpu.memory_space<semaphore_mem>>) src(%arg6 : memref<32x128xf32, #tpu.memory_space<vmem>>) dst(%dma_wait3A_26 : memref<32x128xf32, #tpu.memory_space<hbm>>)
      tpu.yield
    }) : () -> ()
    return
  }
}

module attributes {stable_mosaic.version = 14 : i64} {
  func.func @_sel_kernel(%arg0: i32, %arg1: memref<1x96x4096xf32, #tpu.memory_space<vmem>>, %arg2: memref<1x1x4096xf32, #tpu.memory_space<vmem>>, %arg3: memref<24x96xf32, #tpu.memory_space<vmem>>, %arg4: memref<24x1xf32, #tpu.memory_space<vmem>>, %arg5: memref<1x24xf32, #tpu.memory_space<vmem>>, %arg6: memref<1x1xf32, #tpu.memory_space<vmem>>, %arg7: memref<1x1x4096xf32, #tpu.memory_space<vmem>>, %arg8: memref<1x1x4096xf32, #tpu.memory_space<vmem>>, %arg9: memref<1x32x2xf32, #tpu.memory_space<vmem>>) attributes {dimension_semantics = [#tpu.dimension_semantics<parallel>], iteration_bounds = array<i64: 2>, scalar_prefetch = 0 : i64, scratch_operands = 0 : i64, tpu.core_type = #tpu.core_type<tc>, window_params = [{transform_indices = @transform_0, window_bounds = array<i64: 1, 96, 4096>}, {transform_indices = @transform_1, window_bounds = array<i64: 1, 1, 4096>}, {pipeline_mode = #tpu.pipeline_mode<synchronous>, transform_indices = @transform_2, window_bounds = array<i64: 24, 96>}, {pipeline_mode = #tpu.pipeline_mode<synchronous>, transform_indices = @transform_3, window_bounds = array<i64: 24, 1>}, {pipeline_mode = #tpu.pipeline_mode<synchronous>, transform_indices = @transform_4, window_bounds = array<i64: 1, 24>}, {pipeline_mode = #tpu.pipeline_mode<synchronous>, transform_indices = @transform_5, window_bounds = array<i64: 1, 1>}, {transform_indices = @transform_6, window_bounds = array<i64: 1, 1, 4096>}, {transform_indices = @transform_7, window_bounds = array<i64: 1, 1, 4096>}, {transform_indices = @transform_8, window_bounds = array<i64: 1, 32, 2>}]} {
    %get3A = arith.constant 0 : index
    %get3A_0 = arith.constant 0 : index
    %get3A_1 = vector.load %arg3[%get3A, %get3A_0] : memref<24x96xf32, #tpu.memory_space<vmem>>, vector<24x96xf32>
    %get3A_2 = arith.constant 0 : index
    %get3A_3 = arith.constant 0 : index
    %get3A_4 = arith.constant 0 : index
    %get3A_5 = vector.load %arg1[%get3A_2, %get3A_3, %get3A_4] : memref<1x96x4096xf32, #tpu.memory_space<vmem>>, vector<1x96x4096xf32>
    %get3A_6 = vector.shape_cast %get3A_5 : vector<1x96x4096xf32> to vector<96x4096xf32>
    %dot_general3A = arith.constant dense<0.000000e+00> : vector<24x4096xf32>
    %dot_general3A_7 = tpu.matmul %get3A_1, %get3A_6, %dot_general3A {dimension_numbers = #tpu.dot_dimension_numbers<[1], [0], [0], [1], [0, 0, 1, 1], [], []>, precision = #tpu.contract_precision<fp32>, transpose_lhs_hint = false} : vector<24x96xf32>, vector<96x4096xf32>, vector<24x4096xf32> -> vector<24x4096xf32>
    %get3A_8 = arith.constant 0 : index
    %get3A_9 = arith.constant 0 : index
    %get3A_10 = vector.load %arg4[%get3A_8, %get3A_9] : memref<24x1xf32, #tpu.memory_space<vmem>>, vector<24x1xf32>
    %add3A = vector.broadcast %get3A_10 : vector<24x1xf32> to vector<24x4096xf32>
    %add3A_11 = arith.addf %dot_general3A_7, %add3A : vector<24x4096xf32>
    %mul3A = arith.constant 5.000000e-01 : f32
    %mul3A_12 = vector.broadcast %mul3A : f32 to vector<24x4096xf32>
    %mul3A_13 = arith.mulf %add3A_11, %mul3A_12 : vector<24x4096xf32>
    %mul3A_14 = arith.constant 0.707106769 : f32
    %mul3A_15 = vector.broadcast %mul3A_14 : f32 to vector<24x4096xf32>
    %mul3A_16 = arith.mulf %add3A_11, %mul3A_15 : vector<24x4096xf32>
    %erf3A = math.erf %mul3A_16 : vector<24x4096xf32>
    %add3A_17 = arith.constant 1.000000e+00 : f32
    %add3A_18 = vector.broadcast %add3A_17 : f32 to vector<24x4096xf32>
    %add3A_19 = arith.addf %add3A_18, %erf3A : vector<24x4096xf32>
    %mul3A_20 = arith.mulf %mul3A_13, %add3A_19 : vector<24x4096xf32>
    %get3A_21 = arith.constant 0 : index
    %get3A_22 = arith.constant 0 : index
    %get3A_23 = vector.load %arg5[%get3A_21, %get3A_22] : memref<1x24xf32, #tpu.memory_space<vmem>>, vector<1x24xf32>
    %dot_general3A_24 = arith.constant dense<0.000000e+00> : vector<1x4096xf32>
    %dot_general3A_25 = tpu.matmul %get3A_23, %mul3A_20, %dot_general3A_24 {dimension_numbers = #tpu.dot_dimension_numbers<[1], [0], [0], [1], [0, 0, 1, 1], [], []>, precision = #tpu.contract_precision<fp32>, transpose_lhs_hint = false} : vector<1x24xf32>, vector<24x4096xf32>, vector<1x4096xf32> -> vector<1x4096xf32>
    %get3A_26 = arith.constant 0 : index
    %get3A_27 = arith.constant 0 : index
    %get3A_28 = vector.load %arg6[%get3A_26, %get3A_27] : memref<1x1xf32, #tpu.memory_space<vmem>>, vector<1x1xf32>
    %add3A_29 = vector.broadcast %get3A_28 : vector<1x1xf32> to vector<1x4096xf32>
    %add3A_30 = arith.addf %dot_general3A_25, %add3A_29 : vector<1x4096xf32>
    %logistic3A = arith.negf %add3A_30 : vector<1x4096xf32>
    %logistic3A_31 = math.exp %logistic3A : vector<1x4096xf32>
    %logistic3A_32 = arith.constant 1.000000e+00 : f32
    %logistic3A_33 = vector.broadcast %logistic3A_32 : f32 to vector<1x4096xf32>
    %logistic3A_34 = arith.addf %logistic3A_33, %logistic3A_31 : vector<1x4096xf32>
    %logistic3A_35 = arith.divf %logistic3A_33, %logistic3A_34 : vector<1x4096xf32>
    %get3A_36 = arith.constant 0 : index
    %get3A_37 = arith.constant 0 : index
    %get3A_38 = arith.constant 0 : index
    %get3A_39 = vector.load %arg2[%get3A_36, %get3A_37, %get3A_38] : memref<1x1x4096xf32, #tpu.memory_space<vmem>>, vector<1x1x4096xf32>
    %get3A_40 = vector.shape_cast %get3A_39 : vector<1x1x4096xf32> to vector<1x4096xf32>
    %mul3A_41 = arith.constant 5.000000e-01 : f32
    %mul3A_42 = vector.broadcast %mul3A_41 : f32 to vector<1x4096xf32>
    %mul3A_43 = arith.mulf %mul3A_42, %get3A_40 : vector<1x4096xf32>
    %add3A_44 = arith.addf %logistic3A_35, %mul3A_43 : vector<1x4096xf32>
    %swap3A = arith.constant 0 : index
    %swap3A_45 = arith.constant 0 : index
    %swap3A_46 = arith.constant 0 : index
    %swap3A_47 = vector.load %arg7[%swap3A, %swap3A_45, %swap3A_46] : memref<1x1x4096xf32, #tpu.memory_space<vmem>>, vector<1x1x4096xf32>
    %swap3A_48 = vector.shape_cast %swap3A_47 : vector<1x1x4096xf32> to vector<1x4096xf32>
    %swap3A_49 = vector.shape_cast %add3A_44 : vector<1x4096xf32> to vector<1x1x4096xf32>
    tpu.vector_store %arg7[%swap3A, %swap3A_45, %swap3A_46], %swap3A_49 {strides = array<i32>} : memref<1x1x4096xf32, #tpu.memory_space<vmem>>, vector<1x1x4096xf32>,
    %bitcast_convert_type3A = tpu.bitcast %add3A_44 : vector<1x4096xf32> -> vector<1x4096xi32>
    %scan3A = arith.constant 0 : i32
    %scan3A_50 = arith.constant 0 : i32
    %scan3A_51 = arith.constant 31 : i32
    %scan3A_52 = arith.addi %scan3A_50, %scan3A_51 : i32
    %scan3A_53 = arith.constant 1 : i32
    %scan3A_54 = scf.for %scan3A_109 = %scan3A_50 to %scan3A_52 step %scan3A_53 iter_args(%scan3A_110 = %scan3A) -> (i32)  : i32 {
      %sub3A_111 = arith.constant 30 : i32
      %sub3A_112 = arith.subi %sub3A_111, %scan3A_109 : i32
      %shift_left3A = arith.constant 1 : i32
      %shift_left3A_113 = arith.shli %shift_left3A, %sub3A_112 : i32
      %or3A_114 = arith.ori %scan3A_110, %shift_left3A_113 : i32
      %ge3A_115 = vector.broadcast %or3A_114 : i32 to vector<1x4096xi32>
      %ge3A_116 = arith.cmpi sge, %bitcast_convert_type3A, %ge3A_115 : vector<1x4096xi32>
      %convert_element_type3A_117 = arith.extui %ge3A_116 : vector<1x4096xi1> to vector<1x4096xi32>
      %reduce_sum3A_118 = vector.shape_cast %convert_element_type3A_117 : vector<1x4096xi32> to vector<1x1x4096xi32>
      %reduce_sum3A_119 = arith.constant dense<0> : vector<1xi32>
      %reduce_sum3A_120 = vector.multi_reduction <add>, %reduce_sum3A_118, %reduce_sum3A_119 [1, 2] : vector<1x1x4096xi32> to vector<1xi32>
      %reduce_sum3A_121 = vector.shape_cast %reduce_sum3A_120 : vector<1xi32> to vector<1x1x1xi32>
      %reduce_sum3A_122 = vector.extract %reduce_sum3A_121[0, 0, 0] : i32 from vector<1x1x1xi32>
      %ge3A_123 = arith.constant 1024 : i32
      %ge3A_124 = arith.cmpi sge, %reduce_sum3A_122, %ge3A_123 : i32
      %select_n3A_125 = arith.select %ge3A_124, %or3A_114, %scan3A_110 : i32
      scf.yield %select_n3A_125 : i32
    }
    %scan3A_55 = arith.constant 31 : i32
    %add3A_56 = arith.constant 1 : i32
    %add3A_57 = arith.addi %scan3A_54, %add3A_56 : i32
    %ge3A = vector.broadcast %add3A_57 : i32 to vector<1x4096xi32>
    %ge3A_58 = arith.cmpi sge, %bitcast_convert_type3A, %ge3A : vector<1x4096xi32>
    %convert_element_type3A = arith.extui %ge3A_58 : vector<1x4096xi1> to vector<1x4096xi32>
    %reduce_sum3A = vector.shape_cast %convert_element_type3A : vector<1x4096xi32> to vector<1x1x4096xi32>
    %reduce_sum3A_59 = arith.constant dense<0> : vector<1xi32>
    %reduce_sum3A_60 = vector.multi_reduction <add>, %reduce_sum3A, %reduce_sum3A_59 [1, 2] : vector<1x1x4096xi32> to vector<1xi32>
    %reduce_sum3A_61 = vector.shape_cast %reduce_sum3A_60 : vector<1xi32> to vector<1x1x1xi32>
    %reduce_sum3A_62 = vector.extract %reduce_sum3A_61[0, 0, 0] : i32 from vector<1x1x1xi32>
    %sub3A = arith.constant 1024 : i32
    %sub3A_63 = arith.subi %sub3A, %reduce_sum3A_62 : i32
    %iota3A = tpu.iota {dimensions = array<i32: 1>} : vector<1x4096xi32>
    %eq3A = vector.broadcast %scan3A_54 : i32 to vector<1x4096xi32>
    %eq3A_64 = arith.cmpi eq, %bitcast_convert_type3A, %eq3A : vector<1x4096xi32>
    %sub3A_65 = arith.constant 4095 : i32
    %sub3A_66 = vector.broadcast %sub3A_65 : i32 to vector<1x4096xi32>
    %sub3A_67 = arith.subi %sub3A_66, %iota3A : vector<1x4096xi32>
    %jit3A = arith.constant -1 : i32
    %broadcast_in_dim3A = vector.broadcast %jit3A : i32 to vector<1x4096xi32>
    %select_n3A = arith.select %eq3A_64, %sub3A_67, %broadcast_in_dim3A : vector<1x4096xi1>, vector<1x4096xi32>
    %scan3A_68 = arith.constant 0 : i32
    %scan3A_69 = arith.constant 0 : i32
    %scan3A_70 = arith.constant 12 : i32
    %scan3A_71 = arith.addi %scan3A_69, %scan3A_70 : i32
    %scan3A_72 = arith.constant 1 : i32
    %scan3A_73 = scf.for %scan3A_109 = %scan3A_69 to %scan3A_71 step %scan3A_72 iter_args(%scan3A_110 = %scan3A_68) -> (i32)  : i32 {
      %sub3A_111 = arith.constant 11 : i32
      %sub3A_112 = arith.subi %sub3A_111, %scan3A_109 : i32
      %shift_left3A = arith.constant 1 : i32
      %shift_left3A_113 = arith.shli %shift_left3A, %sub3A_112 : i32
      %or3A_114 = arith.ori %scan3A_110, %shift_left3A_113 : i32
      %ge3A_115 = vector.broadcast %or3A_114 : i32 to vector<1x4096xi32>
      %ge3A_116 = arith.cmpi sge, %select_n3A, %ge3A_115 : vector<1x4096xi32>
      %convert_element_type3A_117 = arith.extui %ge3A_116 : vector<1x4096xi1> to vector<1x4096xi32>
      %reduce_sum3A_118 = vector.shape_cast %convert_element_type3A_117 : vector<1x4096xi32> to vector<1x1x4096xi32>
      %reduce_sum3A_119 = arith.constant dense<0> : vector<1xi32>
      %reduce_sum3A_120 = vector.multi_reduction <add>, %reduce_sum3A_118, %reduce_sum3A_119 [1, 2] : vector<1x1x4096xi32> to vector<1xi32>
      %reduce_sum3A_121 = vector.shape_cast %reduce_sum3A_120 : vector<1xi32> to vector<1x1x1xi32>
      %reduce_sum3A_122 = vector.extract %reduce_sum3A_121[0, 0, 0] : i32 from vector<1x1x1xi32>
      %ge3A_123 = arith.cmpi sge, %reduce_sum3A_122, %sub3A_63 : i32
      %select_n3A_124 = arith.select %ge3A_123, %or3A_114, %scan3A_110 : i32
      scf.yield %select_n3A_124 : i32
    }
    %scan3A_74 = arith.constant 12 : i32
    %gt3A = vector.broadcast %scan3A_54 : i32 to vector<1x4096xi32>
    %gt3A_75 = arith.cmpi sgt, %bitcast_convert_type3A, %gt3A : vector<1x4096xi32>
    %ge3A_76 = vector.broadcast %scan3A_73 : i32 to vector<1x4096xi32>
    %ge3A_77 = arith.cmpi sge, %select_n3A, %ge3A_76 : vector<1x4096xi32>
    %or3A = arith.ori %gt3A_75, %ge3A_77 : vector<1x4096xi1>
    %convert_element_type3A_78 = arith.extui %or3A : vector<1x4096xi1> to vector<1x4096xi32>
    %convert_element_type3A_79 = arith.sitofp %convert_element_type3A_78 : vector<1x4096xi32> to vector<1x4096xf32>
    %swap3A_80 = arith.constant 0 : index
    %swap3A_81 = arith.constant 0 : index
    %swap3A_82 = arith.constant 0 : index
    %swap3A_83 = vector.load %arg8[%swap3A_80, %swap3A_81, %swap3A_82] : memref<1x1x4096xf32, #tpu.memory_space<vmem>>, vector<1x1x4096xf32>
    %swap3A_84 = vector.shape_cast %swap3A_83 : vector<1x1x4096xf32> to vector<1x4096xf32>
    %swap3A_85 = vector.shape_cast %convert_element_type3A_79 : vector<1x4096xf32> to vector<1x1x4096xf32>
    tpu.vector_store %arg8[%swap3A_80, %swap3A_81, %swap3A_82], %swap3A_85 {strides = array<i32>} : memref<1x1x4096xf32, #tpu.memory_space<vmem>>, vector<1x1x4096xf32>,
    %reshape3A = vector.shape_cast %convert_element_type3A_79 : vector<1x4096xf32> to vector<32x128xf32>
    %iota3A_86 = tpu.iota {dimensions = array<i32: 0>} : vector<128x128xi32>
    %iota3A_87 = tpu.iota {dimensions = array<i32: 1>} : vector<128x128xi32>
    %lt3A = arith.cmpi slt, %iota3A_86, %iota3A_87 : vector<128x128xi32>
    %convert_element_type3A_88 = arith.extui %lt3A : vector<128x128xi1> to vector<128x128xi32>
    %convert_element_type3A_89 = arith.sitofp %convert_element_type3A_88 : vector<128x128xi32> to vector<128x128xf32>
    %dot_general3A_90 = arith.constant dense<0.000000e+00> : vector<32x128xf32>
    %dot_general3A_91 = tpu.matmul %reshape3A, %convert_element_type3A_89, %dot_general3A_90 {dimension_numbers = #tpu.dot_dimension_numbers<[1], [0], [0], [1], [0, 0, 1, 1], [], []>, transpose_lhs_hint = false} : vector<32x128xf32>, vector<128x128xf32>, vector<32x128xf32> -> vector<32x128xf32>
    %reduce_sum3A_92 = arith.constant dense<0.000000e+00> : vector<32xf32>
    %reduce_sum3A_93 = vector.multi_reduction <add>, %reshape3A, %reduce_sum3A_92 [1] : vector<32x128xf32> to vector<32xf32>
    %broadcast_in_dim3A_94 = vector.shape_cast %reduce_sum3A_93 : vector<32xf32> to vector<32x1xf32>
    %iota3A_95 = tpu.iota {dimensions = array<i32: 0>} : vector<32x32xi32>
    %iota3A_96 = tpu.iota {dimensions = array<i32: 1>} : vector<32x32xi32>
    %lt3A_97 = arith.cmpi slt, %iota3A_96, %iota3A_95 : vector<32x32xi32>
    %convert_element_type3A_98 = arith.extui %lt3A_97 : vector<32x32xi1> to vector<32x32xi32>
    %convert_element_type3A_99 = arith.sitofp %convert_element_type3A_98 : vector<32x32xi32> to vector<32x32xf32>
    %dot_general3A_100 = arith.constant dense<0.000000e+00> : vector<32x1xf32>
    %dot_general3A_101 = tpu.matmul %convert_element_type3A_99, %broadcast_in_dim3A_94, %dot_general3A_100 {dimension_numbers = #tpu.dot_dimension_numbers<[1], [0], [0], [1], [0, 0, 1, 1], [], []>, transpose_lhs_hint = false} : vector<32x32xf32>, vector<32x1xf32>, vector<32x1xf32> -> vector<32x1xf32>
    %slice3A = vector.extract_strided_slice %dot_general3A_91 {offsets = [0, 64], sizes = [32, 1], strides = [1, 1]} : vector<32x128xf32> to vector<32x1xf32>
    %add3A_102 = arith.addf %dot_general3A_101, %slice3A : vector<32x1xf32>
    %concatenate3A = tpu.concatenate %dot_general3A_101, %add3A_102 in 1 : vector<32x1xf32>, vector<32x1xf32> -> vector<32x2xf32>
    %swap3A_103 = arith.constant 0 : index
    %swap3A_104 = arith.constant 0 : index
    %swap3A_105 = arith.constant 0 : index
    %swap3A_106 = vector.load %arg9[%swap3A_103, %swap3A_104, %swap3A_105] : memref<1x32x2xf32, #tpu.memory_space<vmem>>, vector<1x32x2xf32>
    %swap3A_107 = vector.shape_cast %swap3A_106 : vector<1x32x2xf32> to vector<32x2xf32>
    %swap3A_108 = vector.shape_cast %concatenate3A : vector<32x2xf32> to vector<1x32x2xf32>
    tpu.vector_store %arg9[%swap3A_103, %swap3A_104, %swap3A_105], %swap3A_108 {strides = array<i32>} : memref<1x32x2xf32, #tpu.memory_space<vmem>>, vector<1x32x2xf32>,
    return
  }
  func.func @transform_0(%arg0: i32) -> (i32, i32, i32) {
    %c0_i32 = arith.constant 0 : i32
    %c0_i32_0 = arith.constant 0 : i32
    %c0_i32_1 = arith.constant 0 : i32
    return %arg0, %c0_i32, %c0_i32_0 : i32, i32, i32
  }
  func.func @transform_1(%arg0: i32) -> (i32, i32, i32) {
    %c0_i32 = arith.constant 0 : i32
    %c0_i32_0 = arith.constant 0 : i32
    %c0_i32_1 = arith.constant 0 : i32
    return %arg0, %c0_i32, %c0_i32_0 : i32, i32, i32
  }
  func.func @transform_2(%arg0: i32) -> (i32, i32) {
    %c0_i32 = arith.constant 0 : i32
    %c0_i32_0 = arith.constant 0 : i32
    %c0_i32_1 = arith.constant 0 : i32
    return %c0_i32, %c0_i32_0 : i32, i32
  }
  func.func @transform_3(%arg0: i32) -> (i32, i32) {
    %c0_i32 = arith.constant 0 : i32
    %c0_i32_0 = arith.constant 0 : i32
    %c0_i32_1 = arith.constant 0 : i32
    return %c0_i32, %c0_i32_0 : i32, i32
  }
  func.func @transform_4(%arg0: i32) -> (i32, i32) {
    %c0_i32 = arith.constant 0 : i32
    %c0_i32_0 = arith.constant 0 : i32
    %c0_i32_1 = arith.constant 0 : i32
    return %c0_i32, %c0_i32_0 : i32, i32
  }
  func.func @transform_5(%arg0: i32) -> (i32, i32) {
    %c0_i32 = arith.constant 0 : i32
    %c0_i32_0 = arith.constant 0 : i32
    %c0_i32_1 = arith.constant 0 : i32
    return %c0_i32, %c0_i32_0 : i32, i32
  }
  func.func @transform_6(%arg0: i32) -> (i32, i32, i32) {
    %c0_i32 = arith.constant 0 : i32
    %c0_i32_0 = arith.constant 0 : i32
    %c0_i32_1 = arith.constant 0 : i32
    return %arg0, %c0_i32, %c0_i32_0 : i32, i32, i32
  }
  func.func @transform_7(%arg0: i32) -> (i32, i32, i32) {
    %c0_i32 = arith.constant 0 : i32
    %c0_i32_0 = arith.constant 0 : i32
    %c0_i32_1 = arith.constant 0 : i32
    return %arg0, %c0_i32, %c0_i32_0 : i32, i32, i32
  }
  func.func @transform_8(%arg0: i32) -> (i32, i32, i32) {
    %c0_i32 = arith.constant 0 : i32
    %c0_i32_0 = arith.constant 0 : i32
    %c0_i32_1 = arith.constant 0 : i32
    return %arg0, %c0_i32, %c0_i32_0 : i32, i32, i32
  }
}

module attributes {stable_mosaic.version = 14 : i64} {
  func.func @_attn_kernel(%arg0: i32, %arg1: memref<1x1024x128xf32, #tpu.memory_space<vmem>>, %arg2: memref<96x96xf32, #tpu.memory_space<vmem>>, %arg3: memref<1x96xf32, #tpu.memory_space<vmem>>, %arg4: memref<96x96xf32, #tpu.memory_space<vmem>>, %arg5: memref<1x96xf32, #tpu.memory_space<vmem>>, %arg6: memref<96x96xf32, #tpu.memory_space<vmem>>, %arg7: memref<1x96xf32, #tpu.memory_space<vmem>>, %arg8: memref<96x96xf32, #tpu.memory_space<vmem>>, %arg9: memref<1x96xf32, #tpu.memory_space<vmem>>, %arg10: memref<1x96xf32, #tpu.memory_space<vmem>>, %arg11: memref<1x96xf32, #tpu.memory_space<vmem>>, %arg12: memref<1x1280x128xf32, #tpu.memory_space<vmem>>, %arg13: memref<1024x96xf32, #tpu.memory_space<vmem>>, %arg14: memref<1024x96xf32, #tpu.memory_space<vmem>>, %arg15: memref<1024x96xf32, #tpu.memory_space<vmem>>, %arg16: memref<1024x96xf32, #tpu.memory_space<vmem>>) attributes {dimension_semantics = [#tpu.dimension_semantics<parallel>], iteration_bounds = array<i64: 2>, scalar_prefetch = 0 : i64, scratch_operands = 4 : i64, tpu.core_type = #tpu.core_type<tc>, window_params = [{transform_indices = @transform_0, window_bounds = array<i64: 1, 1024, 128>}, {pipeline_mode = #tpu.pipeline_mode<synchronous>, transform_indices = @transform_1, window_bounds = array<i64: 96, 96>}, {pipeline_mode = #tpu.pipeline_mode<synchronous>, transform_indices = @transform_2, window_bounds = array<i64: 1, 96>}, {pipeline_mode = #tpu.pipeline_mode<synchronous>, transform_indices = @transform_3, window_bounds = array<i64: 96, 96>}, {pipeline_mode = #tpu.pipeline_mode<synchronous>, transform_indices = @transform_4, window_bounds = array<i64: 1, 96>}, {pipeline_mode = #tpu.pipeline_mode<synchronous>, transform_indices = @transform_5, window_bounds = array<i64: 96, 96>}, {pipeline_mode = #tpu.pipeline_mode<synchronous>, transform_indices = @transform_6, window_bounds = array<i64: 1, 96>}, {pipeline_mode = #tpu.pipeline_mode<synchronous>, transform_indices = @transform_7, window_bounds = array<i64: 96, 96>}, {pipeline_mode = #tpu.pipeline_mode<synchronous>, transform_indices = @transform_8, window_bounds = array<i64: 1, 96>}, {pipeline_mode = #tpu.pipeline_mode<synchronous>, transform_indices = @transform_9, window_bounds = array<i64: 1, 96>}, {pipeline_mode = #tpu.pipeline_mode<synchronous>, transform_indices = @transform_10, window_bounds = array<i64: 1, 96>}, {transform_indices = @transform_11, window_bounds = array<i64: 1, 1280, 128>}]} {
    %pow3A = arith.constant 1.200000e+01 : f32
    %pow3A_0 = arith.constant -5.000000e-01 : f32
    %pow3A_1 = math.powf %pow3A, %pow3A_0 : f32
    %get3A = arith.constant 0 : index
    %get3A_2 = arith.constant 0 : index
    %get3A_3 = arith.constant 0 : index
    %get3A_4 = vector.load %arg1[%get3A, %get3A_2, %get3A_3] : memref<1x1024x128xf32, #tpu.memory_space<vmem>>, vector<1x1024x96xf32>
    %get3A_5 = vector.shape_cast %get3A_4 : vector<1x1024x96xf32> to vector<1024x96xf32>
    %get3A_6 = arith.constant 0 : index
    %get3A_7 = arith.constant 0 : index
    %get3A_8 = vector.load %arg2[%get3A_6, %get3A_7] : memref<96x96xf32, #tpu.memory_space<vmem>>, vector<96x96xf32>
    %dot_general3A = arith.constant dense<0.000000e+00> : vector<1024x96xf32>
    %dot_general3A_9 = tpu.matmul %get3A_5, %get3A_8, %dot_general3A {dimension_numbers = #tpu.dot_dimension_numbers<[1], [1], [0], [0], [0, 0, 1, 0], [], []>, transpose_lhs_hint = false} : vector<1024x96xf32>, vector<96x96xf32>, vector<1024x96xf32> -> vector<1024x96xf32>
    %get3A_10 = arith.constant 0 : index
    %get3A_11 = arith.constant 0 : index
    %get3A_12 = vector.load %arg3[%get3A_10, %get3A_11] : memref<1x96xf32, #tpu.memory_space<vmem>>, vector<1x96xf32>
    %add3A = vector.broadcast %get3A_12 : vector<1x96xf32> to vector<1024x96xf32>
    %add3A_13 = arith.addf %dot_general3A_9, %add3A : vector<1024x96xf32>
    %swap3A = arith.constant 0 : index
    %swap3A_14 = arith.constant 0 : index
    %swap3A_15 = vector.load %arg13[%swap3A, %swap3A_14] : memref<1024x96xf32, #tpu.memory_space<vmem>>, vector<1024x96xf32>
    tpu.vector_store %arg13[%swap3A, %swap3A_14], %add3A_13 {strides = array<i32>} : memref<1024x96xf32, #tpu.memory_space<vmem>>, vector<1024x96xf32>,
    %get3A_16 = arith.constant 0 : index
    %get3A_17 = arith.constant 0 : index
    %get3A_18 = vector.load %arg4[%get3A_16, %get3A_17] : memref<96x96xf32, #tpu.memory_space<vmem>>, vector<96x96xf32>
    %dot_general3A_19 = arith.constant dense<0.000000e+00> : vector<1024x96xf32>
    %dot_general3A_20 = tpu.matmul %get3A_5, %get3A_18, %dot_general3A_19 {dimension_numbers = #tpu.dot_dimension_numbers<[1], [1], [0], [0], [0, 0, 1, 0], [], []>, transpose_lhs_hint = false} : vector<1024x96xf32>, vector<96x96xf32>, vector<1024x96xf32> -> vector<1024x96xf32>
    %get3A_21 = arith.constant 0 : index
    %get3A_22 = arith.constant 0 : index
    %get3A_23 = vector.load %arg5[%get3A_21, %get3A_22] : memref<1x96xf32, #tpu.memory_space<vmem>>, vector<1x96xf32>
    %add3A_24 = vector.broadcast %get3A_23 : vector<1x96xf32> to vector<1024x96xf32>
    %add3A_25 = arith.addf %dot_general3A_20, %add3A_24 : vector<1024x96xf32>
    %swap3A_26 = arith.constant 0 : index
    %swap3A_27 = arith.constant 0 : index
    %swap3A_28 = vector.load %arg14[%swap3A_26, %swap3A_27] : memref<1024x96xf32, #tpu.memory_space<vmem>>, vector<1024x96xf32>
    tpu.vector_store %arg14[%swap3A_26, %swap3A_27], %add3A_25 {strides = array<i32>} : memref<1024x96xf32, #tpu.memory_space<vmem>>, vector<1024x96xf32>,
    %get3A_29 = arith.constant 0 : index
    %get3A_30 = arith.constant 0 : index
    %get3A_31 = vector.load %arg6[%get3A_29, %get3A_30] : memref<96x96xf32, #tpu.memory_space<vmem>>, vector<96x96xf32>
    %dot_general3A_32 = arith.constant dense<0.000000e+00> : vector<1024x96xf32>
    %dot_general3A_33 = tpu.matmul %get3A_5, %get3A_31, %dot_general3A_32 {dimension_numbers = #tpu.dot_dimension_numbers<[1], [1], [0], [0], [0, 0, 1, 0], [], []>, transpose_lhs_hint = false} : vector<1024x96xf32>, vector<96x96xf32>, vector<1024x96xf32> -> vector<1024x96xf32>
    %get3A_34 = arith.constant 0 : index
    %get3A_35 = arith.constant 0 : index
    %get3A_36 = vector.load %arg7[%get3A_34, %get3A_35] : memref<1x96xf32, #tpu.memory_space<vmem>>, vector<1x96xf32>
    %add3A_37 = vector.broadcast %get3A_36 : vector<1x96xf32> to vector<1024x96xf32>
    %add3A_38 = arith.addf %dot_general3A_33, %add3A_37 : vector<1024x96xf32>
    %swap3A_39 = arith.constant 0 : index
    %swap3A_40 = arith.constant 0 : index
    %swap3A_41 = vector.load %arg15[%swap3A_39, %swap3A_40] : memref<1024x96xf32, #tpu.memory_space<vmem>>, vector<1024x96xf32>
    tpu.vector_store %arg15[%swap3A_39, %swap3A_40], %add3A_38 {strides = array<i32>} : memref<1024x96xf32, #tpu.memory_space<vmem>>, vector<1024x96xf32>,
    %broadcast_in_dim3A = arith.constant 0.000000e+00 : f32
    %broadcast_in_dim3A_42 = vector.broadcast %broadcast_in_dim3A : f32 to vector<1024x96xf32>
    %swap3A_43 = arith.constant 0 : index
    %swap3A_44 = arith.constant 0 : index
    %swap3A_45 = vector.load %arg16[%swap3A_43, %swap3A_44] : memref<1024x96xf32, #tpu.memory_space<vmem>>, vector<1024x96xf32>
    tpu.vector_store %arg16[%swap3A_43, %swap3A_44], %broadcast_in_dim3A_42 {strides = array<i32>} : memref<1024x96xf32, #tpu.memory_space<vmem>>, vector<1024x96xf32>,
    %iota3A = tpu.iota {dimensions = array<i32: 1>} : vector<1x96xi32>
    %scan3A = arith.constant 0 : i32
    %scan3A_46 = arith.constant 8 : i32
    %scan3A_47 = arith.addi %scan3A, %scan3A_46 : i32
    %scan3A_48 = arith.constant 1 : i32
    scf.for %scan3A_99 = %scan3A to %scan3A_47 step %scan3A_48  : i32 {
      %mul3A_100 = arith.constant 12 : i32
      %mul3A_101 = arith.muli %scan3A_99, %mul3A_100 : i32
      %ge3A = vector.broadcast %mul3A_101 : i32 to vector<1x96xi32>
      %ge3A_102 = arith.cmpi sge, %iota3A, %ge3A : vector<1x96xi32>
      %add3A_103 = arith.constant 1 : i32
      %add3A_104 = arith.addi %scan3A_99, %add3A_103 : i32
      %mul3A_105 = arith.constant 12 : i32
      %mul3A_106 = arith.muli %add3A_104, %mul3A_105 : i32
      %lt3A = vector.broadcast %mul3A_106 : i32 to vector<1x96xi32>
      %lt3A_107 = arith.cmpi slt, %iota3A, %lt3A : vector<1x96xi32>
      %and3A = arith.andi %ge3A_102, %lt3A_107 : vector<1x96xi1>
      %convert_element_type3A = arith.extui %and3A : vector<1x96xi1> to vector<1x96xi32>
      %convert_element_type3A_108 = arith.sitofp %convert_element_type3A : vector<1x96xi32> to vector<1x96xf32>
      %get3A_109 = arith.constant 0 : index
      %get3A_110 = arith.constant 0 : index
      %get3A_111 = vector.load %arg13[%get3A_109, %get3A_110] : memref<1024x96xf32, #tpu.memory_space<vmem>>, vector<1024x96xf32>
      %mul3A_112 = vector.broadcast %convert_element_type3A_108 : vector<1x96xf32> to vector<1024x96xf32>
      %mul3A_113 = arith.mulf %get3A_111, %mul3A_112 : vector<1024x96xf32>
      %get3A_114 = arith.constant 0 : index
      %get3A_115 = arith.constant 0 : index
      %get3A_116 = vector.load %arg14[%get3A_114, %get3A_115] : memref<1024x96xf32, #tpu.memory_space<vmem>>, vector<1024x96xf32>
      %dot_general3A_117 = arith.constant dense<0.000000e+00> : vector<1024x1024xf32>
      %dot_general3A_118 = tpu.matmul %mul3A_113, %get3A_116, %dot_general3A_117 {dimension_numbers = #tpu.dot_dimension_numbers<[1], [1], [0], [0], [0, 0, 1, 0], [], []>, transpose_lhs_hint = false} : vector<1024x96xf32>, vector<1024x96xf32>, vector<1024x1024xf32> -> vector<1024x1024xf32>
      %mul3A_119 = vector.broadcast %pow3A_1 : f32 to vector<1024x1024xf32>
      %mul3A_120 = arith.mulf %dot_general3A_118, %mul3A_119 : vector<1024x1024xf32>
      %exp3A = math.exp %mul3A_120 : vector<1024x1024xf32>
      %get3A_121 = arith.constant 0 : index
      %get3A_122 = arith.constant 0 : index
      %get3A_123 = vector.load %arg15[%get3A_121, %get3A_122] : memref<1024x96xf32, #tpu.memory_space<vmem>>, vector<1024x96xf32>
      %mul3A_124 = vector.broadcast %convert_element_type3A_108 : vector<1x96xf32> to vector<1024x96xf32>
      %mul3A_125 = arith.mulf %get3A_123, %mul3A_124 : vector<1024x96xf32>
      %dot_general3A_126 = arith.constant dense<0.000000e+00> : vector<1024x96xf32>
      %dot_general3A_127 = tpu.matmul %exp3A, %mul3A_125, %dot_general3A_126 {dimension_numbers = #tpu.dot_dimension_numbers<[1], [0], [0], [1], [0, 0, 1, 1], [], []>, transpose_lhs_hint = false} : vector<1024x1024xf32>, vector<1024x96xf32>, vector<1024x96xf32> -> vector<1024x96xf32>
      %get3A_128 = arith.constant 0 : index
      %get3A_129 = arith.constant 0 : index
      %get3A_130 = vector.load %arg16[%get3A_128, %get3A_129] : memref<1024x96xf32, #tpu.memory_space<vmem>>, vector<1024x96xf32>
      %reduce_sum3A_131 = arith.constant dense<0.000000e+00> : vector<1024xf32>
      %reduce_sum3A_132 = vector.multi_reduction <add>, %exp3A, %reduce_sum3A_131 [1] : vector<1024x1024xf32> to vector<1024xf32>
      %broadcast_in_dim3A_133 = vector.shape_cast %reduce_sum3A_132 : vector<1024xf32> to vector<1024x1xf32>
      %div3A_134 = vector.broadcast %broadcast_in_dim3A_133 : vector<1024x1xf32> to vector<1024x96xf32>
      %div3A_135 = arith.divf %dot_general3A_127, %div3A_134 : vector<1024x96xf32>
      %add3A_136 = arith.addf %get3A_130, %div3A_135 : vector<1024x96xf32>
      %swap3A_137 = arith.constant 0 : index
      %swap3A_138 = arith.constant 0 : index
      %swap3A_139 = vector.load %arg16[%swap3A_137, %swap3A_138] : memref<1024x96xf32, #tpu.memory_space<vmem>>, vector<1024x96xf32>
      tpu.vector_store %arg16[%swap3A_137, %swap3A_138], %add3A_136 {strides = array<i32>} : memref<1024x96xf32, #tpu.memory_space<vmem>>, vector<1024x96xf32>,
    }
    %scan3A_49 = arith.constant 8 : i32
    %get3A_50 = arith.constant 0 : index
    %get3A_51 = arith.constant 0 : index
    %get3A_52 = vector.load %arg16[%get3A_50, %get3A_51] : memref<1024x96xf32, #tpu.memory_space<vmem>>, vector<1024x96xf32>
    %get3A_53 = arith.constant 0 : index
    %get3A_54 = arith.constant 0 : index
    %get3A_55 = vector.load %arg8[%get3A_53, %get3A_54] : memref<96x96xf32, #tpu.memory_space<vmem>>, vector<96x96xf32>
    %dot_general3A_56 = arith.constant dense<0.000000e+00> : vector<1024x96xf32>
    %dot_general3A_57 = tpu.matmul %get3A_52, %get3A_55, %dot_general3A_56 {dimension_numbers = #tpu.dot_dimension_numbers<[1], [1], [0], [0], [0, 0, 1, 0], [], []>, transpose_lhs_hint = false} : vector<1024x96xf32>, vector<96x96xf32>, vector<1024x96xf32> -> vector<1024x96xf32>
    %get3A_58 = arith.constant 0 : index
    %get3A_59 = arith.constant 0 : index
    %get3A_60 = vector.load %arg9[%get3A_58, %get3A_59] : memref<1x96xf32, #tpu.memory_space<vmem>>, vector<1x96xf32>
    %add3A_61 = vector.broadcast %get3A_60 : vector<1x96xf32> to vector<1024x96xf32>
    %add3A_62 = arith.addf %dot_general3A_57, %add3A_61 : vector<1024x96xf32>
    %add3A_63 = arith.addf %add3A_62, %get3A_5 : vector<1024x96xf32>
    %reduce_sum3A = arith.constant dense<0.000000e+00> : vector<1024xf32>
    %reduce_sum3A_64 = vector.multi_reduction <add>, %add3A_63, %reduce_sum3A [1] : vector<1024x96xf32> to vector<1024xf32>
    %broadcast_in_dim3A_65 = vector.shape_cast %reduce_sum3A_64 : vector<1024xf32> to vector<1024x1xf32>
    %div3A = arith.constant 9.600000e+01 : f32
    %div3A_66 = vector.broadcast %div3A : f32 to vector<1024x1xf32>
    %div3A_67 = arith.divf %broadcast_in_dim3A_65, %div3A_66 : vector<1024x1xf32>
    %sub3A = vector.broadcast %div3A_67 : vector<1024x1xf32> to vector<1024x96xf32>
    %sub3A_68 = arith.subf %add3A_63, %sub3A : vector<1024x96xf32>
    %integer_pow3A = arith.mulf %sub3A_68, %sub3A_68 : vector<1024x96xf32>
    %reduce_sum3A_69 = arith.constant dense<0.000000e+00> : vector<1024xf32>
    %reduce_sum3A_70 = vector.multi_reduction <add>, %integer_pow3A, %reduce_sum3A_69 [1] : vector<1024x96xf32> to vector<1024xf32>
    %broadcast_in_dim3A_71 = vector.shape_cast %reduce_sum3A_70 : vector<1024xf32> to vector<1024x1xf32>
    %div3A_72 = arith.constant 9.600000e+01 : f32
    %div3A_73 = vector.broadcast %div3A_72 : f32 to vector<1024x1xf32>
    %div3A_74 = arith.divf %broadcast_in_dim3A_71, %div3A_73 : vector<1024x1xf32>
    %sub3A_75 = vector.broadcast %div3A_67 : vector<1024x1xf32> to vector<1024x96xf32>
    %sub3A_76 = arith.subf %add3A_63, %sub3A_75 : vector<1024x96xf32>
    %add3A_77 = arith.constant 9.99999974E-6 : f32
    %add3A_78 = vector.broadcast %add3A_77 : f32 to vector<1024x1xf32>
    %add3A_79 = arith.addf %div3A_74, %add3A_78 : vector<1024x1xf32>
    %rsqrt3A = math.rsqrt %add3A_79 : vector<1024x1xf32>
    %mul3A = vector.broadcast %rsqrt3A : vector<1024x1xf32> to vector<1024x96xf32>
    %mul3A_80 = arith.mulf %sub3A_76, %mul3A : vector<1024x96xf32>
    %get3A_81 = arith.constant 0 : index
    %get3A_82 = arith.constant 0 : index
    %get3A_83 = vector.load %arg10[%get3A_81, %get3A_82] : memref<1x96xf32, #tpu.memory_space<vmem>>, vector<1x96xf32>
    %mul3A_84 = vector.broadcast %get3A_83 : vector<1x96xf32> to vector<1024x96xf32>
    %mul3A_85 = arith.mulf %mul3A_80, %mul3A_84 : vector<1024x96xf32>
    %get3A_86 = arith.constant 0 : index
    %get3A_87 = arith.constant 0 : index
    %get3A_88 = vector.load %arg11[%get3A_86, %get3A_87] : memref<1x96xf32, #tpu.memory_space<vmem>>, vector<1x96xf32>
    %add3A_89 = vector.broadcast %get3A_88 : vector<1x96xf32> to vector<1024x96xf32>
    %add3A_90 = arith.addf %mul3A_85, %add3A_89 : vector<1024x96xf32>
    %broadcast_in_dim3A_91 = arith.constant 0.000000e+00 : f32
    %broadcast_in_dim3A_92 = vector.broadcast %broadcast_in_dim3A_91 : f32 to vector<1024x32xf32>
    %concatenate3A = tpu.concatenate %add3A_90, %broadcast_in_dim3A_92 in 1 : vector<1024x96xf32>, vector<1024x32xf32> -> vector<1024x128xf32>
    %swap3A_93 = arith.constant 0 : index
    %swap3A_94 = arith.constant 0 : index
    %swap3A_95 = arith.constant 0 : index
    %swap3A_96 = vector.load %arg12[%swap3A_93, %swap3A_94, %swap3A_95] : memref<1x1280x128xf32, #tpu.memory_space<vmem>>, vector<1x1024x128xf32>
    %swap3A_97 = vector.shape_cast %swap3A_96 : vector<1x1024x128xf32> to vector<1024x128xf32>
    %swap3A_98 = vector.shape_cast %concatenate3A : vector<1024x128xf32> to vector<1x1024x128xf32>
    tpu.vector_store %arg12[%swap3A_93, %swap3A_94, %swap3A_95], %swap3A_98 {strides = array<i32>} : memref<1x1280x128xf32, #tpu.memory_space<vmem>>, vector<1x1024x128xf32>,
    return
  }
  func.func @transform_0(%arg0: i32) -> (i32, i32, i32) {
    %c0_i32 = arith.constant 0 : i32
    %c0_i32_0 = arith.constant 0 : i32
    %c0_i32_1 = arith.constant 0 : i32
    return %arg0, %c0_i32, %c0_i32_0 : i32, i32, i32
  }
  func.func @transform_1(%arg0: i32) -> (i32, i32) {
    %c0_i32 = arith.constant 0 : i32
    %c0_i32_0 = arith.constant 0 : i32
    %c0_i32_1 = arith.constant 0 : i32
    return %c0_i32, %c0_i32_0 : i32, i32
  }
  func.func @transform_2(%arg0: i32) -> (i32, i32) {
    %c0_i32 = arith.constant 0 : i32
    %c0_i32_0 = arith.constant 0 : i32
    %c0_i32_1 = arith.constant 0 : i32
    return %c0_i32, %c0_i32_0 : i32, i32
  }
  func.func @transform_3(%arg0: i32) -> (i32, i32) {
    %c0_i32 = arith.constant 0 : i32
    %c0_i32_0 = arith.constant 0 : i32
    %c0_i32_1 = arith.constant 0 : i32
    return %c0_i32, %c0_i32_0 : i32, i32
  }
  func.func @transform_4(%arg0: i32) -> (i32, i32) {
    %c0_i32 = arith.constant 0 : i32
    %c0_i32_0 = arith.constant 0 : i32
    %c0_i32_1 = arith.constant 0 : i32
    return %c0_i32, %c0_i32_0 : i32, i32
  }
  func.func @transform_5(%arg0: i32) -> (i32, i32) {
    %c0_i32 = arith.constant 0 : i32
    %c0_i32_0 = arith.constant 0 : i32
    %c0_i32_1 = arith.constant 0 : i32
    return %c0_i32, %c0_i32_0 : i32, i32
  }
  func.func @transform_6(%arg0: i32) -> (i32, i32) {
    %c0_i32 = arith.constant 0 : i32
    %c0_i32_0 = arith.constant 0 : i32
    %c0_i32_1 = arith.constant 0 : i32
    return %c0_i32, %c0_i32_0 : i32, i32
  }
  func.func @transform_7(%arg0: i32) -> (i32, i32) {
    %c0_i32 = arith.constant 0 : i32
    %c0_i32_0 = arith.constant 0 : i32
    %c0_i32_1 = arith.constant 0 : i32
    return %c0_i32, %c0_i32_0 : i32, i32
  }
  func.func @transform_8(%arg0: i32) -> (i32, i32) {
    %c0_i32 = arith.constant 0 : i32
    %c0_i32_0 = arith.constant 0 : i32
    %c0_i32_1 = arith.constant 0 : i32
    return %c0_i32, %c0_i32_0 : i32, i32
  }
  func.func @transform_9(%arg0: i32) -> (i32, i32) {
    %c0_i32 = arith.constant 0 : i32
    %c0_i32_0 = arith.constant 0 : i32
    %c0_i32_1 = arith.constant 0 : i32
    return %c0_i32, %c0_i32_0 : i32, i32
  }
  func.func @transform_10(%arg0: i32) -> (i32, i32) {
    %c0_i32 = arith.constant 0 : i32
    %c0_i32_0 = arith.constant 0 : i32
    %c0_i32_1 = arith.constant 0 : i32
    return %c0_i32, %c0_i32_0 : i32, i32
  }
  func.func @transform_11(%arg0: i32) -> (i32, i32, i32) {
    %c0_i32 = arith.constant 0 : i32
    %c0_i32_0 = arith.constant 0 : i32
    %c0_i32_1 = arith.constant 0 : i32
    return %arg0, %c0_i32, %c0_i32_0 : i32, i32, i32
  }
}

</mosaic_0001>

<sc_bundles>
// kernel: kernel.10.cloned.1.call-start
scs
__scs_entry_jumppad:
0x0: {  	(pc) =	sbr.rel $0x88, $3  }
0x1: {  	(tag) =	ssettag $0x0;
	lr =	simm.s32 $0x1  }
0x2: {  	[smem:$0x3F91] =	sst lr;
	_ =	strace $0xD0000000  }
0x3: {  	_ = 	snop  }
0x4: {  	_ = 	snop  }
0x5: {  	_ = 	snop  }
0x6: {  	_ = 	snop  }
0x7: {  	_ = 	snop  }
__scs_overlays_trampoline_lowered:
0x8: {  	[smem:$0x3FA0] =	sst s0  }
0x9: {  	[smem:$0x3FA1] =	sst s1  }
0xa: {  	[smem:$0x3FA2] =	sst s2  }
0xb: {  	[smem:$0x3FA3] =	sst s3  }
0xc: {  	[smem:$0x3FA4] =	sst s4  }
0xd: {  	[smem:$0x3FA5] =	sst s5  }
0xe: {  	[smem:$0x3FA6] =	sst s6  }
0xf: {  	[smem:$0x3FA7] =	sst s7  }
0x10: {  	[smem:$0x3FA8] =	sst s8  }
0x11: {  	[smem:$0x3FA9] =	sst s9;
	s0 =	simm.s32 @!p0 $0x0  }
0x12: {  	s1 =	sld [smem:$0x3F8F];
	s0 =	simm.s32 @p0 $0x1  }
0x13: {  	[smem:$0x3FAA] =	sst s0;
	s0 =	simm.s32 @!p1 $0x0  }
0x14: {  	s2 =	sld [smem:$0x3F8E];
	s0 =	simm.s32 @p1 $0x1  }
0x15: {  	[smem:$0x3FAB] =	sst s0;
	s0 =	simm.s32 @!p2 $0x0  }
0x16: {  	s3 =	sld [smem:$0x3FDB];
	s0 =	simm.s32 @p2 $0x1  }
0x17: {  	s4 =	simm.s32 $0x1BF5;
	[smem:$0x3FAD] =	sst s0  }
0x18: {  	s0 =	sld [smem:$0x3F90];
	_ =	swait.ge [sflag:s4], $0x0  }
0x19: {  	s7 =	sld [smem:$0x3F91]  }
0x1a: {  	s8 =	sadd.s32 $0xFFFFE003, lr  }
0x1b: {  	s9 =	sadd.s32 $0xFFFFFEF7, lr;
	s5 =	simm.s32 $0xFFFFFFFF;
	p2 =	slt.u32 s8, $0xFFFFF086  }
0x1c: {  	p1 =	slt.u32 s9, $0xF7A;
	s5 =	simm.s32 @!p2 $0x0  }
0x1d: {  	s5 =	simm.s32 @p1 $0x1;
	p0 =	seq.s32 s7, s2  }
0x1e: {  	s7 =	smul.u32 @!p0 $0xF7A, s2;
	p2 =	seq.s32 @!p0 s5, $0x0  }
0x1f: {  	s9 =	smul.u32 $0xF7A, s1;
	s8 =	simm.s32 @!p0 $0x1BF5;
	p2 =	por !p2, p0  }
0x20: {  	[sflag:s8] =	ssyncset.s32 @!p0 $0xFFFFF086;
	s6 =	sadd.s32 @!p0 s3, s7;
	s7 =	simm.s32 @!p0 $0x108  }
0x21: {  	s3 =	sadd.s32 s3, s9;
	s6 =	sadd.s32 @!p0 $0x88, s6;
	s7 =	simm.s32 @p2 $0x1082  }
0x22: {  	[simem:s7], [sflag:s8] =	dma.local @!p0 [hbm:s6], $0xF7A  }
0x23: {  	s9 =	sor.u32 $0xD0000000, s2;
	s6 =	simm.s32 $0x108;
	_ =	swait.ge @!p0 [sflag:s8], $0x0  }
0x24: {  	s3 =	sadd.s32 $0x88, s3;
	s6 =	simm.s32 @!p1 $0x1082;
	[sflag:s4] =	ssyncset.s32 $0xFFFFF086  }
0x25: {  	[simem:s6], [sflag:s4] =	dma.local [hbm:s3], $0xF7A  }
0x26: {  	[smem:$0x3F91] =	sst s1;
	(tag) =	ssettag s2;
	_ =	strace s9  }
0x27: {  	s1 =	sld [smem:$0x3FA1]  }
0x28: {  	s2 =	sld [smem:$0x3FA2]  }
0x29: {  	s4 =	sld [smem:$0x3FA4]  }
0x2a: {  	p0 =	seq.s32 s5, $0x0;
	s5 =	sld [smem:$0x3FA5]  }
0x2b: {  	s6 =	sld [smem:$0x3FA6]  }
0x2c: {  	s7 =	sld [smem:$0x3FA7]  }
0x2d: {  	s3 =	simm.s32 $0x108;
	s8 =	sld [smem:$0x3FA8]  }
0x2e: {  	s3 =	simm.s32 @!p0 $0x1082;
	s9 =	sld [smem:$0x3FA9]  }
0x2f: {  	lr =	sadd.s32 s0, s3;
	s0 =	sld [smem:$0x3FA0]  }
0x30: {  	s3 =	sld [smem:$0x3FA3]  }
0x31: {  	[smem:$0x3FAC] =	sst s10  }
0x32: {  	s10 =	sld [smem:$0x3FAA];
	_ =	sdelay $0x3  }
0x33: {  	p0 =	seq.s32 s10, $0x1;
	s10 =	sld [smem:$0x3FAC];
	_ =	sdelay $0x3  }
0x34: {  	[smem:$0x3FAC] =	sst s10  }
0x35: {  	s10 =	sld [smem:$0x3FAB];
	_ =	sdelay $0x3  }
0x36: {  	p1 =	seq.s32 s10, $0x1;
	s10 =	sld [smem:$0x3FAC];
	_ =	sdelay $0x3  }
0x37: {  	[smem:$0x3FAC] =	sst s10  }
0x38: {  	s10 =	sld [smem:$0x3FAD]  }
0x39: {  	_ = 	snop;
	(pc) =	sbr.ind lr, $3  }
0x3a: {  	_ = 	snop  }
0x3b: {  	_ = 	snop  }
0x3c: {  	p2 =	seq.s32 s10, $0x1;
	s10 =	sld [smem:$0x3FAC]  }
0x3d: {  	_ =	shalt  }
0x3e: {  	_ =	shalt  }
0x3f: {  	_ =	shalt  }
0x40: {  	_ =	shalt  }
0x41: {  	_ =	shalt  }
0x42: {  	_ =	shalt  }
0x43: {  	_ =	shalt  }
0x44: {  	_ =	shalt  }
0x45: {  	_ =	shalt  }
0x46: {  	_ =	shalt  }
0x47: {  	_ =	shalt  }
0x48: {  	_ =	shalt  }
0x49: {  	_ =	shalt  }
0x4a: {  	_ =	shalt  }
0x4b: {  	_ =	shalt  }
0x4c: {  	_ =	shalt  }
0x4d: {  	_ =	shalt  }
0x4e: {  	_ =	shalt  }
0x4f: {  	_ =	shalt  }
0x50: {  	_ =	shalt  }
0x51: {  	_ =	shalt  }
0x52: {  	_ =	shalt  }
0x53: {  	_ =	shalt  }
0x54: {  	_ =	shalt  }
0x55: {  	_ =	shalt  }
0x56: {  	_ =	shalt  }
0x57: {  	_ =	shalt  }
0x58: {  	_ =	shalt  }
0x59: {  	_ =	shalt  }
0x5a: {  	_ =	shalt  }
0x5b: {  	_ =	shalt  }
0x5c: {  	_ =	shalt  }
0x5d: {  	_ =	shalt  }
0x5e: {  	_ =	shalt  }
0x5f: {  	_ =	shalt  }
0x60: {  	_ =	shalt  }
0x61: {  	_ =	shalt  }
0x62: {  	_ =	shalt  }
0x63: {  	_ =	shalt  }
0x64: {  	_ =	shalt  }
0x65: {  	_ =	shalt  }
0x66: {  	_ =	shalt  }
0x67: {  	_ =	shalt  }
0x68: {  	_ =	shalt  }
0x69: {  	_ =	shalt  }
0x6a: {  	_ =	shalt  }
0x6b: {  	_ =	shalt  }
0x6c: {  	_ =	shalt  }
0x6d: {  	_ =	shalt  }
0x6e: {  	_ =	shalt  }
0x6f: {  	_ =	shalt  }
0x70: {  	_ =	shalt  }
0x71: {  	_ =	shalt  }
0x72: {  	_ =	shalt  }
0x73: {  	_ =	shalt  }
0x74: {  	_ =	shalt  }
0x75: {  	_ =	shalt  }
0x76: {  	_ =	shalt  }
0x77: {  	_ =	shalt  }
0x78: {  	_ =	shalt  }
0x79: {  	_ =	shalt  }
0x7a: {  	_ =	shalt  }
0x7b: {  	_ =	shalt  }
0x7c: {  	_ =	shalt  }
0x7d: {  	_ =	shalt  }
0x7e: {  	_ =	shalt  }
0x7f: {  	_ =	shalt  }
0x80: {  	_ =	shalt  }
0x81: {  	_ =	shalt  }
0x82: {  	_ =	shalt  }
0x83: {  	_ =	shalt  }
0x84: {  	_ =	shalt  }
0x85: {  	_ =	shalt  }
0x86: {  	_ =	shalt  }
0x87: {  	_ =	shalt  }
.Lfunc_end0:
.L_simem_size_0:
called_computation.1_lowered:
.L_overlay_start_0:
0x88: {  	s2 =	sld [smem:$0x3FD9]  }
0x89: {  	s3 =	sld [smem:$0x3FFE];
	_ =	sdelay $0x1  }
0x8a: {  	s1 =	srdreg.scid  }
0x8b: {  	s0 =	sand.u32 $0x1, s1  }
0x8c: {  	s14 =	sshll.u32 s0, $0xA;
	s2 =	sadd.s32 s3, s2  }
0x8d: {  	s2 =	sadd.s32 s2, s14  }
0x8e: {  	[smem:$0x3FB8] =	sst s2  }
0x8f: {  	_ = 	snop  }
0x90: {  	s2 =	sld [smem:$0x3FD0];
	_ =	sdelay $0x2  }
0x91: {  	s15 =	simm.s32 $0xA;
	s4 =	simm.s32 $0x10  }
0x92: {  	[smem:s4], [sflag:s15] =	dma.local [hbm:s2], $0x1  }
0x93: {  	_ =	swait.eq [sflag:s15], $0x1  }
0x94: {  	[sflag:s15] =	ssyncset.done $0x0  }
0x95: {  	s16 =	sld [smem:$0x10];
	[sflag:s15] =	ssyncadd.s32 $0xFFFFFFFF  }
0x96: {  	s17 =	sld [smem:$0x11];
	(tm) =	ssettm $0x1  }
0x97: {  	s18 =	sld [smem:$0x3FFB];
	_ =	sdelay $0x3  }
0x98: {  	_ =	strace s18  }
0x99: {  	s4 =	sld [smem:$0x3FFC];
	_ =	sdelay $0x3  }
0x9a: {  	_ =	strace s4  }
0x9b: {  	s4 =	sld [smem:$0x3FFD];
	_ =	sdelay $0x3  }
0x9c: {  	_ =	strace s4  }
0x9d: {  	_ =	strace $0x8FFFFFFF  }
0x9e: {  	s19 =	sld [smem:$0x3FDB];
	_ =	sdelay $0x1  }
0x9f: {  	s5 =	simm.s32 $_scs_section_size  }
0xa0: {  	s6 =	simm.s32 $_size__tile_overlayer_lowered;
	s7 =	simm.s32 $_tile_overlayer_lowered  }
0xa1: {  	s22 =	simm.s32 $0x1BFF;
	s21 =	sshll.u32 s7, $0x1;
	s4 =	sadd.s32 s5, s19  }
0xa2: {  	s8 =	simm.s32 $0x0;
	s20 =	sshll.u32 s6, $0x1;
	s6 =	sadd.s32 s21, s4  }
0xa3: {  	[timem:s8], [sflag:s22] =	dma.local [hbm:s6], s20  }
0xa4: {  	_ =	swait.ge [sflag:s22], s20  }
0xa5: {  	s5 =	ssub.s32 $0x0, s20;
	[sflag:s22] =	ssyncset.done $0x0  }
0xa6: {  	[sflag:s22] =	ssyncadd.s32 s5;
	_ =	sdelay $0x1  }
0xa7: {  	s23 =	simm.s32 $0x1B8B  }
0xa8: {  	_ =	swait.ge [sflag:s23], $0x1  }
0xa9: {  	[sflag:s23] =	ssyncset.done $0x0  }
0xaa: {  	s25 =	simm.s32 $0x1B8E;
	s24 =	sld [smem:$0x3FFE];
	[sflag:s23] =	ssyncadd.s32 $0xFFFFFFFF  }
0xab: {  	s26 =	simm.s32 $execute0_lowered;
	[smem:$0x3FD2] =	sst s25  }
0xac: {  	s6 =	sshll.u32 s26, $0x1;
	_ =	strace $0x80000049;
	[dreg:$0x1] =	wrdreg $0xFFFFFFFF  }
0xad: {  	s28 =	simm.s32 $_size_execute0_lowered;
	s4 =	sadd.s32 s4, s6;
	[dreg:$0x0] =	wrdreg $0x0  }
0xae: {  	s6 =	sshll.u32 s28, $0x1;
	[dreg:$0x2] =	wrdreg s4  }
0xaf: {  	[dreg:$0x3] =	wrdreg s6  }
0xb0: {  	[dreg:$0x4] =	wrdreg $0xC0  }
0xb1: {  	_ =	task [dreg:s8], $0x5FFFF  }
0xb2: {  	[dreg:$0x1] =	wrdreg $0xFFFFFFFF  }
0xb3: {  	[dreg:$0x0] =	wrdreg $0x60  }
0xb4: {  	[dreg:$0x2] =	wrdreg s16  }
0xb5: {  	[dreg:$0x3] =	wrdreg s17  }
0xb6: {  	[dreg:$0x4] =	wrdreg s24  }
0xb7: {  	[dreg:$0x5] =	wrdreg $0x9  }
0xb8: {  	_ =	task.clear_ibuf [dreg:s8], $0x6FFFF;
	_ =	strace $0x90000049  }
0xb9: {  	s29 =	simm.s32 $0x9;
	_ =	strace $0x8000004B  }
0xba: {  	_ =	swait.ge [sflag:s29], $0x1  }
0xbb: {  	[sflag:s29] =	ssyncadd.s32 $0xFFFFFFFF  }
0xbc: {  	_ =	strace $0x9000004B  }
0xbd: {  	_ =	sfence  }
0xbe: {  	s30 =	sld [smem:$0x0];
	_ =	sdelay $0x2  }
0xbf: {  	s31 =	sshll.u32 s1, $0xD;
	s1 =	sshrl.u32 s1, $0x2  }
0xc0: {  	s3 =	sand.u32 $0x4000, s31;
	s1 =	sadd.s32 s1, s30  }
0xc1: {  	s0 =	sor.u32 s3, s0;
	s1 =	sshll.u32 s1, $0x11  }
0xc2: {  	s0 =	sor.u32 s1, s0  }
0xc3: {  	s0 =	sadd.s32 $0x8F2B, s0  }
0xc4: {  	[sflag:s0] =	ssyncadd.remote.s32 $0x1  }
0xc5: {  	_ =	sfence.sel $0xFFFF  }
0xc6: {  	[dreg:$0x0] =	wrdreg $0xFFFFFFFF;
	(pc) =	sbr.abs _section_cstart, $3  }
0xc7: {  	[dreg:$0x1] =	wrdreg $0xFFFFFFFF  }
0xc8: {  	_ =	task.clear_ibuf [dreg:s8], $0x2FFFF;
	_ =	strace $0x9FFFFFFF  }
0xc9: {  	(tm) =	ssettm $0x7FFFFFFF  }
tec
execute0_lowered:
.L_overlay_start_1:
0x0: {  	(tag) =	ssettag $0x1  }
0x1: {  	s1 =	rddreg [dreg:$0x0];
	s2 =	srdreg.scid  }
0x2: {  	s10 =	rddreg [dreg:$0x1];
	s0 =	stileid.u32;
	s11 =	sand.u32 $0x1, s2  }
0x3: {  	s9 =	rddreg [dreg:$0x2];
	s4 =	sshll.u32 s0, $0x6;
	s5 =	sshll.u32 s11, $0x5  }
0x4: {  	s3 =	simm.s32 $0x0;
	s2 =	rddreg [dreg:$0x3];
	s12 =	sor.u32 s5, s4  }
0x5: {  	[smem:$0x7FF] =	sst s3;
	s4 =	sshrl.u32 s12, $0x3  }
0x6: {  	_ =	strace $0x8000004A;
	s5 =	sadd.s32 s10, s4;
	s4 =	simm.s32 $0x2  }
0x7: {  	[tilespmem:s3], [sflag:$0x2] =	stream.linear.gather [hbm4b:s5+s3], $0x20, $0x38;
	[tilespmem:$0x1080] =	vst v63  }
0x8: {  	_ =	swait.ge [sflag:s4], $0x20  }
0x9: {  	s6 =	simm.s32 $0x20;
	[sflag:s4] =	ssyncset.done $0x0  }
0xa: {  	s7 =	simm.s32 $0x80;
	s8 =	simm.s32 $0x1;
	[sflag:s4] =	ssyncadd.s32 $0xFFFFFFE0  }
0xb: {  	[tilespmem:s7], [sflag:$0x1] =	stream.indirect.gather [hbm4b:s1+s6], $0x80, s3, s6, $0xb8;
	[tilespmem:$0x1080] =	vst v63  }
0xc: {  	_ =	swait.ge [sflag:s8], $0x1000  }
0xd: {  	s13 =	sadd.s32 $0x3200, s9;
	s28 =	sshll.u32 s12, $0x4;
	[sflag:s8] =	ssyncset.done $0x0  }
0xe: {  	s9 =	sadd.s32 s13, s28;
	[sflag:s8] =	ssyncadd.s32 $0xFFFFF000  }
0xf: {  	[hbm4b:s9+s3] =	stream.linear.scatter [tilespmem:s7], [sflag:$0x2], $0x1000, $0x38;
	[tilespmem:$0x1080] =	vst v63  }
0x10: {  	s12 =	sor.u32 $0x400, s12;
	_ =	swait.ge [sflag:s4], $0x1000  }
0x11: {  	s14 =	sshrl.u32 s12, $0x3;
	[sflag:s4] =	ssyncset.done $0x0  }
0x12: {  	s11 =	ssub.s32 $0x2, s11;
	s10 =	sadd.s32 s10, s14;
	[sflag:s4] =	ssyncadd.s32 $0xFFFFF000  }
0x13: {  	[tilespmem:s3], [sflag:$0x2] =	stream.linear.gather [hbm4b:s10+s3], $0x20, $0x38;
	[tilespmem:$0x1080] =	vst v63  }
0x14: {  	s29 =	sshrl.u32 s11, $0x1;
	_ =	swait.ge [sflag:s4], $0x20  }
0x15: {  	s14 =	ssub.s32 s11, s29;
	[sflag:s4] =	ssyncset.done $0x0  }
0x16: {  	s31 =	smax.u32 s14, $0x1;
	[sflag:s4] =	ssyncadd.s32 $0xFFFFFFE0  }
0x17: {  	[tilespmem:s7], [sflag:$0x1] =	stream.indirect.gather [hbm4b:s1+s6], $0x80, s3, s6, $0xb8;
	[tilespmem:$0x1080] =	vst v63  }
0x18: {  	p0 =	sne.s32 s31, $0x1;
	_ =	swait.ge [sflag:s8], $0x1000  }
.Ltmp0:
0x19: {  	s30 =	sshll.u32 s12, $0x4;
	[sflag:s8] =	ssyncset.done $0x0;
	(pc) =	sbr.rel @!p0 .LBB2_2-.Ltmp0, $4  }
0x1a: {  	s11 =	sadd.s32 s13, s30;
	[sflag:s8] =	ssyncadd.s32 $0xFFFFF000  }
0x1b: {  	[hbm4b:s11+s3] =	stream.linear.scatter [tilespmem:s7], [sflag:$0x2], $0x1000, $0x38;
	[tilespmem:$0x1080] =	vst v63  }
0x1c: {  	_ =	swait.ge [sflag:s4], $0x1000  }
0x1d: {  	s12 =	sadd.s32 $0xFFFFFFFF, s31;
	[sflag:s4] =	ssyncset.done $0x0  }
.LBB2_1:
0x1e: {  	p0 =	sne.s32 s12, $0x1;
	s12 =	sadd.s32 $0xFFFFFFFF, s12;
	[sflag:s4] =	ssyncadd.s32 $0xFFFFF000  }
0x1f: {  	[tilespmem:s3], [sflag:$0x2] =	stream.linear.gather [hbm4b:s5+s3], $0x20, $0x38;
	[tilespmem:$0x1080] =	vst v63  }
0x20: {  	_ =	swait.ge [sflag:s4], $0x20  }
0x21: {  	[sflag:s4] =	ssyncset.done $0x0  }
0x22: {  	[sflag:s4] =	ssyncadd.s32 $0xFFFFFFE0  }
0x23: {  	[tilespmem:s7], [sflag:$0x1] =	stream.indirect.gather [hbm4b:s1+s6], $0x80, s3, s6, $0xb8;
	[tilespmem:$0x1080] =	vst v63  }
0x24: {  	_ =	swait.ge [sflag:s8], $0x1000  }
0x25: {  	[sflag:s8] =	ssyncset.done $0x0  }
0x26: {  	[sflag:s8] =	ssyncadd.s32 $0xFFFFF000  }
0x27: {  	[hbm4b:s9+s3] =	stream.linear.scatter [tilespmem:s7], [sflag:$0x2], $0x1000, $0x38;
	[tilespmem:$0x1080] =	vst v63  }
0x28: {  	_ =	swait.ge [sflag:s4], $0x1000  }
0x29: {  	[sflag:s4] =	ssyncset.done $0x0  }
0x2a: {  	[sflag:s4] =	ssyncadd.s32 $0xFFFFF000  }
0x2b: {  	[tilespmem:s3], [sflag:$0x2] =	stream.linear.gather [hbm4b:s10+s3], $0x20, $0x38;
	[tilespmem:$0x1080] =	vst v63  }
0x2c: {  	_ =	swait.ge [sflag:s4], $0x20  }
0x2d: {  	[sflag:s4] =	ssyncset.done $0x0  }
0x2e: {  	[sflag:s4] =	ssyncadd.s32 $0xFFFFFFE0  }
0x2f: {  	[tilespmem:s7], [sflag:$0x1] =	stream.indirect.gather [hbm4b:s1+s6], $0x80, s3, s6, $0xb8;
	[tilespmem:$0x1080] =	vst v63  }
0x30: {  	_ =	swait.ge [sflag:s8], $0x1000  }
.Ltmp1:
0x31: {  	[sflag:s8] =	ssyncset.done $0x0;
	(pc) =	sbr.rel @p0 .LBB2_1-.Ltmp1, $4  }
0x32: {  	[sflag:s8] =	ssyncadd.s32 $0xFFFFF000  }
0x33: {  	[hbm4b:s11+s3] =	stream.linear.scatter [tilespmem:s7], [sflag:$0x2], $0x1000, $0x38;
	[tilespmem:$0x1080] =	vst v63  }
0x34: {  	_ =	swait.ge [sflag:s4], $0x1000  }
0x35: {  	[sflag:s4] =	ssyncset.done $0x0  }
.LBB2_2:
0x36: {  	[sflag:s4] =	ssyncadd.s32 $0xFFFFF000  }
0x37: {  	_ =	sfence.sel $0x180000  }
0x38: {  	[bflag:$0x0] =	sbarrier.arrive $0xFFFF  }
0x39: {  	p0 =	sne.s32 s0, $0x0;
	_ =	strace $0x9000004A  }
0x3a: {  	s0 =	sadd.s32 @!p0 $0x100000, s2;
	[bflag:$0x2] =	sbarrier.arrive $0xFFFF  }
0x3b: {  	[sflag:s0] =	ssyncadd.tile.s32 @!p0 $0x1;
	_ =	shalt  }
.Lfunc_end2:
_tile_overlayer_lowered:
.L_overlay_start_2:
0x3c: {  	(tag) =	ssettag $0x2  }
0x3d: {  	s0 =	rddreg [dreg:$0x0];
	s2 =	stileid.u32  }
0x3e: {  	s1 =	rddreg [dreg:$0x1];
	p0 =	sne.s32 s2, $0x0  }
0x3f: {  	s3 =	rddreg [dreg:$0x2];
	[bflag:$0x3] =	sbarrier.arrive $0xFFFF;
	s2 =	simm.s32 @!p0 $0x1C02  }
0x40: {  	[timem:s3], [sflag:s2] =	dma.local @!p0 [hbm:s0], s1  }
0x41: {  	s0 =	simm.s32 @!p0 $0x2  }
0x42: {  	_ =	swait.ge @!p0 [sflag:s0], s1  }
0x43: {  	s1 =	ssub.s32 @!p0 $0x0, s1;
	[sflag:s0] =	ssyncset.done @!p0 $0x0  }
0x44: {  	[sflag:s0] =	ssyncadd.s32 @!p0 s1  }
0x45: {  	[bflag:$0x3] =	sbarrier.arrive $0xFFFF  }
0x46: {  	_ =	shalt  }

// kernel: kernel.13.cloned.1.call-start
scs
__scs_entry_jumppad:
0x0: {  	(pc) =	sbr.rel $0x88, $3  }
0x1: {  	(tag) =	ssettag $0x0;
	lr =	simm.s32 $0x1  }
0x2: {  	[smem:$0x3F91] =	sst lr;
	_ =	strace $0xD0000000  }
0x3: {  	_ = 	snop  }
0x4: {  	_ = 	snop  }
0x5: {  	_ = 	snop  }
0x6: {  	_ = 	snop  }
0x7: {  	_ = 	snop  }
__scs_overlays_trampoline_lowered:
0x8: {  	[smem:$0x3FA0] =	sst s0  }
0x9: {  	[smem:$0x3FA1] =	sst s1  }
0xa: {  	[smem:$0x3FA2] =	sst s2  }
0xb: {  	[smem:$0x3FA3] =	sst s3  }
0xc: {  	[smem:$0x3FA4] =	sst s4  }
0xd: {  	[smem:$0x3FA5] =	sst s5  }
0xe: {  	[smem:$0x3FA6] =	sst s6  }
0xf: {  	[smem:$0x3FA7] =	sst s7  }
0x10: {  	[smem:$0x3FA8] =	sst s8  }
0x11: {  	[smem:$0x3FA9] =	sst s9;
	s0 =	simm.s32 @!p0 $0x0  }
0x12: {  	s1 =	sld [smem:$0x3F8F];
	s0 =	simm.s32 @p0 $0x1  }
0x13: {  	[smem:$0x3FAA] =	sst s0;
	s0 =	simm.s32 @!p1 $0x0  }
0x14: {  	s2 =	sld [smem:$0x3F8E];
	s0 =	simm.s32 @p1 $0x1  }
0x15: {  	[smem:$0x3FAB] =	sst s0;
	s0 =	simm.s32 @!p2 $0x0  }
0x16: {  	s3 =	sld [smem:$0x3FDB];
	s0 =	simm.s32 @p2 $0x1  }
0x17: {  	s4 =	simm.s32 $0x1BF5;
	[smem:$0x3FAD] =	sst s0  }
0x18: {  	s0 =	sld [smem:$0x3F90];
	_ =	swait.ge [sflag:s4], $0x0  }
0x19: {  	s7 =	sld [smem:$0x3F91]  }
0x1a: {  	s8 =	sadd.s32 $0xFFFFE003, lr  }
0x1b: {  	s9 =	sadd.s32 $0xFFFFFEF7, lr;
	s5 =	simm.s32 $0xFFFFFFFF;
	p2 =	slt.u32 s8, $0xFFFFF086  }
0x1c: {  	p1 =	slt.u32 s9, $0xF7A;
	s5 =	simm.s32 @!p2 $0x0  }
0x1d: {  	s5 =	simm.s32 @p1 $0x1;
	p0 =	seq.s32 s7, s2  }
0x1e: {  	s7 =	smul.u32 @!p0 $0xF7A, s2;
	p2 =	seq.s32 @!p0 s5, $0x0  }
0x1f: {  	s9 =	smul.u32 $0xF7A, s1;
	s8 =	simm.s32 @!p0 $0x1BF5;
	p2 =	por !p2, p0  }
0x20: {  	[sflag:s8] =	ssyncset.s32 @!p0 $0xFFFFF086;
	s6 =	sadd.s32 @!p0 s3, s7;
	s7 =	simm.s32 @!p0 $0x108  }
0x21: {  	s3 =	sadd.s32 s3, s9;
	s6 =	sadd.s32 @!p0 $0x88, s6;
	s7 =	simm.s32 @p2 $0x1082  }
0x22: {  	[simem:s7], [sflag:s8] =	dma.local @!p0 [hbm:s6], $0xF7A  }
0x23: {  	s9 =	sor.u32 $0xD0000000, s2;
	s6 =	simm.s32 $0x108;
	_ =	swait.ge @!p0 [sflag:s8], $0x0  }
0x24: {  	s3 =	sadd.s32 $0x88, s3;
	s6 =	simm.s32 @!p1 $0x1082;
	[sflag:s4] =	ssyncset.s32 $0xFFFFF086  }
0x25: {  	[simem:s6], [sflag:s4] =	dma.local [hbm:s3], $0xF7A  }
0x26: {  	[smem:$0x3F91] =	sst s1;
	(tag) =	ssettag s2;
	_ =	strace s9  }
0x27: {  	s1 =	sld [smem:$0x3FA1]  }
0x28: {  	s2 =	sld [smem:$0x3FA2]  }
0x29: {  	s4 =	sld [smem:$0x3FA4]  }
0x2a: {  	p0 =	seq.s32 s5, $0x0;
	s5 =	sld [smem:$0x3FA5]  }
0x2b: {  	s6 =	sld [smem:$0x3FA6]  }
0x2c: {  	s7 =	sld [smem:$0x3FA7]  }
0x2d: {  	s3 =	simm.s32 $0x108;
	s8 =	sld [smem:$0x3FA8]  }
0x2e: {  	s3 =	simm.s32 @!p0 $0x1082;
	s9 =	sld [smem:$0x3FA9]  }
0x2f: {  	lr =	sadd.s32 s0, s3;
	s0 =	sld [smem:$0x3FA0]  }
0x30: {  	s3 =	sld [smem:$0x3FA3]  }
0x31: {  	[smem:$0x3FAC] =	sst s10  }
0x32: {  	s10 =	sld [smem:$0x3FAA];
	_ =	sdelay $0x3  }
0x33: {  	p0 =	seq.s32 s10, $0x1;
	s10 =	sld [smem:$0x3FAC];
	_ =	sdelay $0x3  }
0x34: {  	[smem:$0x3FAC] =	sst s10  }
0x35: {  	s10 =	sld [smem:$0x3FAB];
	_ =	sdelay $0x3  }
0x36: {  	p1 =	seq.s32 s10, $0x1;
	s10 =	sld [smem:$0x3FAC];
	_ =	sdelay $0x3  }
0x37: {  	[smem:$0x3FAC] =	sst s10  }
0x38: {  	s10 =	sld [smem:$0x3FAD]  }
0x39: {  	_ = 	snop;
	(pc) =	sbr.ind lr, $3  }
0x3a: {  	_ = 	snop  }
0x3b: {  	_ = 	snop  }
0x3c: {  	p2 =	seq.s32 s10, $0x1;
	s10 =	sld [smem:$0x3FAC]  }
0x3d: {  	_ =	shalt  }
0x3e: {  	_ =	shalt  }
0x3f: {  	_ =	shalt  }
0x40: {  	_ =	shalt  }
0x41: {  	_ =	shalt  }
0x42: {  	_ =	shalt  }
0x43: {  	_ =	shalt  }
0x44: {  	_ =	shalt  }
0x45: {  	_ =	shalt  }
0x46: {  	_ =	shalt  }
0x47: {  	_ =	shalt  }
0x48: {  	_ =	shalt  }
0x49: {  	_ =	shalt  }
0x4a: {  	_ =	shalt  }
0x4b: {  	_ =	shalt  }
0x4c: {  	_ =	shalt  }
0x4d: {  	_ =	shalt  }
0x4e: {  	_ =	shalt  }
0x4f: {  	_ =	shalt  }
0x50: {  	_ =	shalt  }
0x51: {  	_ =	shalt  }
0x52: {  	_ =	shalt  }
0x53: {  	_ =	shalt  }
0x54: {  	_ =	shalt  }
0x55: {  	_ =	shalt  }
0x56: {  	_ =	shalt  }
0x57: {  	_ =	shalt  }
0x58: {  	_ =	shalt  }
0x59: {  	_ =	shalt  }
0x5a: {  	_ =	shalt  }
0x5b: {  	_ =	shalt  }
0x5c: {  	_ =	shalt  }
0x5d: {  	_ =	shalt  }
0x5e: {  	_ =	shalt  }
0x5f: {  	_ =	shalt  }
0x60: {  	_ =	shalt  }
0x61: {  	_ =	shalt  }
0x62: {  	_ =	shalt  }
0x63: {  	_ =	shalt  }
0x64: {  	_ =	shalt  }
0x65: {  	_ =	shalt  }
0x66: {  	_ =	shalt  }
0x67: {  	_ =	shalt  }
0x68: {  	_ =	shalt  }
0x69: {  	_ =	shalt  }
0x6a: {  	_ =	shalt  }
0x6b: {  	_ =	shalt  }
0x6c: {  	_ =	shalt  }
0x6d: {  	_ =	shalt  }
0x6e: {  	_ =	shalt  }
0x6f: {  	_ =	shalt  }
0x70: {  	_ =	shalt  }
0x71: {  	_ =	shalt  }
0x72: {  	_ =	shalt  }
0x73: {  	_ =	shalt  }
0x74: {  	_ =	shalt  }
0x75: {  	_ =	shalt  }
0x76: {  	_ =	shalt  }
0x77: {  	_ =	shalt  }
0x78: {  	_ =	shalt  }
0x79: {  	_ =	shalt  }
0x7a: {  	_ =	shalt  }
0x7b: {  	_ =	shalt  }
0x7c: {  	_ =	shalt  }
0x7d: {  	_ =	shalt  }
0x7e: {  	_ =	shalt  }
0x7f: {  	_ =	shalt  }
0x80: {  	_ =	shalt  }
0x81: {  	_ =	shalt  }
0x82: {  	_ =	shalt  }
0x83: {  	_ =	shalt  }
0x84: {  	_ =	shalt  }
0x85: {  	_ =	shalt  }
0x86: {  	_ =	shalt  }
0x87: {  	_ =	shalt  }
.Lfunc_end0:
.L_simem_size_0:
called_computation.2_lowered:
.L_overlay_start_0:
0x88: {  	s2 =	sld [smem:$0x3FD9]  }
0x89: {  	s3 =	sld [smem:$0x3FFE];
	_ =	sdelay $0x1  }
0x8a: {  	s1 =	srdreg.scid  }
0x8b: {  	s0 =	sand.u32 $0x1, s1  }
0x8c: {  	s14 =	sshll.u32 s0, $0xA;
	s2 =	sadd.s32 s3, s2  }
0x8d: {  	s2 =	sadd.s32 s2, s14  }
0x8e: {  	[smem:$0x3FB8] =	sst s2  }
0x8f: {  	_ = 	snop  }
0x90: {  	s2 =	sld [smem:$0x3FD0];
	_ =	sdelay $0x2  }
0x91: {  	s15 =	simm.s32 $0xA;
	s4 =	simm.s32 $0x10  }
0x92: {  	[smem:s4], [sflag:s15] =	dma.local [hbm:s2], $0x1  }
0x93: {  	_ =	swait.eq [sflag:s15], $0x1  }
0x94: {  	[sflag:s15] =	ssyncset.done $0x0  }
0x95: {  	[sflag:s15] =	ssyncadd.s32 $0xFFFFFFFF  }
0x96: {  	s16 =	sld [smem:$0x10];
	(tm) =	ssettm $0x1  }
0x97: {  	s17 =	sld [smem:$0x3FFB];
	_ =	sdelay $0x3  }
0x98: {  	_ =	strace s17  }
0x99: {  	s3 =	sld [smem:$0x3FFC];
	_ =	sdelay $0x3  }
0x9a: {  	_ =	strace s3  }
0x9b: {  	s3 =	sld [smem:$0x3FFD];
	_ =	sdelay $0x3  }
0x9c: {  	_ =	strace s3  }
0x9d: {  	_ =	strace $0x8FFFFFFF  }
0x9e: {  	s18 =	sld [smem:$0x3FDB];
	_ =	sdelay $0x1  }
0x9f: {  	s19 =	simm.s32 $_scs_section_size  }
0xa0: {  	s5 =	simm.s32 $_size__tile_overlayer_lowered;
	s6 =	simm.s32 $_tile_overlayer_lowered  }
0xa1: {  	s22 =	simm.s32 $0x1BFF;
	s21 =	sshll.u32 s6, $0x1;
	s3 =	sadd.s32 s19, s18  }
0xa2: {  	s7 =	simm.s32 $0x0;
	s20 =	sshll.u32 s5, $0x1;
	s5 =	sadd.s32 s21, s3  }
0xa3: {  	[timem:s7], [sflag:s22] =	dma.local [hbm:s5], s20  }
0xa4: {  	_ =	swait.ge [sflag:s22], s20  }
0xa5: {  	s4 =	ssub.s32 $0x0, s20;
	[sflag:s22] =	ssyncset.done $0x0  }
0xa6: {  	[sflag:s22] =	ssyncadd.s32 s4;
	_ =	sdelay $0x1  }
0xa7: {  	s23 =	simm.s32 $0x1B8B  }
0xa8: {  	_ =	swait.ge [sflag:s23], $0x1  }
0xa9: {  	[sflag:s23] =	ssyncset.done $0x0  }
0xaa: {  	s25 =	simm.s32 $0x1B8E;
	s24 =	sld [smem:$0x3FFE];
	[sflag:s23] =	ssyncadd.s32 $0xFFFFFFFF  }
0xab: {  	s26 =	simm.s32 $execute0_lowered;
	[smem:$0x3FD2] =	sst s25  }
0xac: {  	s5 =	sshll.u32 s26, $0x1;
	_ =	strace $0x8000004C;
	[dreg:$0x1] =	wrdreg $0xFFFFFFFF  }
0xad: {  	s28 =	simm.s32 $_size_execute0_lowered;
	s3 =	sadd.s32 s3, s5;
	[dreg:$0x0] =	wrdreg $0x0  }
0xae: {  	s5 =	sshll.u32 s28, $0x1;
	[dreg:$0x2] =	wrdreg s3  }
0xaf: {  	[dreg:$0x3] =	wrdreg s5  }
0xb0: {  	[dreg:$0x4] =	wrdreg $0xC0  }
0xb1: {  	_ =	task [dreg:s7], $0x5FFFF  }
0xb2: {  	[dreg:$0x1] =	wrdreg $0xFFFFFFFF  }
0xb3: {  	[dreg:$0x0] =	wrdreg $0x60  }
0xb4: {  	[dreg:$0x2] =	wrdreg s16  }
0xb5: {  	[dreg:$0x3] =	wrdreg s24  }
0xb6: {  	[dreg:$0x4] =	wrdreg $0x9  }
0xb7: {  	_ =	task.clear_ibuf [dreg:s7], $0x5FFFF;
	_ =	strace $0x9000004C  }
0xb8: {  	s29 =	simm.s32 $0x9;
	_ =	strace $0x8000004E  }
0xb9: {  	_ =	swait.ge [sflag:s29], $0x1  }
0xba: {  	[sflag:s29] =	ssyncadd.s32 $0xFFFFFFFF  }
0xbb: {  	_ =	strace $0x9000004E  }
0xbc: {  	_ =	sfence  }
0xbd: {  	s30 =	sld [smem:$0x0];
	_ =	sdelay $0x2  }
0xbe: {  	s31 =	sshll.u32 s1, $0xD;
	s1 =	sshrl.u32 s1, $0x2  }
0xbf: {  	s3 =	sand.u32 $0x4000, s31;
	s1 =	sadd.s32 s1, s30  }
0xc0: {  	s0 =	sor.u32 s3, s0;
	s1 =	sshll.u32 s1, $0x11  }
0xc1: {  	s0 =	sor.u32 s1, s0  }
0xc2: {  	s0 =	sadd.s32 $0x8F2B, s0  }
0xc3: {  	[sflag:s0] =	ssyncadd.remote.s32 $0x1  }
0xc4: {  	_ =	sfence.sel $0xFFFF  }
0xc5: {  	[dreg:$0x0] =	wrdreg $0xFFFFFFFF;
	(pc) =	sbr.abs _section_cstart, $3  }
0xc6: {  	[dreg:$0x1] =	wrdreg $0xFFFFFFFF  }
0xc7: {  	_ =	task.clear_ibuf [dreg:s7], $0x2FFFF;
	_ =	strace $0x9FFFFFFF  }
0xc8: {  	(tm) =	ssettm $0x7FFFFFFF  }
0xc9: {  	_ =	shalt  }
tec
execute0_lowered:
.L_overlay_start_1:
0x0: {  	(tag) =	ssettag $0x1  }
0x1: {  	s0 =	rddreg [dreg:$0x0];
	s1 =	simm.s32 $0x0  }
0x2: {  	[smem:$0x7FF] =	sst s1  }
0x3: {  	s2 =	rddreg [dreg:$0x1];
	v0 =	vimm.s32 $0x0;
	_ =	strace $0x8000004D  }
0x4: {  	(xrf0) =	vadd.scan.msk.s32 $0xffff, v0;
	_ =	sdelay $0x1  }
0x5: {  	s4 =	srdreg.scid;
	s21 =	stileid.u32;
	s28 =	simm.s32 $0x180  }
0x6: {  	s29 =	simm.s32 $0x1;
	s30 =	simm.s32 $0x100;
	s31 =	simm.s32 $0x2180  }
0x7: {  	s3 =	sadd.s32 $0x2E00, s2;
	s5 =	sadd.s32 $0xB200, s2;
	s6 =	sand.u32 $0x1, s4  }
0x8: {  	s15 =	sshll.u32 s21, $0x1;
	s4 =	sadd.s32 $0xB400, s2;
	s25 =	sadd.s32 $0x25800, s2  }
0x9: {  	[dreg:$0x3] =	wrdreg s5;
	s7 =	ssub.s32 $0x2, s6;
	s9 =	sor.u32 s6, s15;
	v0, _, _ =	vpop (xrf0)  }
0xa: {  	s5 =	sadd.s32 $0x15400, s2;
	s8 =	sshrl.u32 s7, $0x1;
	s10 =	sshll.u32 s9, $0xA;
	(v2sf) =	vpush v0, $0xF  }
0xb: {  	s11 =	sshll.u32 s9, $0x6;
	s12 =	sshll.u32 s9, $0x3;
	s20 =	sor.u32 $0x20, s9  }
0xc: {  	s7 =	ssub.s32 s7, s8;
	s16 =	sadd.s32 s0, s10;
	s17 =	sadd.s32 s5, s10  }
0xd: {  	s12 =	sadd.s32 s3, s12;
	s19 =	sshll.u32 s20, $0x6;
	[dreg:$0x4] =	wrdreg s16  }
0xe: {  	s15 =	sshll.u32 s20, $0xA;
	s11 =	sor.u32 $0x1000, s11;
	[dreg:$0x5] =	wrdreg s17  }
0xf: {  	s14 =	sadd.s32 s10, s25;
	s26 =	sshll.u32 s20, $0x3;
	[dreg:$0x6] =	wrdreg s12  }
0x10: {  	s17 =	sor.u32 $0x1000, s9;
	s13 =	sadd.s32 s0, s15;
	s19 =	sor.u32 $0x1000, s19  }
0x11: {  	s22 =	sadd.s32 s5, s15;
	s23 =	sshll.u32 s11, $0x4;
	s15 =	sadd.s32 s15, s25  }
0x12: {  	s16 =	sadd.s32 s3, s26;
	s10 =	sshrl.u32 s11, $0x3;
	s11 =	sor.u32 $0x1020, s9;
	v0 =	vlaneseq.u32  }
0x13: {  	s25 =	sor.u32 $0x2040, s9;
	s26 =	sor.u32 $0x2060, s9;
	[dreg:$0x7] =	wrdreg s13;
	v2 =	vmul.u32 $0xFFFFFFFF, v0  }
0x14: {  	v6 =	vmov s9;
	v7 =	vmov s20;
	[dreg:$0x8] =	wrdreg s22;
	s24 =	sshll.u32 s19, $0x4;
	s12 =	sadd.s32 s0, s23;
	v1 =	vmov s17  }
0x15: {  	s17 =	sadd.s32 $0xB208, s2;
	s22 =	sshrl.u32 s19, $0x3;
	s23 =	sshll.u32 s21, $0x7;
	v5 =	vmov s26;
	v9 =	vor.u32 $0x10, v0;
	v3 =	vadd.s32 s20, v2  }
0x16: {  	s21 =	smax.u32 s7, $0x1;
	s26 =	simm.s32 $0x2;
	s2 =	simm.s32 $0x0;
	vm1 =	veq.s32 v6, v0;
	v63 =	vor.u32 $0x30, v0;
	vm0 =	vlt.s32 v3, $0x1  }
0x17: {  	s13 =	sadd.s32 s0, s24;
	s19 =	sadd.s32 s3, s22;
	s24 =	sshll.u32 s6, $0x6;
	v10 =	vor.u32 $0x20, v0;
	v4 =	vadd.s32 $0xFFFFFFF0, v2;
	v3 =	vnsel vm0, $0x1, v3  }
0x18: {  	s0 =	simm.s32 $0x50;
	v2 =	vsub.s32 $0x1, v3;
	v3 =	vadd.s32 s20, v4;
	s20 =	sor.u32 s24, s23;
	v4 =	vmov s25;
	s25 =	simm.s32 $0x80  }
0x19: {  	vm2 =	veq.s32 v7, v63;
	vm3 =	veq.s32 v7, v10;
	v8 =	vmin.u32 v3, $0x1;
	s9 =	sor.u32 $0x800, s20;
	s23 =	sadd.s32 $0x1040, s20;
	s18 =	spop (v2sf)  }
0x1a: {  	vm0 =	veq.s32 v6, v9;
	v3 =	vmov s11;
	s24 =	sadd.s32 $0x1840, s20;
	v6 =	vxor.u32 $0x1, v8;
	s8 =	sshll.u32 s18, $0x1;
	s18 =	sadd.s32 s3, s10  }
.LBB2_1:
0x1b: {  	s3 =	rddreg [dreg:$0x3]  }
0x1c: {  	[tilespmem:s25], [sflag:$0x2] =	stream.linear.gather [hbm4b:s3+s1], $0x40, $0x38;
	[tilespmem:$0x4980] =	vst v63  }
0x1d: {  	_ =	swait.ge [sflag:s26], $0x40  }
0x1e: {  	[sflag:s26] =	ssyncset.done $0x0  }
0x1f: {  	s10 =	rddreg [dreg:$0x4];
	[sflag:s26] =	ssyncadd.s32 $0xFFFFFFC0  }
0x20: {  	[tilespmem:s28], [sflag:$0x2] =	stream.linear.gather [hbm4b:s10+s1], $0x2000, $0x38;
	[tilespmem:$0x4980] =	vst v63  }
0x21: {  	_ =	swait.ge [sflag:s26], $0x2000  }
0x22: {  	[sflag:s26] =	ssyncset.done $0x0  }
0x23: {  	s11 =	rddreg [dreg:$0x5];
	[sflag:s26] =	ssyncadd.s32 $0xFFFFE000  }
0x24: {  	[hbm4b:s11+s1] =	stream.linear.scatter [tilespmem:s28], [sflag:$0x2], $0x2000, $0x38;
	[tilespmem:$0x4980] =	vst v63  }
0x25: {  	_ =	swait.ge [sflag:s26], $0x2000  }
0x26: {  	[sflag:s26] =	ssyncset.done $0x0  }
0x27: {  	[sflag:s26] =	ssyncadd.s32 $0xFFFFE000  }
0x28: {  	v7 =	vld [tilespmem:$0x80]  }
0x29: {  	v8 =	vld [tilespmem:$0x90];
	_ =	sdelay $0x3  }
0x2a: {  	v7 =	vtrunc.f32 v7  }
0x2b: {  	v8 =	vtrunc.f32 v8;
	v7 =	vcvt.f32.s32 v7  }
0x2c: {  	v8 =	vcvt.f32.s32 v8  }
0x2d: {  	v7 =	vnsel vm1, $0x0, v7  }
0x2e: {  	(xrf0) =	vadd.scan.msk.s32 $0xffff, v7;
	v7 =	vnsel vm0, $0x0, v8  }
0x2f: {  	(xrf0) =	vadd.scan.msk.s32 $0xffff, v7;
	_ =	sdelay $0x4  }
0x30: {  	v7, _, _ =	vpop (xrf0)  }
0x31: {  	(v2sf) =	vpush v7, $0xF;
	v7, _, _ =	vpop (xrf0)  }
0x32: {  	(v2sf) =	vpush v7, $0xF;
	_ =	sdelay $0xb  }
0x33: {  	s7 =	rddreg [dreg:$0x6]  }
0x34: {  	[tilespmem:s1], [sflag:$0x2] =	stream.linear.gather [hbm4b:s7+s1], $0x40, $0x38;
	[tilespmem:$0x4980] =	vst v63  }
0x35: {  	s22 =	spop (v2sf)  }
0x36: {  	s6 =	spop (v2sf)  }
0x37: {  	_ =	swait.ge [sflag:s26], $0x40  }
0x38: {  	[sflag:s26] =	ssyncset.done $0x0  }
0x39: {  	[sflag:s26] =	ssyncadd.s32 $0xFFFFFFC0  }
0x3a: {  	[tilespmem:$0x100] =	vst v1  }
0x3b: {  	[tilespmem:$0x110] =	vst v1  }
0x3c: {  	[tilespmem:$0x120] =	vst v1  }
0x3d: {  	[tilespmem:$0x130] =	vst v1  }
0x3e: {  	s10 =	simm.s32 $0x0;
	[tilespmem:$0x140] =	vst v1  }
0x3f: {  	s3 =	sadd.s32 s8, s22;
	v7 =	vld [tilespmem:s10+$0x0]  }
0x40: {  	s6 =	sadd.s32 s6, s3  }
0x41: {  	s3 =	sand.u32 $0x7, s6  }
0x42: {  	s11 =	sshra.s32 s6, $0x1F;
	p0 =	slt.s32 s6, $0x1;
	p1 =	sne.s32 s3, $0x0  }
0x43: {  	s22 =	sshrl.u32 s11, $0x1D;
	p0 =	por !p0, !p1  }
0x44: {  	s7 =	simm.s32 $0x1;
	s3 =	sadd.s32 s22, s6;
	p0 =	por !p0, !p0;
	v7 =	vtrunc.f32 v7  }
0x45: {  	s3 =	sshra.s32 s3, $0x3;
	s7 =	simm.s32 @!p0 $0x0;
	v7 =	vcvt.f32.s32 v7  }
0x46: {  	s3 =	ssub.s32 s3, s7  }
0x47: {  	s7 =	sshll.u32 s3, $0x3;
	(xrf0) =	vadd.scan.msk.s32 $0xffff, v7  }
0x48: {  	s6 =	ssub.s32 s6, s7  }
0x49: {  	s7 =	sadd.s32 $0x0, s6  }
0x4a: {  	v8 =	vmov s7  }
0x4b: {  	v8 =	vadd.s32 $0xFFFFFFFF, v8  }
0x4c: {  	v8 =	vbroadcast v8, $0x0  }
0x4d: {  	v9, _, _ =	vpop (xrf0)  }
0x4e: {  	v10 =	vsub.s32 $0x1, v7;
	v8 =	vadd.s32 v9, v8;
	(v2sf) =	vpush v9, $0xF  }
0x4f: {  	v11 =	vmul.u32 $0x4F, v10;
	v8 =	vmul.u32 v7, v8;
	_ =	sdelay $0x1  }
0x50: {  	v8 =	vadd.s32 v11, v8  }
0x51: {  	v63 =	vor.u32 s20, v0  }
0x52: {  	v10 =	vmul.u32 v1, v10;
	v7 =	vmul.u32 v7, v63;
	_ =	sdelay $0x1  }
0x53: {  	s11 =	simm.s32 $0x10;
	v7 =	vadd.s32 v7, v10  }
0x54: {  	s22 =	simm.s32 $0x0;
	s10 =	simm.s32 $0x80;
	s7 =	smov.u32 s20;
	[tilespmem:v8+s30+$0x0] =	vst.idx.msk $0xffff, v7  }
.LBB2_2:
0x55: {  	p0 =	sne.s32 s10, $0xC0;
	v7 =	vld [tilespmem:s11+$0x0];
	_ =	sdelay $0x4  }
0x56: {  	v7 =	vtrunc.f32 v7  }
0x57: {  	s7 =	sadd.s32 $0x10, s7;
	v7 =	vcvt.f32.s32 v7;
	s11 =	spop (v2sf)  }
0x58: {  	v8 =	vor.u32 s7, v0;
	s22 =	sadd.s32 s22, s11  }
0x59: {  	v8 =	vmul.u32 v7, v8;
	v9 =	vsub.s32 $0x1, v7;
	s11 =	sadd.s32 s22, s6;
	(xrf0) =	vadd.scan.msk.s32 $0xffff, v7  }
0x5a: {  	v10 =	vmov s11  }
0x5b: {  	v10 =	vadd.s32 $0xFFFFFFFF, v10  }
0x5c: {  	v10 =	vbroadcast v10, $0x0;
	_ =	sdelay $0x2  }
0x5d: {  	v11, _, _ =	vpop (xrf0)  }
0x5e: {  	v10 =	vadd.s32 v11, v10;
	(v2sf) =	vpush v11, $0xF  }
0x5f: {  	v7 =	vmul.u32 v7, v10;
	v10 =	vmul.u32 $0x4F, v9;
	_ =	sdelay $0x1  }
0x60: {  	v7 =	vadd.s32 v10, v7  }
.Ltmp0:
0x61: {  	(pc) =	sbr.rel @p0 .LBB2_2-.Ltmp0, $3  }
0x62: {  	v9 =	vmul.u32 v1, v9;
	_ =	sdelay $0x1  }
0x63: {  	v8 =	vadd.s32 v8, v9  }
0x64: {  	s11 =	sshra.s32 s10, $0x2;
	s10 =	sadd.s32 $0x40, s10;
	[tilespmem:v7+s30+$0x0] =	vst.idx.msk $0xffff, v8  }
0x65: {  	v7 =	vld [tilespmem:s11+$0x0];
	_ =	sdelay $0x4  }
0x66: {  	v7 =	vtrunc.f32 v7  }
0x67: {  	v7 =	vcvt.f32.s32 v7;
	_ =	sdelay $0x1  }
0x68: {  	(xrf0) =	vadd.scan.msk.s32 $0xffff, v7;
	_ =	sdelay $0x4  }
0x69: {  	s10 =	spop (v2sf)  }
0x6a: {  	s10 =	sadd.s32 s22, s10;
	v8, _, _ =	vpop (xrf0)  }
0x6b: {  	s6 =	sadd.s32 s10, s6;
	(v2sf) =	vpush v8, $0xF  }
0x6c: {  	v9 =	vmov s6  }
0x6d: {  	v9 =	vadd.s32 $0xFFFFFFFF, v9  }
0x6e: {  	v9 =	vbroadcast v9, $0x0;
	_ =	sdelay $0x1  }
0x6f: {  	v10 =	vsub.s32 $0x1, v7;
	v8 =	vadd.s32 v8, v9  }
0x70: {  	v56 =	vmul.u32 $0x4F, v10;
	v8 =	vmul.u32 v7, v8;
	_ =	sdelay $0x1  }
0x71: {  	s7 =	sadd.s32 $0x10, s7;
	v8 =	vadd.s32 v56, v8  }
0x72: {  	v57 =	vor.u32 s7, v0  }
0x73: {  	v58 =	vmul.u32 v1, v10;
	v7 =	vmul.u32 v7, v57  }
0x74: {  	s3 =	sshll.u32 s3, $0x7  }
0x75: {  	s3 =	sand.u32 $0x1FFFFF80, s3;
	v7 =	vadd.s32 v7, v58  }
0x76: {  	s6 =	sadd.s32 s4, s3;
	s3 =	simm.s32 $0x0;
	[tilespmem:v8+s30+$0x0] =	vst.idx.msk $0xffff, v7  }
0x77: {  	[tilespmem:s31], [sflag:$0x2] =	stream.linear.gather [hbm4b:s6+s3], $0x2800, $0x38;
	[tilespmem:$0x4980] =	vst v63  }
0x78: {  	s10 =	spop (v2sf)  }
0x79: {  	_ =	swait.ge [sflag:s26], $0x2800  }
0x7a: {  	[sflag:s26] =	ssyncset.done $0x0  }
0x7b: {  	[sflag:s26] =	ssyncadd.s32 $0xFFFFD800  }
0x7c: {  	[hbm4b:s5+s0] =	stream.indirect.scatter [tilespmem:s31], [sflag:$0x1], $0x80, s30, s0, $0xb8;
	[tilespmem:$0x4980] =	vst v63  }
0x7d: {  	_ =	swait.ge [sflag:s29], $0x2800  }
0x7e: {  	[sflag:s29] =	ssyncset.done $0x0  }
0x7f: {  	s11 =	rddreg [dreg:$0x7];
	[sflag:s29] =	ssyncadd.s32 $0xFFFFD800  }
0x80: {  	[tilespmem:s28], [sflag:$0x2] =	stream.linear.gather [hbm4b:s11+s3], $0x2000, $0x38;
	[tilespmem:$0x4980] =	vst v63  }
0x81: {  	_ =	swait.ge [sflag:s26], $0x2000  }
0x82: {  	[sflag:s26] =	ssyncset.done $0x0  }
0x83: {  	s22 =	rddreg [dreg:$0x8];
	[sflag:s26] =	ssyncadd.s32 $0xFFFFE000  }
0x84: {  	[hbm4b:s22+s3] =	stream.linear.scatter [tilespmem:s28], [sflag:$0x2], $0x2000, $0x38;
	[tilespmem:$0x4980] =	vst v63  }
0x85: {  	_ =	swait.ge [sflag:s26], $0x2000  }
0x86: {  	[sflag:s26] =	ssyncset.done $0x0  }
0x87: {  	[sflag:s26] =	ssyncadd.s32 $0xFFFFE000  }
0x88: {  	v7 =	vld [tilespmem:$0x80]  }
0x89: {  	v8 =	vld [tilespmem:$0x90];
	_ =	sdelay $0x1  }
0x8a: {  	v59 =	vld [tilespmem:$0xA0]  }
0x8b: {  	v60 =	vld [tilespmem:$0xB0]  }
0x8c: {  	v7 =	vtrunc.f32 v7  }
0x8d: {  	v8 =	vtrunc.f32 v8;
	v7 =	vcvt.f32.s32 v7  }
0x8e: {  	v8 =	vcvt.f32.s32 v8  }
0x8f: {  	v9 =	vtrunc.f32 v59;
	v7 =	vmul.u32 v7, v2  }
0x90: {  	v10 =	vtrunc.f32 v60;
	v9 =	vcvt.f32.s32 v9;
	v8 =	vmul.u32 v8, v6  }
0x91: {  	(xrf0) =	vadd.scan.msk.s32 $0xffff, v7;
	v7 =	vcvt.f32.s32 v10  }
0x92: {  	(xrf0) =	vadd.scan.msk.s32 $0xffff, v8;
	v8 =	vnsel vm3, $0x0, v9  }
0x93: {  	(xrf0) =	vadd.scan.msk.s32 $0xffff, v8;
	v7 =	vnsel vm2, $0x0, v7  }
0x94: {  	(xrf0) =	vadd.scan.msk.s32 $0xffff, v7;
	_ =	sdelay $0x2  }
0x95: {  	v7, _, _ =	vpop (xrf0)  }
0x96: {  	v8, _, _ =	vpop (xrf0);
	(v2sf) =	vpush v7, $0xF  }
0x97: {  	v7, _, _ =	vpop (xrf0);
	(v2sf) =	vpush v8, $0xF  }
0x98: {  	(v2sf) =	vpush v7, $0xF;
	v7, _, _ =	vpop (xrf0)  }
0x99: {  	(v2sf) =	vpush v7, $0xF;
	_ =	sdelay $0xa  }
0x9a: {  	[tilespmem:s3], [sflag:$0x2] =	stream.linear.gather [hbm4b:s16+s3], $0x40, $0x38;
	[tilespmem:$0x4980] =	vst v63  }
0x9b: {  	s7 =	spop (v2sf)  }
0x9c: {  	s22 =	spop (v2sf)  }
0x9d: {  	s10 =	spop (v2sf)  }
0x9e: {  	s11 =	spop (v2sf)  }
0x9f: {  	_ =	swait.ge [sflag:s26], $0x40  }
0xa0: {  	[sflag:s26] =	ssyncset.done $0x0  }
0xa1: {  	[sflag:s26] =	ssyncadd.s32 $0xFFFFFFC0  }
0xa2: {  	[tilespmem:$0x100] =	vst v3  }
0xa3: {  	[tilespmem:$0x110] =	vst v3  }
0xa4: {  	[tilespmem:$0x120] =	vst v3  }
0xa5: {  	[tilespmem:$0x130] =	vst v3  }
0xa6: {  	s6 =	sadd.s32 s7, s22;
	s22 =	simm.s32 $0x0;
	[tilespmem:$0x140] =	vst v3  }
0xa7: {  	s6 =	sadd.s32 s10, s6;
	v7 =	vld [tilespmem:s22+$0x0]  }
0xa8: {  	s7 =	sadd.s32 s11, s6  }
0xa9: {  	s6 =	sand.u32 $0x7, s7  }
0xaa: {  	s11 =	sshra.s32 s7, $0x1F;
	p0 =	slt.s32 s7, $0x1;
	p1 =	sne.s32 s6, $0x0  }
0xab: {  	p0 =	por !p0, !p1;
	s22 =	sshrl.u32 s11, $0x1D  }
0xac: {  	s10 =	simm.s32 $0x1;
	p0 =	por !p0, !p0;
	s6 =	sadd.s32 s22, s7;
	v7 =	vtrunc.f32 v7  }
0xad: {  	s10 =	simm.s32 @!p0 $0x0;
	s6 =	sshra.s32 s6, $0x3;
	v7 =	vcvt.f32.s32 v7  }
0xae: {  	s6 =	ssub.s32 s6, s10  }
0xaf: {  	s10 =	sshll.u32 s6, $0x3;
	(xrf0) =	vadd.scan.msk.s32 $0xffff, v7  }
0xb0: {  	s7 =	ssub.s32 s7, s10  }
0xb1: {  	s10 =	sadd.s32 $0x0, s7  }
0xb2: {  	v8 =	vmov s10  }
0xb3: {  	v8 =	vadd.s32 $0xFFFFFFFF, v8  }
0xb4: {  	v8 =	vbroadcast v8, $0x0  }
0xb5: {  	v61, _, _ =	vpop (xrf0)  }
0xb6: {  	v62 =	vsub.s32 $0x1, v7;
	v8 =	vadd.s32 v61, v8;
	(v2sf) =	vpush v61, $0xF  }
0xb7: {  	v11 =	vmul.u32 $0x4F, v62;
	v8 =	vmul.u32 v7, v8;
	_ =	sdelay $0x1  }
0xb8: {  	v8 =	vadd.s32 v11, v8  }
0xb9: {  	v63 =	vor.u32 s9, v0  }
0xba: {  	v10 =	vmul.u32 v3, v62;
	v7 =	vmul.u32 v7, v63;
	_ =	sdelay $0x1  }
0xbb: {  	v7 =	vadd.s32 v7, v10  }
0xbc: {  	s11 =	simm.s32 $0x10;
	s22 =	smov.u32 s9;
	s10 =	simm.s32 $0x80;
	[tilespmem:v8+s30+$0x0] =	vst.idx.msk $0xffff, v7  }
.LBB2_4:
0xbd: {  	p0 =	sne.s32 s10, $0xC0;
	v7 =	vld [tilespmem:s11+$0x0];
	_ =	sdelay $0x4  }
0xbe: {  	v7 =	vtrunc.f32 v7  }
0xbf: {  	s22 =	sadd.s32 $0x10, s22;
	v7 =	vcvt.f32.s32 v7;
	s11 =	spop (v2sf)  }
0xc0: {  	v8 =	vor.u32 s22, v0;
	s3 =	sadd.s32 s3, s11  }
0xc1: {  	v8 =	vmul.u32 v7, v8;
	v9 =	vsub.s32 $0x1, v7;
	s11 =	sadd.s32 s3, s7;
	(xrf0) =	vadd.scan.msk.s32 $0xffff, v7  }
0xc2: {  	v10 =	vmov s11  }
0xc3: {  	v10 =	vadd.s32 $0xFFFFFFFF, v10  }
0xc4: {  	v10 =	vbroadcast v10, $0x0;
	_ =	sdelay $0x2  }
0xc5: {  	v11, _, _ =	vpop (xrf0)  }
0xc6: {  	v10 =	vadd.s32 v11, v10;
	(v2sf) =	vpush v11, $0xF  }
0xc7: {  	v7 =	vmul.u32 v7, v10;
	v10 =	vmul.u32 $0x4F, v9;
	_ =	sdelay $0x1  }
0xc8: {  	v7 =	vadd.s32 v10, v7  }
.Ltmp1:
0xc9: {  	(pc) =	sbr.rel @p0 .LBB2_4-.Ltmp1, $3  }
0xca: {  	v9 =	vmul.u32 v3, v9;
	_ =	sdelay $0x1  }
0xcb: {  	v8 =	vadd.s32 v8, v9  }
0xcc: {  	s11 =	sshra.s32 s10, $0x2;
	s10 =	sadd.s32 $0x40, s10;
	[tilespmem:v7+s30+$0x0] =	vst.idx.msk $0xffff, v8  }
0xcd: {  	v7 =	vld [tilespmem:s11+$0x0];
	_ =	sdelay $0x4  }
0xce: {  	v7 =	vtrunc.f32 v7  }
0xcf: {  	v7 =	vcvt.f32.s32 v7;
	_ =	sdelay $0x1  }
0xd0: {  	(xrf0) =	vadd.scan.msk.s32 $0xffff, v7;
	_ =	sdelay $0x4  }
0xd1: {  	s10 =	spop (v2sf)  }
0xd2: {  	s3 =	sadd.s32 s3, s10;
	v8, _, _ =	vpop (xrf0)  }
0xd3: {  	s3 =	sadd.s32 s3, s7;
	(v2sf) =	vpush v8, $0xF  }
0xd4: {  	v9 =	vmov s3  }
0xd5: {  	v9 =	vadd.s32 $0xFFFFFFFF, v9  }
0xd6: {  	v9 =	vbroadcast v9, $0x0;
	_ =	sdelay $0x1  }
0xd7: {  	v10 =	vsub.s32 $0x1, v7;
	v8 =	vadd.s32 v8, v9  }
0xd8: {  	v58 =	vmul.u32 $0x4F, v10;
	v8 =	vmul.u32 v7, v8;
	_ =	sdelay $0x1  }
0xd9: {  	s22 =	sadd.s32 $0x10, s22;
	v8 =	vadd.s32 v58, v8  }
0xda: {  	v59 =	vor.u32 s22, v0  }
0xdb: {  	v60 =	vmul.u32 v3, v10;
	v7 =	vmul.u32 v7, v59  }
0xdc: {  	s6 =	sshll.u32 s6, $0x7  }
0xdd: {  	s3 =	sand.u32 $0x1FFFFF80, s6;
	v7 =	vadd.s32 v7, v60  }
0xde: {  	s6 =	sadd.s32 s4, s3;
	s3 =	simm.s32 $0x0;
	[tilespmem:v8+s30+$0x0] =	vst.idx.msk $0xffff, v7  }
0xdf: {  	[tilespmem:s31], [sflag:$0x2] =	stream.linear.gather [hbm4b:s6+s3], $0x2800, $0x38;
	[tilespmem:$0x4980] =	vst v63  }
0xe0: {  	s7 =	spop (v2sf)  }
0xe1: {  	_ =	swait.ge [sflag:s26], $0x2800  }
0xe2: {  	[sflag:s26] =	ssyncset.done $0x0  }
0xe3: {  	[sflag:s26] =	ssyncadd.s32 $0xFFFFD800  }
0xe4: {  	[hbm4b:s5+s0] =	stream.indirect.scatter [tilespmem:s31], [sflag:$0x1], $0x80, s30, s0, $0xb8;
	[tilespmem:$0x4980] =	vst v63  }
0xe5: {  	_ =	swait.ge [sflag:s29], $0x2800  }
0xe6: {  	[sflag:s29] =	ssyncset.done $0x0  }
0xe7: {  	[sflag:s29] =	ssyncadd.s32 $0xFFFFD800  }
0xe8: {  	[tilespmem:s25], [sflag:$0x2] =	stream.linear.gather [hbm4b:s17+s3], $0x40, $0x38;
	[tilespmem:$0x4980] =	vst v63  }
0xe9: {  	_ =	swait.ge [sflag:s26], $0x40  }
0xea: {  	[sflag:s26] =	ssyncset.done $0x0  }
0xeb: {  	[sflag:s26] =	ssyncadd.s32 $0xFFFFFFC0  }
0xec: {  	[tilespmem:s28], [sflag:$0x2] =	stream.linear.gather [hbm4b:s12+s3], $0x2000, $0x38;
	[tilespmem:$0x4980] =	vst v63  }
0xed: {  	_ =	swait.ge [sflag:s26], $0x2000  }
0xee: {  	[sflag:s26] =	ssyncset.done $0x0  }
0xef: {  	[sflag:s26] =	ssyncadd.s32 $0xFFFFE000  }
0xf0: {  	[hbm4b:s14+s3] =	stream.linear.scatter [tilespmem:s28], [sflag:$0x2], $0x2000, $0x38;
	[tilespmem:$0x4980] =	vst v63  }
0xf1: {  	_ =	swait.ge [sflag:s26], $0x2000  }
0xf2: {  	[sflag:s26] =	ssyncset.done $0x0  }
0xf3: {  	[sflag:s26] =	ssyncadd.s32 $0xFFFFE000  }
0xf4: {  	v7 =	vld [tilespmem:$0x80]  }
0xf5: {  	v8 =	vld [tilespmem:$0x90];
	_ =	sdelay $0x3  }
0xf6: {  	v7 =	vtrunc.f32 v7  }
0xf7: {  	v8 =	vtrunc.f32 v8;
	v7 =	vcvt.f32.s32 v7  }
0xf8: {  	v8 =	vcvt.f32.s32 v8  }
0xf9: {  	v7 =	vnsel vm1, $0x0, v7  }
0xfa: {  	(xrf0) =	vadd.scan.msk.s32 $0xffff, v7;
	v7 =	vnsel vm0, $0x0, v8  }
0xfb: {  	(xrf0) =	vadd.scan.msk.s32 $0xffff, v7;
	_ =	sdelay $0x4  }
0xfc: {  	v7, _, _ =	vpop (xrf0)  }
0xfd: {  	(v2sf) =	vpush v7, $0xF;
	v7, _, _ =	vpop (xrf0)  }
0xfe: {  	(v2sf) =	vpush v7, $0xF;
	_ =	sdelay $0xc  }
0xff: {  	[tilespmem:s3], [sflag:$0x2] =	stream.linear.gather [hbm4b:s18+s3], $0x40, $0x38;
	[tilespmem:$0x4980] =	vst v63  }
0x100: {  	s10 =	spop (v2sf)  }
0x101: {  	s11 =	spop (v2sf)  }
0x102: {  	_ =	swait.ge [sflag:s26], $0x40  }
0x103: {  	[sflag:s26] =	ssyncset.done $0x0  }
0x104: {  	[sflag:s26] =	ssyncadd.s32 $0xFFFFFFC0  }
0x105: {  	[tilespmem:$0x100] =	vst v4  }
0x106: {  	[tilespmem:$0x110] =	vst v4  }
0x107: {  	[tilespmem:$0x120] =	vst v4  }
0x108: {  	[tilespmem:$0x130] =	vst v4  }
0x109: {  	s22 =	simm.s32 $0x0;
	[tilespmem:$0x140] =	vst v4  }
0x10a: {  	s6 =	sadd.s32 s8, s10;
	v7 =	vld [tilespmem:s22+$0x0]  }
0x10b: {  	s7 =	sadd.s32 s11, s6  }
0x10c: {  	s6 =	sand.u32 $0x7, s7  }
0x10d: {  	s11 =	sshra.s32 s7, $0x1F;
	p0 =	slt.s32 s7, $0x1;
	p1 =	sne.s32 s6, $0x0  }
0x10e: {  	p0 =	por !p0, !p1;
	s22 =	sshrl.u32 s11, $0x1D  }
0x10f: {  	s10 =	simm.s32 $0x1;
	p0 =	por !p0, !p0;
	s6 =	sadd.s32 s22, s7;
	v7 =	vtrunc.f32 v7  }
0x110: {  	s10 =	simm.s32 @!p0 $0x0;
	s6 =	sshra.s32 s6, $0x3;
	v7 =	vcvt.f32.s32 v7  }
0x111: {  	s6 =	ssub.s32 s6, s10  }
0x112: {  	s10 =	sshll.u32 s6, $0x3;
	(xrf0) =	vadd.scan.msk.s32 $0xffff, v7  }
0x113: {  	s7 =	ssub.s32 s7, s10  }
0x114: {  	s10 =	sadd.s32 $0x0, s7  }
0x115: {  	v8 =	vmov s10  }
0x116: {  	v8 =	vadd.s32 $0xFFFFFFFF, v8  }
0x117: {  	v8 =	vbroadcast v8, $0x0  }
0x118: {  	v61, _, _ =	vpop (xrf0)  }
0x119: {  	v62 =	vsub.s32 $0x1, v7;
	v8 =	vadd.s32 v61, v8;
	(v2sf) =	vpush v61, $0xF  }
0x11a: {  	v11 =	vmul.u32 $0x4F, v62;
	v8 =	vmul.u32 v7, v8;
	_ =	sdelay $0x1  }
0x11b: {  	v8 =	vadd.s32 v11, v8  }
0x11c: {  	v63 =	vor.u32 s23, v0  }
0x11d: {  	v10 =	vmul.u32 v4, v62;
	v7 =	vmul.u32 v7, v63;
	_ =	sdelay $0x1  }
0x11e: {  	v7 =	vadd.s32 v7, v10  }
0x11f: {  	s11 =	simm.s32 $0x10;
	s22 =	smov.u32 s23;
	s10 =	simm.s32 $0x80;
	[tilespmem:v8+s30+$0x0] =	vst.idx.msk $0xffff, v7  }
.LBB2_6:
0x120: {  	p0 =	sne.s32 s10, $0xC0;
	v7 =	vld [tilespmem:s11+$0x0];
	_ =	sdelay $0x4  }
0x121: {  	v7 =	vtrunc.f32 v7  }
0x122: {  	s22 =	sadd.s32 $0x10, s22;
	v7 =	vcvt.f32.s32 v7;
	s11 =	spop (v2sf)  }
0x123: {  	v8 =	vor.u32 s22, v0;
	s3 =	sadd.s32 s3, s11  }
0x124: {  	v8 =	vmul.u32 v7, v8;
	v9 =	vsub.s32 $0x1, v7;
	s11 =	sadd.s32 s3, s7;
	(xrf0) =	vadd.scan.msk.s32 $0xffff, v7  }
0x125: {  	v10 =	vmov s11  }
0x126: {  	v10 =	vadd.s32 $0xFFFFFFFF, v10  }
0x127: {  	v10 =	vbroadcast v10, $0x0;
	_ =	sdelay $0x2  }
0x128: {  	v11, _, _ =	vpop (xrf0)  }
0x129: {  	v10 =	vadd.s32 v11, v10;
	(v2sf) =	vpush v11, $0xF  }
0x12a: {  	v7 =	vmul.u32 v7, v10;
	v10 =	vmul.u32 $0x4F, v9;
	_ =	sdelay $0x1  }
0x12b: {  	v7 =	vadd.s32 v10, v7  }
.Ltmp2:
0x12c: {  	(pc) =	sbr.rel @p0 .LBB2_6-.Ltmp2, $3  }
0x12d: {  	v9 =	vmul.u32 v4, v9;
	_ =	sdelay $0x1  }
0x12e: {  	v8 =	vadd.s32 v8, v9  }
0x12f: {  	s11 =	sshra.s32 s10, $0x2;
	s10 =	sadd.s32 $0x40, s10;
	[tilespmem:v7+s30+$0x0] =	vst.idx.msk $0xffff, v8  }
0x130: {  	v7 =	vld [tilespmem:s11+$0x0];
	_ =	sdelay $0x4  }
0x131: {  	v7 =	vtrunc.f32 v7  }
0x132: {  	v7 =	vcvt.f32.s32 v7;
	_ =	sdelay $0x1  }
0x133: {  	(xrf0) =	vadd.scan.msk.s32 $0xffff, v7;
	_ =	sdelay $0x4  }
0x134: {  	s10 =	spop (v2sf)  }
0x135: {  	s3 =	sadd.s32 s3, s10;
	v8, _, _ =	vpop (xrf0)  }
0x136: {  	s3 =	sadd.s32 s3, s7;
	(v2sf) =	vpush v8, $0xF  }
0x137: {  	v9 =	vmov s3  }
0x138: {  	v9 =	vadd.s32 $0xFFFFFFFF, v9  }
0x139: {  	v9 =	vbroadcast v9, $0x0;
	_ =	sdelay $0x1  }
0x13a: {  	v10 =	vsub.s32 $0x1, v7;
	v8 =	vadd.s32 v8, v9  }
0x13b: {  	v56 =	vmul.u32 $0x4F, v10;
	v8 =	vmul.u32 v7, v8;
	_ =	sdelay $0x1  }
0x13c: {  	s10 =	sadd.s32 $0x10, s22;
	v8 =	vadd.s32 v56, v8  }
0x13d: {  	v57 =	vor.u32 s10, v0  }
0x13e: {  	s11 =	sshll.u32 s6, $0xA;
	v58 =	vmul.u32 v4, v10;
	v7 =	vmul.u32 v7, v57  }
0x13f: {  	s3 =	sadd.s32 $0x28000, s11  }
0x140: {  	s3 =	sshrl.u32 s3, $0x3;
	v7 =	vadd.s32 v7, v58  }
0x141: {  	s6 =	sadd.s32 s4, s3;
	s3 =	simm.s32 $0x0;
	[tilespmem:v8+s30+$0x0] =	vst.idx.msk $0xffff, v7  }
0x142: {  	[tilespmem:s31], [sflag:$0x2] =	stream.linear.gather [hbm4b:s6+s3], $0x2800, $0x38;
	[tilespmem:$0x4980] =	vst v63  }
0x143: {  	s22 =	spop (v2sf)  }
0x144: {  	_ =	swait.ge [sflag:s26], $0x2800  }
0x145: {  	[sflag:s26] =	ssyncset.done $0x0  }
0x146: {  	[sflag:s26] =	ssyncadd.s32 $0xFFFFD800  }
0x147: {  	[hbm4b:s5+s0] =	stream.indirect.scatter [tilespmem:s31], [sflag:$0x1], $0x80, s30, s0, $0xb8;
	[tilespmem:$0x4980] =	vst v63  }
0x148: {  	_ =	swait.ge [sflag:s29], $0x2800  }
0x149: {  	[sflag:s29] =	ssyncset.done $0x0  }
0x14a: {  	[sflag:s29] =	ssyncadd.s32 $0xFFFFD800  }
0x14b: {  	[tilespmem:s28], [sflag:$0x2] =	stream.linear.gather [hbm4b:s13+s3], $0x2000, $0x38;
	[tilespmem:$0x4980] =	vst v63  }
0x14c: {  	_ =	swait.ge [sflag:s26], $0x2000  }
0x14d: {  	[sflag:s26] =	ssyncset.done $0x0  }
0x14e: {  	[sflag:s26] =	ssyncadd.s32 $0xFFFFE000  }
0x14f: {  	[hbm4b:s15+s3] =	stream.linear.scatter [tilespmem:s28], [sflag:$0x2], $0x2000, $0x38;
	[tilespmem:$0x4980] =	vst v63  }
0x150: {  	_ =	swait.ge [sflag:s26], $0x2000  }
0x151: {  	[sflag:s26] =	ssyncset.done $0x0  }
0x152: {  	[sflag:s26] =	ssyncadd.s32 $0xFFFFE000  }
0x153: {  	v7 =	vld [tilespmem:$0x80]  }
0x154: {  	v8 =	vld [tilespmem:$0x90];
	_ =	sdelay $0x1  }
0x155: {  	v59 =	vld [tilespmem:$0xA0]  }
0x156: {  	v60 =	vld [tilespmem:$0xB0]  }
0x157: {  	v7 =	vtrunc.f32 v7  }
0x158: {  	v8 =	vtrunc.f32 v8;
	v7 =	vcvt.f32.s32 v7  }
0x159: {  	v8 =	vcvt.f32.s32 v8  }
0x15a: {  	v9 =	vtrunc.f32 v59;
	v7 =	vmul.u32 v7, v2  }
0x15b: {  	v10 =	vtrunc.f32 v60;
	v9 =	vcvt.f32.s32 v9;
	v8 =	vmul.u32 v8, v6  }
0x15c: {  	(xrf0) =	vadd.scan.msk.s32 $0xffff, v7;
	v7 =	vcvt.f32.s32 v10  }
0x15d: {  	(xrf0) =	vadd.scan.msk.s32 $0xffff, v8;
	v8 =	vnsel vm3, $0x0, v9  }
0x15e: {  	(xrf0) =	vadd.scan.msk.s32 $0xffff, v8;
	v7 =	vnsel vm2, $0x0, v7  }
0x15f: {  	(xrf0) =	vadd.scan.msk.s32 $0xffff, v7;
	_ =	sdelay $0x2  }
0x160: {  	v7, _, _ =	vpop (xrf0)  }
0x161: {  	v8, _, _ =	vpop (xrf0);
	(v2sf) =	vpush v7, $0xF  }
0x162: {  	v7, _, _ =	vpop (xrf0);
	(v2sf) =	vpush v8, $0xF  }
0x163: {  	(v2sf) =	vpush v7, $0xF;
	v7, _, _ =	vpop (xrf0)  }
0x164: {  	(v2sf) =	vpush v7, $0xF;
	_ =	sdelay $0xa  }
0x165: {  	[tilespmem:s3], [sflag:$0x2] =	stream.linear.gather [hbm4b:s19+s3], $0x40, $0x38;
	[tilespmem:$0x4980] =	vst v63  }
0x166: {  	s7 =	spop (v2sf)  }
0x167: {  	s22 =	spop (v2sf)  }
0x168: {  	s10 =	spop (v2sf)  }
0x169: {  	s11 =	spop (v2sf)  }
0x16a: {  	_ =	swait.ge [sflag:s26], $0x40  }
0x16b: {  	[sflag:s26] =	ssyncset.done $0x0  }
0x16c: {  	[sflag:s26] =	ssyncadd.s32 $0xFFFFFFC0  }
0x16d: {  	[tilespmem:$0x100] =	vst v5  }
0x16e: {  	[tilespmem:$0x110] =	vst v5  }
0x16f: {  	[tilespmem:$0x120] =	vst v5  }
0x170: {  	[tilespmem:$0x130] =	vst v5  }
0x171: {  	s6 =	sadd.s32 s7, s22;
	s22 =	simm.s32 $0x0;
	[tilespmem:$0x140] =	vst v5  }
0x172: {  	s6 =	sadd.s32 s10, s6;
	v7 =	vld [tilespmem:s22+$0x0]  }
0x173: {  	s7 =	sadd.s32 s11, s6  }
0x174: {  	s6 =	sand.u32 $0x7, s7  }
0x175: {  	s11 =	sshra.s32 s7, $0x1F;
	p0 =	slt.s32 s7, $0x1;
	p1 =	sne.s32 s6, $0x0  }
0x176: {  	p0 =	por !p0, !p1;
	s22 =	sshrl.u32 s11, $0x1D  }
0x177: {  	s10 =	simm.s32 $0x1;
	p0 =	por !p0, !p0;
	s6 =	sadd.s32 s22, s7;
	v7 =	vtrunc.f32 v7  }
0x178: {  	s10 =	simm.s32 @!p0 $0x0;
	s6 =	sshra.s32 s6, $0x3;
	v7 =	vcvt.f32.s32 v7  }
0x179: {  	s6 =	ssub.s32 s6, s10  }
0x17a: {  	s10 =	sshll.u32 s6, $0x3;
	(xrf0) =	vadd.scan.msk.s32 $0xffff, v7  }
0x17b: {  	s7 =	ssub.s32 s7, s10  }
0x17c: {  	s10 =	sadd.s32 $0x0, s7  }
0x17d: {  	v8 =	vmov s10  }
0x17e: {  	v8 =	vadd.s32 $0xFFFFFFFF, v8  }
0x17f: {  	v8 =	vbroadcast v8, $0x0  }
0x180: {  	v61, _, _ =	vpop (xrf0)  }
0x181: {  	v62 =	vsub.s32 $0x1, v7;
	v8 =	vadd.s32 v61, v8;
	(v2sf) =	vpush v61, $0xF  }
0x182: {  	v11 =	vmul.u32 $0x4F, v62;
	v8 =	vmul.u32 v7, v8;
	_ =	sdelay $0x1  }
0x183: {  	v8 =	vadd.s32 v11, v8  }
0x184: {  	v63 =	vor.u32 s24, v0  }
0x185: {  	v10 =	vmul.u32 v5, v62;
	v7 =	vmul.u32 v7, v63;
	_ =	sdelay $0x1  }
0x186: {  	v7 =	vadd.s32 v7, v10  }
0x187: {  	s11 =	simm.s32 $0x10;
	s22 =	smov.u32 s24;
	s10 =	simm.s32 $0x80;
	[tilespmem:v8+s30+$0x0] =	vst.idx.msk $0xffff, v7  }
.LBB2_8:
0x188: {  	p0 =	sne.s32 s10, $0xC0;
	v7 =	vld [tilespmem:s11+$0x0];
	_ =	sdelay $0x4  }
0x189: {  	v7 =	vtrunc.f32 v7  }
0x18a: {  	s22 =	sadd.s32 $0x10, s22;
	v7 =	vcvt.f32.s32 v7;
	s11 =	spop (v2sf)  }
0x18b: {  	v8 =	vor.u32 s22, v0;
	s3 =	sadd.s32 s3, s11  }
0x18c: {  	v8 =	vmul.u32 v7, v8;
	v9 =	vsub.s32 $0x1, v7;
	s11 =	sadd.s32 s3, s7;
	(xrf0) =	vadd.scan.msk.s32 $0xffff, v7  }
0x18d: {  	v10 =	vmov s11  }
0x18e: {  	v10 =	vadd.s32 $0xFFFFFFFF, v10  }
0x18f: {  	v10 =	vbroadcast v10, $0x0;
	_ =	sdelay $0x2  }
0x190: {  	v11, _, _ =	vpop (xrf0)  }
0x191: {  	v10 =	vadd.s32 v11, v10;
	(v2sf) =	vpush v11, $0xF  }
0x192: {  	v7 =	vmul.u32 v7, v10;
	v10 =	vmul.u32 $0x4F, v9;
	_ =	sdelay $0x1  }
0x193: {  	v7 =	vadd.s32 v10, v7  }
.Ltmp3:
0x194: {  	(pc) =	sbr.rel @p0 .LBB2_8-.Ltmp3, $3  }
0x195: {  	v9 =	vmul.u32 v5, v9;
	_ =	sdelay $0x1  }
0x196: {  	v8 =	vadd.s32 v8, v9  }
0x197: {  	s11 =	sshra.s32 s10, $0x2;
	s10 =	sadd.s32 $0x40, s10;
	[tilespmem:v7+s30+$0x0] =	vst.idx.msk $0xffff, v8  }
0x198: {  	v7 =	vld [tilespmem:s11+$0x0];
	_ =	sdelay $0x4  }
0x199: {  	v7 =	vtrunc.f32 v7  }
0x19a: {  	v7 =	vcvt.f32.s32 v7;
	_ =	sdelay $0x1  }
0x19b: {  	(xrf0) =	vadd.scan.msk.s32 $0xffff, v7;
	_ =	sdelay $0x4  }
0x19c: {  	s10 =	spop (v2sf)  }
0x19d: {  	s3 =	sadd.s32 s3, s10;
	v8, _, _ =	vpop (xrf0)  }
0x19e: {  	s3 =	sadd.s32 s3, s7;
	(v2sf) =	vpush v8, $0xF  }
0x19f: {  	v9 =	vmov s3  }
0x1a0: {  	v9 =	vadd.s32 $0xFFFFFFFF, v9  }
0x1a1: {  	v9 =	vbroadcast v9, $0x0;
	_ =	sdelay $0x1  }
0x1a2: {  	v10 =	vsub.s32 $0x1, v7;
	v8 =	vadd.s32 v8, v9  }
0x1a3: {  	v61 =	vmul.u32 $0x4F, v10;
	v8 =	vmul.u32 v7, v8;
	_ =	sdelay $0x1  }
0x1a4: {  	s10 =	sadd.s32 $0x10, s22;
	v8 =	vadd.s32 v61, v8  }
0x1a5: {  	v62 =	vor.u32 s10, v0  }
0x1a6: {  	s11 =	sshll.u32 s6, $0xA;
	v63 =	vmul.u32 v5, v10;
	v7 =	vmul.u32 v7, v62  }
0x1a7: {  	s3 =	sadd.s32 $0x28000, s11  }
0x1a8: {  	s3 =	sshrl.u32 s3, $0x3;
	v7 =	vadd.s32 v7, v63  }
0x1a9: {  	s3 =	sadd.s32 s4, s3;
	[tilespmem:v8+s30+$0x0] =	vst.idx.msk $0xffff, v7  }
0x1aa: {  	[tilespmem:s31], [sflag:$0x2] =	stream.linear.gather [hbm4b:s3+s1], $0x2800, $0x38;
	[tilespmem:$0x4980] =	vst v63  }
0x1ab: {  	s22 =	spop (v2sf)  }
0x1ac: {  	s2 =	sadd.s32 $0x1, s2;
	_ =	swait.ge [sflag:s26], $0x2800  }
0x1ad: {  	p0 =	sne.s32 s2, s21;
	[sflag:s26] =	ssyncset.done $0x0  }
.Ltmp4:
0x1ae: {  	[sflag:s26] =	ssyncadd.s32 $0xFFFFD800;
	(pc) =	sbr.rel @p0 .LBB2_1-.Ltmp4, $4  }
0x1af: {  	[hbm4b:s5+s0] =	stream.indirect.scatter [tilespmem:s31], [sflag:$0x1], $0x80, s30, s0, $0xb8;
	[tilespmem:$0x4980] =	vst v63  }
0x1b0: {  	_ =	swait.ge [sflag:s29], $0x2800  }
0x1b1: {  	[sflag:s29] =	ssyncset.done $0x0  }
0x1b2: {  	[sflag:s29] =	ssyncadd.s32 $0xFFFFD800  }
0x1b3: {  	_ =	sfence.sel $0x180000  }
0x1b4: {  	[bflag:$0x0] =	sbarrier.arrive $0xFFFF  }
0x1b5: {  	_ =	strace $0x9000004D  }
0x1b6: {  	s0 =	stileid.u32;
	[bflag:$0x2] =	sbarrier.arrive $0xFFFF  }
0x1b7: {  	p0 =	sne.s32 s0, $0x0;
	s0 =	rddreg [dreg:$0x2]  }
0x1b8: {  	s0 =	sadd.s32 @!p0 $0x100000, s0  }
0x1b9: {  	[sflag:s0] =	ssyncadd.tile.s32 @!p0 $0x1;
	_ =	shalt  }
.Lfunc_end2:
_tile_overlayer_lowered:
.L_overlay_start_2:
0x1ba: {  	(tag) =	ssettag $0x2  }
0x1bb: {  	s0 =	rddreg [dreg:$0x0];
	s2 =	stileid.u32  }
0x1bc: {  	s1 =	rddreg [dreg:$0x1];
	p0 =	sne.s32 s2, $0x0  }
0x1bd: {  	s3 =	rddreg [dreg:$0x2];
	[bflag:$0x3] =	sbarrier.arrive $0xFFFF;
	s2 =	simm.s32 @!p0 $0x1C02  }
0x1be: {  	[timem:s3], [sflag:s2] =	dma.local @!p0 [hbm:s0], s1  }
0x1bf: {  	s0 =	simm.s32 @!p0 $0x2  }
0x1c0: {  	_ =	swait.ge @!p0 [sflag:s0], s1  }
0x1c1: {  	s1 =	ssub.s32 @!p0 $0x0, s1;
	[sflag:s0] =	ssyncset.done @!p0 $0x0  }
0x1c2: {  	[sflag:s0] =	ssyncadd.s32 @!p0 s1  }
0x1c3: {  	[bflag:$0x3] =	sbarrier.arrive $0xFFFF  }
0x1c4: {  	_ =	shalt  }

// kernel: kernel.7.cloned.1.call-start
scs
__scs_entry_jumppad:
0x0: {  	(pc) =	sbr.rel $0x88, $3  }
0x1: {  	(tag) =	ssettag $0x0;
	lr =	simm.s32 $0x1  }
0x2: {  	[smem:$0x3F91] =	sst lr;
	_ =	strace $0xD0000000  }
0x3: {  	_ = 	snop  }
0x4: {  	_ = 	snop  }
0x5: {  	_ = 	snop  }
0x6: {  	_ = 	snop  }
0x7: {  	_ = 	snop  }
__scs_overlays_trampoline_lowered:
0x8: {  	[smem:$0x3FA0] =	sst s0  }
0x9: {  	[smem:$0x3FA1] =	sst s1  }
0xa: {  	[smem:$0x3FA2] =	sst s2  }
0xb: {  	[smem:$0x3FA3] =	sst s3  }
0xc: {  	[smem:$0x3FA4] =	sst s4  }
0xd: {  	[smem:$0x3FA5] =	sst s5  }
0xe: {  	[smem:$0x3FA6] =	sst s6  }
0xf: {  	[smem:$0x3FA7] =	sst s7  }
0x10: {  	[smem:$0x3FA8] =	sst s8  }
0x11: {  	[smem:$0x3FA9] =	sst s9;
	s0 =	simm.s32 @!p0 $0x0  }
0x12: {  	s1 =	sld [smem:$0x3F8F];
	s0 =	simm.s32 @p0 $0x1  }
0x13: {  	[smem:$0x3FAA] =	sst s0;
	s0 =	simm.s32 @!p1 $0x0  }
0x14: {  	s2 =	sld [smem:$0x3F8E];
	s0 =	simm.s32 @p1 $0x1  }
0x15: {  	[smem:$0x3FAB] =	sst s0;
	s0 =	simm.s32 @!p2 $0x0  }
0x16: {  	s3 =	sld [smem:$0x3FDB];
	s0 =	simm.s32 @p2 $0x1  }
0x17: {  	s4 =	simm.s32 $0x1BF5;
	[smem:$0x3FAD] =	sst s0  }
0x18: {  	s0 =	sld [smem:$0x3F90];
	_ =	swait.ge [sflag:s4], $0x0  }
0x19: {  	s7 =	sld [smem:$0x3F91]  }
0x1a: {  	s8 =	sadd.s32 $0xFFFFE003, lr  }
0x1b: {  	s9 =	sadd.s32 $0xFFFFFEF7, lr;
	s5 =	simm.s32 $0xFFFFFFFF;
	p2 =	slt.u32 s8, $0xFFFFF086  }
0x1c: {  	p1 =	slt.u32 s9, $0xF7A;
	s5 =	simm.s32 @!p2 $0x0  }
0x1d: {  	s5 =	simm.s32 @p1 $0x1;
	p0 =	seq.s32 s7, s2  }
0x1e: {  	s7 =	smul.u32 @!p0 $0xF7A, s2;
	p2 =	seq.s32 @!p0 s5, $0x0  }
0x1f: {  	s9 =	smul.u32 $0xF7A, s1;
	s8 =	simm.s32 @!p0 $0x1BF5;
	p2 =	por !p2, p0  }
0x20: {  	[sflag:s8] =	ssyncset.s32 @!p0 $0xFFFFF086;
	s6 =	sadd.s32 @!p0 s3, s7;
	s7 =	simm.s32 @!p0 $0x108  }
0x21: {  	s3 =	sadd.s32 s3, s9;
	s6 =	sadd.s32 @!p0 $0x88, s6;
	s7 =	simm.s32 @p2 $0x1082  }
0x22: {  	[simem:s7], [sflag:s8] =	dma.local @!p0 [hbm:s6], $0xF7A  }
0x23: {  	s9 =	sor.u32 $0xD0000000, s2;
	s6 =	simm.s32 $0x108;
	_ =	swait.ge @!p0 [sflag:s8], $0x0  }
0x24: {  	s3 =	sadd.s32 $0x88, s3;
	s6 =	simm.s32 @!p1 $0x1082;
	[sflag:s4] =	ssyncset.s32 $0xFFFFF086  }
0x25: {  	[simem:s6], [sflag:s4] =	dma.local [hbm:s3], $0xF7A  }
0x26: {  	[smem:$0x3F91] =	sst s1;
	(tag) =	ssettag s2;
	_ =	strace s9  }
0x27: {  	s1 =	sld [smem:$0x3FA1]  }
0x28: {  	s2 =	sld [smem:$0x3FA2]  }
0x29: {  	s4 =	sld [smem:$0x3FA4]  }
0x2a: {  	p0 =	seq.s32 s5, $0x0;
	s5 =	sld [smem:$0x3FA5]  }
0x2b: {  	s6 =	sld [smem:$0x3FA6]  }
0x2c: {  	s7 =	sld [smem:$0x3FA7]  }
0x2d: {  	s3 =	simm.s32 $0x108;
	s8 =	sld [smem:$0x3FA8]  }
0x2e: {  	s3 =	simm.s32 @!p0 $0x1082;
	s9 =	sld [smem:$0x3FA9]  }
0x2f: {  	lr =	sadd.s32 s0, s3;
	s0 =	sld [smem:$0x3FA0]  }
0x30: {  	s3 =	sld [smem:$0x3FA3]  }
0x31: {  	[smem:$0x3FAC] =	sst s10  }
0x32: {  	s10 =	sld [smem:$0x3FAA];
	_ =	sdelay $0x3  }
0x33: {  	p0 =	seq.s32 s10, $0x1;
	s10 =	sld [smem:$0x3FAC];
	_ =	sdelay $0x3  }
0x34: {  	[smem:$0x3FAC] =	sst s10  }
0x35: {  	s10 =	sld [smem:$0x3FAB];
	_ =	sdelay $0x3  }
0x36: {  	p1 =	seq.s32 s10, $0x1;
	s10 =	sld [smem:$0x3FAC];
	_ =	sdelay $0x3  }
0x37: {  	[smem:$0x3FAC] =	sst s10  }
0x38: {  	s10 =	sld [smem:$0x3FAD]  }
0x39: {  	_ = 	snop;
	(pc) =	sbr.ind lr, $3  }
0x3a: {  	_ = 	snop  }
0x3b: {  	_ = 	snop  }
0x3c: {  	p2 =	seq.s32 s10, $0x1;
	s10 =	sld [smem:$0x3FAC]  }
0x3d: {  	_ =	shalt  }
0x3e: {  	_ =	shalt  }
0x3f: {  	_ =	shalt  }
0x40: {  	_ =	shalt  }
0x41: {  	_ =	shalt  }
0x42: {  	_ =	shalt  }
0x43: {  	_ =	shalt  }
0x44: {  	_ =	shalt  }
0x45: {  	_ =	shalt  }
0x46: {  	_ =	shalt  }
0x47: {  	_ =	shalt  }
0x48: {  	_ =	shalt  }
0x49: {  	_ =	shalt  }
0x4a: {  	_ =	shalt  }
0x4b: {  	_ =	shalt  }
0x4c: {  	_ =	shalt  }
0x4d: {  	_ =	shalt  }
0x4e: {  	_ =	shalt  }
0x4f: {  	_ =	shalt  }
0x50: {  	_ =	shalt  }
0x51: {  	_ =	shalt  }
0x52: {  	_ =	shalt  }
0x53: {  	_ =	shalt  }
0x54: {  	_ =	shalt  }
0x55: {  	_ =	shalt  }
0x56: {  	_ =	shalt  }
0x57: {  	_ =	shalt  }
0x58: {  	_ =	shalt  }
0x59: {  	_ =	shalt  }
0x5a: {  	_ =	shalt  }
0x5b: {  	_ =	shalt  }
0x5c: {  	_ =	shalt  }
0x5d: {  	_ =	shalt  }
0x5e: {  	_ =	shalt  }
0x5f: {  	_ =	shalt  }
0x60: {  	_ =	shalt  }
0x61: {  	_ =	shalt  }
0x62: {  	_ =	shalt  }
0x63: {  	_ =	shalt  }
0x64: {  	_ =	shalt  }
0x65: {  	_ =	shalt  }
0x66: {  	_ =	shalt  }
0x67: {  	_ =	shalt  }
0x68: {  	_ =	shalt  }
0x69: {  	_ =	shalt  }
0x6a: {  	_ =	shalt  }
0x6b: {  	_ =	shalt  }
0x6c: {  	_ =	shalt  }
0x6d: {  	_ =	shalt  }
0x6e: {  	_ =	shalt  }
0x6f: {  	_ =	shalt  }
0x70: {  	_ =	shalt  }
0x71: {  	_ =	shalt  }
0x72: {  	_ =	shalt  }
0x73: {  	_ =	shalt  }
0x74: {  	_ =	shalt  }
0x75: {  	_ =	shalt  }
0x76: {  	_ =	shalt  }
0x77: {  	_ =	shalt  }
0x78: {  	_ =	shalt  }
0x79: {  	_ =	shalt  }
0x7a: {  	_ =	shalt  }
0x7b: {  	_ =	shalt  }
0x7c: {  	_ =	shalt  }
0x7d: {  	_ =	shalt  }
0x7e: {  	_ =	shalt  }
0x7f: {  	_ =	shalt  }
0x80: {  	_ =	shalt  }
0x81: {  	_ =	shalt  }
0x82: {  	_ =	shalt  }
0x83: {  	_ =	shalt  }
0x84: {  	_ =	shalt  }
0x85: {  	_ =	shalt  }
0x86: {  	_ =	shalt  }
0x87: {  	_ =	shalt  }
.Lfunc_end0:
.L_simem_size_0:
called_computation_lowered:
.L_overlay_start_0:
0x88: {  	s2 =	sld [smem:$0x3FD9]  }
0x89: {  	s3 =	sld [smem:$0x3FFE];
	_ =	sdelay $0x1  }
0x8a: {  	s1 =	srdreg.scid  }
0x8b: {  	s0 =	sand.u32 $0x1, s1  }
0x8c: {  	s14 =	sshll.u32 s0, $0xA;
	s2 =	sadd.s32 s3, s2  }
0x8d: {  	s2 =	sadd.s32 s2, s14  }
0x8e: {  	[smem:$0x3FB8] =	sst s2  }
0x8f: {  	_ = 	snop  }
0x90: {  	s2 =	sld [smem:$0x3FD0];
	_ =	sdelay $0x2  }
0x91: {  	s15 =	simm.s32 $0xA;
	s4 =	simm.s32 $0x10  }
0x92: {  	[smem:s4], [sflag:s15] =	dma.local [hbm:s2], $0x1  }
0x93: {  	_ =	swait.eq [sflag:s15], $0x1  }
0x94: {  	[sflag:s15] =	ssyncset.done $0x0  }
0x95: {  	[sflag:s15] =	ssyncadd.s32 $0xFFFFFFFF  }
0x96: {  	s16 =	sld [smem:$0x11];
	(tm) =	ssettm $0x1  }
0x97: {  	s17 =	sld [smem:$0x3FFB];
	_ =	sdelay $0x3  }
0x98: {  	_ =	strace s17  }
0x99: {  	s3 =	sld [smem:$0x3FFC];
	_ =	sdelay $0x3  }
0x9a: {  	_ =	strace s3  }
0x9b: {  	s3 =	sld [smem:$0x3FFD];
	_ =	sdelay $0x3  }
0x9c: {  	_ =	strace s3  }
0x9d: {  	_ =	strace $0x8FFFFFFF  }
0x9e: {  	s18 =	sld [smem:$0x3FDB];
	_ =	sdelay $0x1  }
0x9f: {  	s19 =	simm.s32 $_scs_section_size  }
0xa0: {  	s5 =	simm.s32 $_size__tile_overlayer_lowered;
	s6 =	simm.s32 $_tile_overlayer_lowered  }
0xa1: {  	s22 =	simm.s32 $0x1BFF;
	s21 =	sshll.u32 s6, $0x1;
	s3 =	sadd.s32 s19, s18  }
0xa2: {  	s7 =	simm.s32 $0x0;
	s20 =	sshll.u32 s5, $0x1;
	s5 =	sadd.s32 s21, s3  }
0xa3: {  	[timem:s7], [sflag:s22] =	dma.local [hbm:s5], s20  }
0xa4: {  	_ =	swait.ge [sflag:s22], s20  }
0xa5: {  	s4 =	ssub.s32 $0x0, s20;
	[sflag:s22] =	ssyncset.done $0x0  }
0xa6: {  	[sflag:s22] =	ssyncadd.s32 s4;
	_ =	sdelay $0x1  }
0xa7: {  	s23 =	simm.s32 $0x1B8B  }
0xa8: {  	_ =	swait.ge [sflag:s23], $0x1  }
0xa9: {  	[sflag:s23] =	ssyncset.done $0x0  }
0xaa: {  	s25 =	simm.s32 $0x1B8E;
	s24 =	sld [smem:$0x3FFE];
	[sflag:s23] =	ssyncadd.s32 $0xFFFFFFFF  }
0xab: {  	s26 =	simm.s32 $execute0_lowered;
	[smem:$0x3FD2] =	sst s25  }
0xac: {  	s5 =	sshll.u32 s26, $0x1;
	_ =	strace $0x80000046;
	[dreg:$0x1] =	wrdreg $0xFFFFFFFF  }
0xad: {  	s28 =	simm.s32 $_size_execute0_lowered;
	s3 =	sadd.s32 s3, s5;
	[dreg:$0x0] =	wrdreg $0x0  }
0xae: {  	s5 =	sshll.u32 s28, $0x1;
	[dreg:$0x2] =	wrdreg s3  }
0xaf: {  	[dreg:$0x3] =	wrdreg s5  }
0xb0: {  	[dreg:$0x4] =	wrdreg $0xC0  }
0xb1: {  	_ =	task [dreg:s7], $0x5FFFF  }
0xb2: {  	[dreg:$0x1] =	wrdreg $0xFFFFFFFF  }
0xb3: {  	[dreg:$0x0] =	wrdreg $0x60  }
0xb4: {  	[dreg:$0x2] =	wrdreg s24  }
0xb5: {  	[dreg:$0x3] =	wrdreg s16  }
0xb6: {  	[dreg:$0x4] =	wrdreg $0x9  }
0xb7: {  	_ =	task.clear_ibuf [dreg:s7], $0x5FFFF;
	_ =	strace $0x90000046  }
0xb8: {  	s29 =	simm.s32 $0x9;
	_ =	strace $0x80000048  }
0xb9: {  	_ =	swait.ge [sflag:s29], $0x1  }
0xba: {  	[sflag:s29] =	ssyncadd.s32 $0xFFFFFFFF  }
0xbb: {  	_ =	strace $0x90000048  }
0xbc: {  	_ =	sfence  }
0xbd: {  	s30 =	sld [smem:$0x0];
	_ =	sdelay $0x2  }
0xbe: {  	s31 =	sshll.u32 s1, $0xD;
	s1 =	sshrl.u32 s1, $0x2  }
0xbf: {  	s3 =	sand.u32 $0x4000, s31;
	s1 =	sadd.s32 s1, s30  }
0xc0: {  	s0 =	sor.u32 s3, s0;
	s1 =	sshll.u32 s1, $0x11  }
0xc1: {  	s0 =	sor.u32 s1, s0  }
0xc2: {  	s0 =	sadd.s32 $0x8F2B, s0  }
0xc3: {  	[sflag:s0] =	ssyncadd.remote.s32 $0x1  }
0xc4: {  	_ =	sfence.sel $0xFFFF  }
0xc5: {  	[dreg:$0x0] =	wrdreg $0xFFFFFFFF;
	(pc) =	sbr.abs _section_cstart, $3  }
0xc6: {  	[dreg:$0x1] =	wrdreg $0xFFFFFFFF  }
0xc7: {  	_ =	task.clear_ibuf [dreg:s7], $0x2FFFF;
	_ =	strace $0x9FFFFFFF  }
0xc8: {  	(tm) =	ssettm $0x7FFFFFFF  }
0xc9: {  	_ =	shalt  }
tec
execute0_lowered:
.L_overlay_start_1:
0x0: {  	(tag) =	ssettag $0x1  }
0x1: {  	s4 =	stileid.u32  }
0x2: {  	p0 =	sne.s32 s4, $0x0  }
.Ltmp0:
0x3: {  	_ = 	snop;
	(pc) =	sbr.rel @p0 .LBB2_5-.Ltmp0, $4  }
0x4: {  	s2 =	rddreg [dreg:$0x0]  }
0x5: {  	s3 =	rddreg [dreg:$0x1];
	s1 =	simm.s32 $0x0  }
0x6: {  	[smem:$0x7FF] =	sst s1  }
0x7: {  	s0 =	rddreg [dreg:$0x2];
	_ =	strace $0x80000047  }
0x8: {  	s4 =	srdreg.scid  }
0x9: {  	s6 =	sadd.s32 $0x2E00, s2;
	s4 =	sand.u32 $0x1, s4  }
0xa: {  	s5 =	ssub.s32 $0x2, s4;
	s2 =	sshll.u32 s4, $0xC;
	s8 =	sshll.u32 s4, $0x7  }
0xb: {  	s4 =	sshll.u32 s4, $0x9;
	s7 =	sshrl.u32 s5, $0x1;
	s3 =	sadd.s32 s3, s8  }
0xc: {  	s4 =	sadd.s32 s6, s4;
	s6 =	simm.s32 $0x1;
	s5 =	ssub.s32 s5, s7  }
0xd: {  	v0 =	vlaneseq.u32;
	s8 =	simm.s32 $0x0;
	s7 =	simm.s32 $0x1000;
	s5 =	smax.u32 s5, $0x1  }
.LBB2_2:
0xe: {  	s9 =	simm.s32 $0x0  }
0xf: {  	[tilespmem:s9], [sflag:$0x1] =	stream.linear.gather [hbm4b:s4+s9], $0x1000, $0x38;
	[tilespmem:$0x1480] =	vst v63  }
0x10: {  	_ =	swait.ge [sflag:s6], $0x1000  }
0x11: {  	[sflag:s6] =	ssyncset.done $0x0  }
0x12: {  	s10 =	simm.s32 $0x0;
	[sflag:s6] =	ssyncadd.s32 $0xFFFFF000  }
0x13: {  	v1 =	vld [tilespmem:s10+$0x0];
	_ =	sdelay $0x4  }
0x14: {  	v1 =	vtrunc.f32 v1  }
0x15: {  	v1 =	vcvt.f32.s32 v1;
	_ =	sdelay $0x1  }
0x16: {  	(xrf0) =	vadd.scan.msk.s32 $0xffff, v1;
	_ =	sdelay $0x2  }
0x17: {  	v2 =	vmov s9  }
0x18: {  	v2 =	vadd.s32 $0xFFFFFFFF, v2  }
0x19: {  	v2 =	vbroadcast v2, $0x0  }
0x1a: {  	v3, _, _ =	vpop (xrf0)  }
0x1b: {  	v4 =	vsub.s32 $0x1, v1;
	v2 =	vadd.s32 v3, v2;
	(v2sf) =	vpush v3, $0xF  }
0x1c: {  	v1 =	vmul.u32 v1, v2;
	v2 =	vmul.u32 $0x40F, v4;
	_ =	sdelay $0x1  }
0x1d: {  	v1 =	vadd.s32 v2, v1;
	_ =	sdelay $0x3  }
0x1e: {  	v2 =	vor.u32 s2, v0  }
0x1f: {  	s12 =	simm.s32 $0x10;
	s11 =	simm.s32 $0x80;
	s10 =	smov.u32 s2;
	[tilespmem:v1+s7+$0x0] =	vst.idx.msk $0xffff, v2  }
.LBB2_3:
0x20: {  	p1 =	sne.s32 s11, $0x3FC0;
	v1 =	vld [tilespmem:s12+$0x0];
	_ =	sdelay $0x4  }
0x21: {  	v1 =	vtrunc.f32 v1  }
0x22: {  	v1 =	vcvt.f32.s32 v1;
	s12 =	spop (v2sf)  }
0x23: {  	s9 =	sadd.s32 s9, s12  }
0x24: {  	v2 =	vmov s9;
	v3 =	vsub.s32 $0x1, v1;
	(xrf0) =	vadd.scan.msk.s32 $0xffff, v1  }
0x25: {  	v2 =	vadd.s32 $0xFFFFFFFF, v2  }
0x26: {  	v2 =	vbroadcast v2, $0x0;
	_ =	sdelay $0x3  }
0x27: {  	v4, _, _ =	vpop (xrf0)  }
0x28: {  	v2 =	vadd.s32 v4, v2;
	(v2sf) =	vpush v4, $0xF  }
0x29: {  	v1 =	vmul.u32 v1, v2;
	v2 =	vmul.u32 $0x40F, v3;
	_ =	sdelay $0x1  }
0x2a: {  	v1 =	vadd.s32 v2, v1  }
.Ltmp1:
0x2b: {  	(pc) =	sbr.rel @p1 .LBB2_3-.Ltmp1, $4  }
0x2c: {  	_ = 	snop  }
0x2d: {  	s10 =	sadd.s32 $0x10, s10  }
0x2e: {  	v2 =	vor.u32 s10, v0  }
0x2f: {  	s12 =	sshra.s32 s11, $0x2;
	s11 =	sadd.s32 $0x40, s11;
	[tilespmem:v1+s7+$0x0] =	vst.idx.msk $0xffff, v2  }
0x30: {  	v1 =	vld [tilespmem:s12+$0x0];
	_ =	sdelay $0x4  }
0x31: {  	v1 =	vtrunc.f32 v1  }
0x32: {  	v1 =	vcvt.f32.s32 v1;
	_ =	sdelay $0x1  }
0x33: {  	(xrf0) =	vadd.scan.msk.s32 $0xffff, v1;
	_ =	sdelay $0x4  }
0x34: {  	s11 =	spop (v2sf)  }
0x35: {  	s9 =	sadd.s32 s9, s11;
	v2, _, _ =	vpop (xrf0)  }
0x36: {  	v3 =	vmov s9;
	(v2sf) =	vpush v2, $0xF  }
0x37: {  	v3 =	vadd.s32 $0xFFFFFFFF, v3  }
0x38: {  	v3 =	vbroadcast v3, $0x0;
	_ =	sdelay $0x1  }
0x39: {  	v4 =	vsub.s32 $0x1, v1;
	v2 =	vadd.s32 v2, v3  }
0x3a: {  	v1 =	vmul.u32 v1, v2;
	v2 =	vmul.u32 $0x40F, v4;
	_ =	sdelay $0x1  }
0x3b: {  	v1 =	vadd.s32 v2, v1;
	_ =	sdelay $0x2  }
0x3c: {  	s30 =	sadd.s32 $0x10, s10  }
0x3d: {  	s8 =	sadd.s32 $0x1, s8;
	v2 =	vor.u32 s30, v0  }
0x3e: {  	p1 =	sne.s32 s8, s5;
	[tilespmem:v1+s7+$0x0] =	vst.idx.msk $0xffff, v2  }
0x3f: {  	[hbm4b:s3+s1] =	stream.linear.scatter [tilespmem:s7], [sflag:$0x1], $0x400, $0x38;
	[tilespmem:$0x1480] =	vst v63  }
.Ltmp2:
0x40: {  	_ = 	snop;
	(pc) =	sbr.rel @p1 .LBB2_2-.Ltmp2, $4  }
0x41: {  	s31 =	spop (v2sf)  }
0x42: {  	_ =	swait.ge [sflag:s6], $0x400  }
0x43: {  	[sflag:s6] =	ssyncset.done $0x0  }
0x44: {  	[sflag:s6] =	ssyncadd.s32 $0xFFFFFC00  }
.LBB2_5:
0x45: {  	_ =	sfence.sel $0x180000  }
0x46: {  	[bflag:$0x0] =	sbarrier.arrive $0xFFFF  }
0x47: {  	_ =	strace $0x90000047  }
0x48: {  	s0 =	sadd.s32 @!p0 $0x100000, s0;
	[bflag:$0x2] =	sbarrier.arrive $0xFFFF  }
0x49: {  	[sflag:s0] =	ssyncadd.tile.s32 @!p0 $0x1;
	_ =	shalt  }
.Lfunc_end2:
_tile_overlayer_lowered:
.L_overlay_start_2:
0x4a: {  	(tag) =	ssettag $0x2  }
0x4b: {  	s0 =	rddreg [dreg:$0x0];
	s2 =	stileid.u32  }
0x4c: {  	s1 =	rddreg [dreg:$0x1];
	p0 =	sne.s32 s2, $0x0  }
0x4d: {  	s3 =	rddreg [dreg:$0x2];
	[bflag:$0x3] =	sbarrier.arrive $0xFFFF;
	s2 =	simm.s32 @!p0 $0x1C01  }
0x4e: {  	[timem:s3], [sflag:s2] =	dma.local @!p0 [hbm:s0], s1  }
0x4f: {  	s0 =	simm.s32 @!p0 $0x1  }
0x50: {  	_ =	swait.ge @!p0 [sflag:s0], s1  }
0x51: {  	s1 =	ssub.s32 @!p0 $0x0, s1;
	[sflag:s0] =	ssyncset.done @!p0 $0x0  }
0x52: {  	[sflag:s0] =	ssyncadd.s32 @!p0 s1  }
0x53: {  	[bflag:$0x3] =	sbarrier.arrive $0xFFFF  }
0x54: {  	_ =	shalt  }

</sc_bundles>
